<compile_context>
chip_gen: v7x
topology: tpu7x:2x2x1
jax: 0.10.2.dev20260603
libtpu: 0.0.44.dev20260713+nightly
codegen_flags: <defaults>
</compile_context>

<pallas_src>
import functools

import numpy as np
import jax
import jax.numpy as jnp
from jax import lax
from jax.experimental import pallas as pl
from jax.experimental.pallas import tpu as pltpu
from jax.experimental.pallas import tpu_sc as plsc

N = 10000
E = 160000
DF = 128
DE = 16
H1 = 32
H2 = 16

NC = 2
NS = 16
NW = NC * NS
CHUNK = 128
CPW = 40
CPW0 = 60
CPW1 = 20
IDXPAD = CPW0 * CHUNK
E_PAD = NW * CPW * CHUNK
N_PAD = 10240
SLAB = N_PAD // NS

@functools.lru_cache(None)
def _sc_mesh():
  return plsc.VectorSubcoreMesh(
      core_axis_name="c", subcore_axis_name="s", num_cores=NC, num_subcores=NS)


NB = 4
IPW = CPW // NB


def _make_gather(D):

  def body(table_hbm, idx_hbm, out_hbm, idx_v, r0, r1, r2, r3,
           g0, g1, g2, g3, w0, w1, w2, w3):
    rows = [r0, r1, r2, r3]
    gs = [g0, g1, g2, g3]
    ws = [w0, w1, w2, w3]
    cid = lax.axis_index("c")
    sid = lax.axis_index("s")
    n4 = jnp.where(cid == 0, CPW0 // NB, CPW1 // NB)
    base = jnp.where(cid == 0, sid * CPW0, NS * CPW0 + sid * CPW1) * CHUNK
    pltpu.sync_copy(idx_hbm.at[pl.ds(base, CPW0 * CHUNK)], idx_v)

    def outer(j4, carry):
      for b in range(NB):
        j = j4 * NB + b

        @pl.when(j4 > 0)
        def _():
          pltpu.make_async_copy(
              rows[b], out_hbm.at[pl.ds(base, CHUNK)], ws[b]).wait()

        pltpu.async_copy(
            table_hbm.at[idx_v.at[pl.ds(j * CHUNK, CHUNK)]], rows[b], gs[b])
      for b in range(NB):
        j = j4 * NB + b
        pltpu.make_async_copy(
            table_hbm.at[idx_v.at[pl.ds(j * CHUNK, CHUNK)]], rows[b],
            gs[b]).wait()
        pltpu.async_copy(rows[b], out_hbm.at[pl.ds(base + j * CHUNK, CHUNK)],
                         ws[b])
      return carry

    lax.fori_loop(0, n4, outer, 0)
    for b in range(NB):
      pltpu.make_async_copy(
          rows[b], out_hbm.at[pl.ds(base, CHUNK)], ws[b]).wait()

  params = (pltpu.CompilerParams() if D % 128 == 0 else
            pltpu.CompilerParams(use_tc_tiling_on_sc=False))
  return pl.kernel(
      body,
      out_type=jax.ShapeDtypeStruct((E_PAD, D), jnp.float32),
      mesh=_sc_mesh(),
      compiler_params=params,
      scratch_types=(
          [pltpu.VMEM((CPW0 * CHUNK,), jnp.int32)]
          + [pltpu.VMEM((CHUNK, D), jnp.float32)] * NB
          + [pltpu.SemaphoreType.DMA] * (2 * NB)
      ),
  )


def _make_scatter(D):

  def body(msg_hbm, dst2_hbm, zeros_hbm, out_hbm, idx_v, m0, m1, m2, m3,
           aggr, s0, s1, s2, s3):
    msgs = [m0, m1, m2, m3]
    ms = [s0, s1, s2, s3]
    cid = lax.axis_index("c")
    sid = lax.axis_index("s")
    wid = sid * NC + cid
    pltpu.sync_copy(zeros_hbm.at[pl.ds(sid * SLAB, SLAB)],
                    aggr.at[pl.ds(sid * SLAB, SLAB)])
    pltpu.sync_copy(dst2_hbm.at[pl.ds(wid * CPW, CPW)], idx_v)
    plsc.subcore_barrier()
    base = wid * CPW * CHUNK
    for b in range(NB):
      pltpu.async_copy(msg_hbm.at[pl.ds(base + b * CHUNK, CHUNK)], msgs[b],
                       ms[b])

    def outer(j4, carry):
      for b in range(NB):
        j = j4 * NB + b
        pltpu.make_async_copy(
            msg_hbm.at[pl.ds(base, CHUNK)], msgs[b], ms[b]).wait()
        pltpu.sync_copy(msgs[b], aggr.at[idx_v.at[j]], add=True)

        @pl.when(j4 < IPW - 1)
        def _():
          pltpu.async_copy(
              msg_hbm.at[pl.ds(base + (j + NB) * CHUNK, CHUNK)], msgs[b],
              ms[b])
      return carry

    lax.fori_loop(0, IPW, outer, 0)
    plsc.subcore_barrier()
    out_off = cid * N_PAD + sid * SLAB
    pltpu.sync_copy(aggr.at[pl.ds(sid * SLAB, SLAB)],
                    out_hbm.at[pl.ds(out_off, SLAB)])

  return pl.kernel(
      body,
      out_type=jax.ShapeDtypeStruct((NC * N_PAD, D), jnp.float32),
      mesh=_sc_mesh(),
      compiler_params=pltpu.CompilerParams(use_tc_tiling_on_sc=False),
      scratch_types=(
          [pltpu.VMEM((CPW, CHUNK), jnp.int32)]
          + [pltpu.VMEM((CHUNK, D), jnp.float32)] * NB
          + [pltpu.VMEM_SHARED((N_PAD, D), jnp.float32)]
          + [pltpu.SemaphoreType.DMA] * NB
      ),
  )


_make_gather = functools.lru_cache(None)(_make_gather)
_make_scatter = functools.lru_cache(None)(_make_scatter)


def _msg_body(xs_ref, ea_ref, Wa_ref, ba_ref, M_ref, R_ref, u_ref, S_ref,
              out_ref):
  f32 = jnp.float32
  bf16 = jnp.bfloat16
  h = jnp.maximum(
      jnp.dot(ea_ref[...], Wa_ref[...], preferred_element_type=f32)
      + ba_ref[...], 0.0)
  T = jnp.dot(xs_ref[...].astype(bf16), M_ref[...].astype(bf16),
              preferred_element_type=f32)
  hrep = jnp.dot(h.astype(bf16), R_ref[...].astype(bf16),
                 preferred_element_type=f32) + u_ref[...]
  out_ref[...] = jnp.dot((T * hrep).astype(bf16), S_ref[...].astype(bf16),
                         preferred_element_type=f32)


def _msg_call(xs, ea, Wa, ba, M, R, u, S, cout, be=1280):
  cin = xs.shape[1]
  dw = M.shape[1]
  last = E // be - 1
  return pl.pallas_call(
      _msg_body,
      grid=(E_PAD // be,),
      in_specs=[
          pl.BlockSpec((be, cin), lambda i: (i, 0)),
          pl.BlockSpec((be, DE), lambda i: (jnp.minimum(i, last), 0)),
          pl.BlockSpec((DE, 128), lambda i: (0, 0)),
          pl.BlockSpec((1, 128), lambda i: (0, 0)),
          pl.BlockSpec((cin, dw), lambda i: (0, 0)),
          pl.BlockSpec((128, dw), lambda i: (0, 0)),
          pl.BlockSpec((1, dw), lambda i: (0, 0)),
          pl.BlockSpec((dw, cout), lambda i: (0, 0)),
      ],
      out_specs=pl.BlockSpec((be, cout), lambda i: (i, 0)),
      out_shape=jax.ShapeDtypeStruct((E_PAD, cout), jnp.float32),
  )(xs, ea, Wa, ba, M, R, u, S)


def _node1_body(p0_ref, p1_ref, x_ref, root_ref, bias_ref, out_ref):
  agg = p0_ref[...] + p1_ref[...]
  out_ref[...] = jnp.maximum(
      agg + jnp.dot(x_ref[...], root_ref[...],
                    preferred_element_type=jnp.float32) + bias_ref[...], 0.0)


def _node1_call(p0, p1, x, root, bias, bn=2000):
  cin = x.shape[1]
  cout = root.shape[1]
  return pl.pallas_call(
      _node1_body,
      grid=(N // bn,),
      in_specs=[
          pl.BlockSpec((bn, cout), lambda i: (i, 0)),
          pl.BlockSpec((bn, cout), lambda i: (i, 0)),
          pl.BlockSpec((bn, cin), lambda i: (i, 0)),
          pl.BlockSpec((cin, cout), lambda i: (0, 0)),
          pl.BlockSpec((1, cout), lambda i: (0, 0)),
      ],
      out_specs=pl.BlockSpec((bn, cout), lambda i: (i, 0)),
      out_shape=jax.ShapeDtypeStruct((N, cout), jnp.float32),
  )(p0, p1, x, root, bias)


def _node2_body(p0_ref, p1_ref, y1_ref, root_ref, bias_ref, w1_ref, c1_ref,
                w2_ref, c2_ref, out_ref):
  f32 = jnp.float32
  agg = p0_ref[...] + p1_ref[...]
  y2 = jnp.maximum(
      agg + jnp.dot(y1_ref[...], root_ref[...], preferred_element_type=f32)
      + bias_ref[...], 0.0)
  h3 = jnp.maximum(
      jnp.dot(y2, w1_ref[...], preferred_element_type=f32) + c1_ref[...], 0.0)
  out_ref[...] = jnp.dot(h3, w2_ref[...],
                         preferred_element_type=f32) + c2_ref[...]


def _node2_call(p0, p1, y1, root, bias, w1, c1, w2, c2, bn=2000):
  return pl.pallas_call(
      _node2_body,
      grid=(N // bn,),
      in_specs=[
          pl.BlockSpec((bn, H2), lambda i: (i, 0)),
          pl.BlockSpec((bn, H2), lambda i: (i, 0)),
          pl.BlockSpec((bn, H1), lambda i: (i, 0)),
          pl.BlockSpec((H1, H2), lambda i: (0, 0)),
          pl.BlockSpec((1, H2), lambda i: (0, 0)),
          pl.BlockSpec((H2, 8), lambda i: (0, 0)),
          pl.BlockSpec((1, 8), lambda i: (0, 0)),
          pl.BlockSpec((8, 1), lambda i: (0, 0)),
          pl.BlockSpec((1, 1), lambda i: (0, 0)),
      ],
      out_specs=pl.BlockSpec((bn, 1), lambda i: (i, 0)),
      out_shape=jax.ShapeDtypeStruct((N, 1), jnp.float32),
  )(p0, p1, y1, root, bias, w1, c1, w2, c2)


def _repmat(cout):
  r = np.zeros((128, 17 * cout), np.float32)
  for k in range(16):
    r[k, k * cout:(k + 1) * cout] = 1.0
  u = np.concatenate(
      [np.zeros((16 * cout,), np.float32), np.ones((cout,), np.float32)])
  s = np.tile(np.eye(cout, dtype=np.float32), (17, 1))
  return r, u.reshape(1, -1), s


_R1, _U1, _S1 = _repmat(H1)
_R2, _U2, _S2 = _repmat(H2)


def kernel(x, edge_index, edge_attr, W1a, b1a, W1b, b1b, root1, bias1,
           W2a, b2a, W2b, b2b, root2, bias2, lin1_w, lin1_b, lin2_w, lin2_b):
  src = edge_index[0]
  dst = edge_index[1]
  pad = E_PAD - E
  src_p = jnp.concatenate([src, jnp.zeros((pad + IDXPAD,), jnp.int32)])
  dst_p = jnp.concatenate([dst, jnp.full((pad,), N, jnp.int32)])

  M1 = jnp.concatenate([
      W1b.reshape(16, DF, H1).transpose(1, 0, 2).reshape(DF, 16 * H1),
      b1b.reshape(DF, H1)], axis=1)
  M2 = jnp.concatenate([
      W2b.reshape(16, H1, H2).transpose(1, 0, 2).reshape(H1, 16 * H2),
      b2b.reshape(H1, H2)], axis=1)

  z1 = jnp.zeros((N_PAD, H1), jnp.float32)
  z2 = jnp.zeros((N_PAD, H2), jnp.float32)

  xs = _make_gather(DF)(x, src_p)
  W1a_p = jnp.pad(W1a, ((0, 0), (0, 112)))
  b1a_p = jnp.pad(b1a, (0, 112)).reshape(1, 128)
  msg1 = _msg_call(xs, edge_attr, W1a_p, b1a_p, M1, _R1, _U1, _S1, H1)
  dst2 = dst_p.reshape(E_PAD // CHUNK, CHUNK)
  p1 = _make_scatter(H1)(msg1, dst2, z1)
  y1 = _node1_call(p1[:N], p1[N_PAD:N_PAD + N], x, root1,
                   bias1.reshape(1, H1))

  ys = _make_gather(H1)(y1, src_p)
  W2a_p = jnp.pad(W2a, ((0, 0), (0, 112)))
  b2a_p = jnp.pad(b2a, (0, 112)).reshape(1, 128)
  msg2 = _msg_call(ys, edge_attr, W2a_p, b2a_p, M2, _R2, _U2, _S2, H2)
  p2 = _make_scatter(H2)(msg2, dst2, z2)
  out = _node2_call(p2[:N], p2[N_PAD:N_PAD + N], y1, root2,
                    bias2.reshape(1, H2), lin1_w, lin1_b.reshape(1, 8),
                    lin2_w, lin2_b.reshape(1, 1))
  return out

# --- scband reference (transcript-rebuilt; emitter-appended) ---
"""Pipeline reference for scband-nnconv-single-archtiecture-42021960024097 (READ-ONLY COPY).

The authoritative reference and input builder live on the scoring server;
editing this copy changes nothing except your own understanding.
"""

import jax, jax.numpy as jnp
import numpy as np

N = 10000
E = 160000
DF = 128
DE = 16
H1 = 32
H2 = 16


def setup_inputs(seed: int = 0) -> dict:
    key = jax.random.key(seed)
    ks = jax.random.split(key, 16)
    def nrm(k, shape, scale):
        return jax.random.normal(k, shape, dtype=jnp.float32) * scale
    inp = {}
    inp['x'] = jax.random.normal(ks[0], (N, DF), dtype=jnp.float32)
    inp['edge_index'] = jax.random.randint(ks[1], (2, E), 0, N, dtype=jnp.int32)
    inp['edge_attr'] = jax.random.normal(ks[2], (E, DE), dtype=jnp.float32)
    inp['W1a'] = nrm(ks[3], (DE, 16), (1.0 / DE) ** 0.5)
    inp['b1a'] = jnp.zeros((16,), jnp.float32)
    inp['W1b'] = nrm(ks[4], (16, DF * H1), 0.25)
    inp['b1b'] = jnp.zeros((DF * H1,), jnp.float32)
    inp['root1'] = nrm(ks[5], (DF, H1), (1.0 / DF) ** 0.5)
    inp['bias1'] = jnp.zeros((H1,), jnp.float32)
    inp['W2a'] = nrm(ks[6], (DE, 16), (1.0 / DE) ** 0.5)
    inp['b2a'] = jnp.zeros((16,), jnp.float32)
    inp['W2b'] = nrm(ks[7], (16, H1 * H2), 0.25)
    inp['b2b'] = jnp.zeros((H1 * H2,), jnp.float32)
    inp['root2'] = nrm(ks[8], (H1, H2), (1.0 / H1) ** 0.5)
    inp['bias2'] = jnp.zeros((H2,), jnp.float32)
    inp['lin1_w'] = nrm(ks[9], (H2, 8), (1.0 / H2) ** 0.5)
    inp['lin1_b'] = jnp.zeros((8,), jnp.float32)
    inp['lin2_w'] = nrm(ks[10], (8, 1), (1.0 / 8) ** 0.5)
    inp['lin2_b'] = jnp.zeros((1,), jnp.float32)
    return inp


def _nnconv(x, src, dst, ea, Wa, ba, Wb, bb, root, bias, cin, cout):
    # edge network: MLP(edge_attr) -> per-edge weight matrix [E, cin, cout]
    h = jax.nn.relu(ea @ Wa + ba)
    w = (h @ Wb + bb).reshape(-1, cin, cout)
    # message: x_src[e] @ W_e  (gather + per-edge matvec)
    msg = jnp.einsum('ei,eio->eo', x[src], w)
    # aggregate: scatter-add by destination node (NNConv default aggr='add')
    aggr = jax.ops.segment_sum(msg, dst, num_segments=N)
    # root weight + bias
    return aggr + x @ root + bias


def reference(x, edge_index, edge_attr, W1a, b1a, W1b, b1b, root1, bias1, W2a, b2a, W2b, b2b, root2, bias2, lin1_w, lin1_b, lin2_w, lin2_b):
    src = edge_index[0]
    dst = edge_index[1]
    h = jax.nn.relu(_nnconv(x, src, dst, edge_attr, W1a, b1a, W1b, b1b, root1, bias1, DF, H1))
    h = jax.nn.relu(_nnconv(h, src, dst, edge_attr, W2a, b2a, W2b, b2b, root2, bias2, H1, H2))
    h = jax.nn.relu(h @ lin1_w + lin1_b)
    out = h @ lin2_w + lin2_b
    return out

if __name__ == "__main__":
    import jax
    _d = setup_inputs()
    print(jax.jit(kernel)(*tuple(_d.values())))

</pallas_src>

<mosaic_0001>
#map = affine_map<(d0, d1) -> (0, 0)>
#map1 = affine_map<(d0, d1) -> (0)>
module attributes {stable_mosaic.version = 14 : i64} {
  func.func @body(%arg0: i32, %arg1: i32, %arg2: memref<10000x128xf32, #tpu.memory_space<hbm>>, %arg3: memref<171520xi32, #tpu.memory_space<hbm>>, %arg4: memref<163840x128xf32, #tpu.memory_space<hbm>>, %arg5: memref<7680xi32, #tpu.memory_space<vmem>>, %arg6: memref<128x128xf32, #tpu.memory_space<vmem>>, %arg7: memref<128x128xf32, #tpu.memory_space<vmem>>, %arg8: memref<128x128xf32, #tpu.memory_space<vmem>>, %arg9: memref<128x128xf32, #tpu.memory_space<vmem>>, %arg10: memref<!tpu.dma_semaphore, #tpu.memory_space<semaphore_mem>>, %arg11: memref<!tpu.dma_semaphore, #tpu.memory_space<semaphore_mem>>, %arg12: memref<!tpu.dma_semaphore, #tpu.memory_space<semaphore_mem>>, %arg13: memref<!tpu.dma_semaphore, #tpu.memory_space<semaphore_mem>>, %arg14: memref<!tpu.dma_semaphore, #tpu.memory_space<semaphore_mem>>, %arg15: memref<!tpu.dma_semaphore, #tpu.memory_space<semaphore_mem>>, %arg16: memref<!tpu.dma_semaphore, #tpu.memory_space<semaphore_mem>>, %arg17: memref<!tpu.dma_semaphore, #tpu.memory_space<semaphore_mem>>) attributes {dimension_semantics = [#tpu.dimension_semantics<core_parallel>, #tpu.dimension_semantics<subcore_parallel>], iteration_bounds = array<i64: 2, 16>, scalar_prefetch = 0 : i64, scratch_operands = 13 : i64, tpu.core_type = #tpu.core_type<sc_vector_subcore>, window_params = [{transform_indices = #map}, {transform_indices = #map1}, {transform_indices = #map}]} {
    %eq3A = arith.constant 0 : i32
    %eq3A_0 = arith.cmpi eq, %arg0, %eq3A : i32
    %jit3A = arith.constant 15 : i32
    %jit3A_1 = arith.constant 5 : i32
    %select_n3A = arith.select %eq3A_0, %jit3A, %jit3A_1 : i32
    %eq3A_2 = arith.constant 0 : i32
    %eq3A_3 = arith.cmpi eq, %arg0, %eq3A_2 : i32
    %mul3A = arith.constant 60 : i32
    %mul3A_4 = arith.muli %arg1, %mul3A : i32
    %mul3A_5 = arith.constant 20 : i32
    %mul3A_6 = arith.muli %arg1, %mul3A_5 : i32
    %add3A = arith.constant 960 : i32
    %add3A_7 = arith.addi %add3A, %mul3A_6 : i32
    %select_n3A_8 = arith.select %eq3A_3, %mul3A_4, %add3A_7 : i32
    %mul3A_9 = arith.constant 128 : i32
    %mul3A_10 = arith.muli %select_n3A_8, %mul3A_9 : i32
    "tpu.region"() ({
      %run_scoped3A = tpu.sem_alloc : memref<!tpu.dma_semaphore, #tpu.memory_space<semaphore_mem>>
      %dma_start3A = tpu.memref_slice %arg3[%mul3A_10] : memref<171520xi32, #tpu.memory_space<hbm>> -> memref<7680xi32, #tpu.memory_space<hbm>>
      %dma_start3A_35 = tpu.memref_slice %arg3[%mul3A_10] : memref<171520xi32, #tpu.memory_space<hbm>> -> memref<7680xi32, #tpu.memory_space<hbm>>
      tpu.enqueue_dma source(%dma_start3A_35 : memref<7680xi32, #tpu.memory_space<hbm>>) target(%arg5 : memref<7680xi32, #tpu.memory_space<vmem>>) target_semaphore(%run_scoped3A : memref<!tpu.dma_semaphore, #tpu.memory_space<semaphore_mem>>)
      %dma_wait3A_36 = tpu.memref_slice %arg3[%mul3A_10] : memref<171520xi32, #tpu.memory_space<hbm>> -> memref<7680xi32, #tpu.memory_space<hbm>>
      %dma_wait3A_37 = tpu.memref_slice %arg3[%mul3A_10] : memref<171520xi32, #tpu.memory_space<hbm>> -> memref<7680xi32, #tpu.memory_space<hbm>>
      tpu.wait_dma2 semaphore(%run_scoped3A : memref<!tpu.dma_semaphore, #tpu.memory_space<semaphore_mem>>) src(%dma_wait3A_37 : memref<7680xi32, #tpu.memory_space<hbm>>) dst(%arg5 : memref<7680xi32, #tpu.memory_space<vmem>>)
      tpu.yield
    }) : () -> ()
    %while3A = arith.constant 0 : i32
    %while3A_11 = arith.constant 0 : i32
    %while3A_12 = arith.subi %select_n3A, %while3A_11 : i32
    %while3A_13 = arith.addi %while3A_11, %while3A_12 : i32
    %while3A_14 = arith.constant 1 : i32
    %while3A_15 = arith.divsi %while3A_12, %while3A_14 : i32
    %while3A_16 = arith.muli %while3A_15, %while3A_14 : i32
    %while3A_17 = arith.addi %while3A_11, %while3A_16 : i32
    %while3A_18 = arith.constant 1 : i32
    scf.for %while3A_35 = %while3A_11 to %while3A_17 step %while3A_18  : i32 {
      %mul3A_36 = arith.constant 4 : i32
      %mul3A_37 = arith.muli %while3A_35, %mul3A_36 : i32
      %add3A_38 = arith.constant 0 : i32
      %add3A_39 = arith.addi %mul3A_37, %add3A_38 : i32
      %gt3A = arith.constant 0 : i32
      %gt3A_40 = arith.cmpi sgt, %while3A_35, %gt3A : i32
      %convert_element_type3A = arith.extui %gt3A_40 : i1 to i32
      %cond3A = arith.constant 0 : i32
      %cond3A_41 = arith.cmpi ne, %convert_element_type3A, %cond3A : i32
      scf.if %cond3A_41 {
        %dma_wait3A_160 = arith.constant 0 : i32
        %dma_wait3A_161 = tpu.memref_slice %arg4[%mul3A_10, %dma_wait3A_160] : memref<163840x128xf32, #tpu.memory_space<hbm>> -> memref<128x128xf32, #tpu.memory_space<hbm>>
        %dma_wait3A_162 = arith.constant 0 : i32
        %dma_wait3A_163 = tpu.memref_slice %arg4[%mul3A_10, %dma_wait3A_162] : memref<163840x128xf32, #tpu.memory_space<hbm>> -> memref<128x128xf32, #tpu.memory_space<hbm>>
        tpu.wait_dma2 semaphore(%arg14 : memref<!tpu.dma_semaphore, #tpu.memory_space<semaphore_mem>>) src(%arg6 : memref<128x128xf32, #tpu.memory_space<vmem>>) dst(%dma_wait3A_163 : memref<128x128xf32, #tpu.memory_space<hbm>>)
      } else {
      }
      %mul3A_42 = arith.constant 128 : i32
      %mul3A_43 = arith.muli %add3A_39, %mul3A_42 : i32
      %dma_start3A = tpu.memref_slice %arg5[%mul3A_43] : memref<7680xi32, #tpu.memory_space<vmem>> -> memref<128xi32, #tpu.memory_space<vmem>>
      %dma_start3A_44 = arith.constant 0 : i32
      %dma_start3A_45 = arith.constant 0 : i32
      %dma_start3A_46 = tpu.memref_slice %arg2[%dma_start3A_44, %dma_start3A_45] : memref<10000x128xf32, #tpu.memory_space<hbm>> -> memref<10000x128xf32, #tpu.memory_space<hbm>>
      tpu.enqueue_indirect_dma source(%dma_start3A_46 : memref<10000x128xf32, #tpu.memory_space<hbm>>) target(%arg6 : memref<128x128xf32, #tpu.memory_space<vmem>>) offsets(%dma_start3A : memref<128xi32, #tpu.memory_space<vmem>>) semaphore(%arg10 : memref<!tpu.dma_semaphore, #tpu.memory_space<semaphore_mem>>)
      %mul3A_47 = arith.constant 4 : i32
      %mul3A_48 = arith.muli %while3A_35, %mul3A_47 : i32
      %add3A_49 = arith.constant 1 : i32
      %add3A_50 = arith.addi %mul3A_48, %add3A_49 : i32
      %gt3A_51 = arith.constant 0 : i32
      %gt3A_52 = arith.cmpi sgt, %while3A_35, %gt3A_51 : i32
      %convert_element_type3A_53 = arith.extui %gt3A_52 : i1 to i32
      %cond3A_54 = arith.constant 0 : i32
      %cond3A_55 = arith.cmpi ne, %convert_element_type3A_53, %cond3A_54 : i32
      scf.if %cond3A_55 {
        %dma_wait3A_160 = arith.constant 0 : i32
        %dma_wait3A_161 = tpu.memref_slice %arg4[%mul3A_10, %dma_wait3A_160] : memref<163840x128xf32, #tpu.memory_space<hbm>> -> memref<128x128xf32, #tpu.memory_space<hbm>>
        %dma_wait3A_162 = arith.constant 0 : i32
        %dma_wait3A_163 = tpu.memref_slice %arg4[%mul3A_10, %dma_wait3A_162] : memref<163840x128xf32, #tpu.memory_space<hbm>> -> memref<128x128xf32, #tpu.memory_space<hbm>>
        tpu.wait_dma2 semaphore(%arg15 : memref<!tpu.dma_semaphore, #tpu.memory_space<semaphore_mem>>) src(%arg7 : memref<128x128xf32, #tpu.memory_space<vmem>>) dst(%dma_wait3A_163 : memref<128x128xf32, #tpu.memory_space<hbm>>)
      } else {
      }
      %mul3A_56 = arith.constant 128 : i32
      %mul3A_57 = arith.muli %add3A_50, %mul3A_56 : i32
      %dma_start3A_58 = tpu.memref_slice %arg5[%mul3A_57] : memref<7680xi32, #tpu.memory_space<vmem>> -> memref<128xi32, #tpu.memory_space<vmem>>
      %dma_start3A_59 = arith.constant 0 : i32
      %dma_start3A_60 = arith.constant 0 : i32
      %dma_start3A_61 = tpu.memref_slice %arg2[%dma_start3A_59, %dma_start3A_60] : memref<10000x128xf32, #tpu.memory_space<hbm>> -> memref<10000x128xf32, #tpu.memory_space<hbm>>
      tpu.enqueue_indirect_dma source(%dma_start3A_61 : memref<10000x128xf32, #tpu.memory_space<hbm>>) target(%arg7 : memref<128x128xf32, #tpu.memory_space<vmem>>) offsets(%dma_start3A_58 : memref<128xi32, #tpu.memory_space<vmem>>) semaphore(%arg11 : memref<!tpu.dma_semaphore, #tpu.memory_space<semaphore_mem>>)
      %mul3A_62 = arith.constant 4 : i32
      %mul3A_63 = arith.muli %while3A_35, %mul3A_62 : i32
      %add3A_64 = arith.constant 2 : i32
      %add3A_65 = arith.addi %mul3A_63, %add3A_64 : i32
      %gt3A_66 = arith.constant 0 : i32
      %gt3A_67 = arith.cmpi sgt, %while3A_35, %gt3A_66 : i32
      %convert_element_type3A_68 = arith.extui %gt3A_67 : i1 to i32
      %cond3A_69 = arith.constant 0 : i32
      %cond3A_70 = arith.cmpi ne, %convert_element_type3A_68, %cond3A_69 : i32
      scf.if %cond3A_70 {
        %dma_wait3A_160 = arith.constant 0 : i32
        %dma_wait3A_161 = tpu.memref_slice %arg4[%mul3A_10, %dma_wait3A_160] : memref<163840x128xf32, #tpu.memory_space<hbm>> -> memref<128x128xf32, #tpu.memory_space<hbm>>
        %dma_wait3A_162 = arith.constant 0 : i32
        %dma_wait3A_163 = tpu.memref_slice %arg4[%mul3A_10, %dma_wait3A_162] : memref<163840x128xf32, #tpu.memory_space<hbm>> -> memref<128x128xf32, #tpu.memory_space<hbm>>
        tpu.wait_dma2 semaphore(%arg16 : memref<!tpu.dma_semaphore, #tpu.memory_space<semaphore_mem>>) src(%arg8 : memref<128x128xf32, #tpu.memory_space<vmem>>) dst(%dma_wait3A_163 : memref<128x128xf32, #tpu.memory_space<hbm>>)
      } else {
      }
      %mul3A_71 = arith.constant 128 : i32
      %mul3A_72 = arith.muli %add3A_65, %mul3A_71 : i32
      %dma_start3A_73 = tpu.memref_slice %arg5[%mul3A_72] : memref<7680xi32, #tpu.memory_space<vmem>> -> memref<128xi32, #tpu.memory_space<vmem>>
      %dma_start3A_74 = arith.constant 0 : i32
      %dma_start3A_75 = arith.constant 0 : i32
      %dma_start3A_76 = tpu.memref_slice %arg2[%dma_start3A_74, %dma_start3A_75] : memref<10000x128xf32, #tpu.memory_space<hbm>> -> memref<10000x128xf32, #tpu.memory_space<hbm>>
      tpu.enqueue_indirect_dma source(%dma_start3A_76 : memref<10000x128xf32, #tpu.memory_space<hbm>>) target(%arg8 : memref<128x128xf32, #tpu.memory_space<vmem>>) offsets(%dma_start3A_73 : memref<128xi32, #tpu.memory_space<vmem>>) semaphore(%arg12 : memref<!tpu.dma_semaphore, #tpu.memory_space<semaphore_mem>>)
      %mul3A_77 = arith.constant 4 : i32
      %mul3A_78 = arith.muli %while3A_35, %mul3A_77 : i32
      %add3A_79 = arith.constant 3 : i32
      %add3A_80 = arith.addi %mul3A_78, %add3A_79 : i32
      %gt3A_81 = arith.constant 0 : i32
      %gt3A_82 = arith.cmpi sgt, %while3A_35, %gt3A_81 : i32
      %convert_element_type3A_83 = arith.extui %gt3A_82 : i1 to i32
      %cond3A_84 = arith.constant 0 : i32
      %cond3A_85 = arith.cmpi ne, %convert_element_type3A_83, %cond3A_84 : i32
      scf.if %cond3A_85 {
        %dma_wait3A_160 = arith.constant 0 : i32
        %dma_wait3A_161 = tpu.memref_slice %arg4[%mul3A_10, %dma_wait3A_160] : memref<163840x128xf32, #tpu.memory_space<hbm>> -> memref<128x128xf32, #tpu.memory_space<hbm>>
        %dma_wait3A_162 = arith.constant 0 : i32
        %dma_wait3A_163 = tpu.memref_slice %arg4[%mul3A_10, %dma_wait3A_162] : memref<163840x128xf32, #tpu.memory_space<hbm>> -> memref<128x128xf32, #tpu.memory_space<hbm>>
        tpu.wait_dma2 semaphore(%arg17 : memref<!tpu.dma_semaphore, #tpu.memory_space<semaphore_mem>>) src(%arg9 : memref<128x128xf32, #tpu.memory_space<vmem>>) dst(%dma_wait3A_163 : memref<128x128xf32, #tpu.memory_space<hbm>>)
      } else {
      }
      %mul3A_86 = arith.constant 128 : i32
      %mul3A_87 = arith.muli %add3A_80, %mul3A_86 : i32
      %dma_start3A_88 = tpu.memref_slice %arg5[%mul3A_87] : memref<7680xi32, #tpu.memory_space<vmem>> -> memref<128xi32, #tpu.memory_space<vmem>>
      %dma_start3A_89 = arith.constant 0 : i32
      %dma_start3A_90 = arith.constant 0 : i32
      %dma_start3A_91 = tpu.memref_slice %arg2[%dma_start3A_89, %dma_start3A_90] : memref<10000x128xf32, #tpu.memory_space<hbm>> -> memref<10000x128xf32, #tpu.memory_space<hbm>>
      tpu.enqueue_indirect_dma source(%dma_start3A_91 : memref<10000x128xf32, #tpu.memory_space<hbm>>) target(%arg9 : memref<128x128xf32, #tpu.memory_space<vmem>>) offsets(%dma_start3A_88 : memref<128xi32, #tpu.memory_space<vmem>>) semaphore(%arg13 : memref<!tpu.dma_semaphore, #tpu.memory_space<semaphore_mem>>)
      %mul3A_92 = arith.constant 4 : i32
      %mul3A_93 = arith.muli %while3A_35, %mul3A_92 : i32
      %add3A_94 = arith.constant 0 : i32
      %add3A_95 = arith.addi %mul3A_93, %add3A_94 : i32
      %mul3A_96 = arith.constant 128 : i32
      %mul3A_97 = arith.muli %add3A_95, %mul3A_96 : i32
      %dma_wait3A_98 = tpu.memref_slice %arg5[%mul3A_97] : memref<7680xi32, #tpu.memory_space<vmem>> -> memref<128xi32, #tpu.memory_space<vmem>>
      %dma_wait3A_99 = arith.constant 0 : i32
      %dma_wait3A_100 = arith.constant 0 : i32
      %dma_wait3A_101 = tpu.memref_slice %arg2[%dma_wait3A_99, %dma_wait3A_100] : memref<10000x128xf32, #tpu.memory_space<hbm>> -> memref<10000x128xf32, #tpu.memory_space<hbm>>
      tpu.wait_indirect_dma semaphore(%arg10 : memref<!tpu.dma_semaphore, #tpu.memory_space<semaphore_mem>>) src(%dma_wait3A_101 : memref<10000x128xf32, #tpu.memory_space<hbm>>) dst(%arg6 : memref<128x128xf32, #tpu.memory_space<vmem>>)
      %mul3A_102 = arith.constant 128 : i32
      %mul3A_103 = arith.muli %add3A_95, %mul3A_102 : i32
      %add3A_104 = arith.addi %mul3A_10, %mul3A_103 : i32
      %dma_start3A_105 = arith.constant 0 : i32
      %dma_start3A_106 = tpu.memref_slice %arg4[%add3A_104, %dma_start3A_105] : memref<163840x128xf32, #tpu.memory_space<hbm>> -> memref<128x128xf32, #tpu.memory_space<hbm>>
      %dma_start3A_107 = arith.constant 0 : i32
      %dma_start3A_108 = tpu.memref_slice %arg4[%add3A_104, %dma_start3A_107] : memref<163840x128xf32, #tpu.memory_space<hbm>> -> memref<128x128xf32, #tpu.memory_space<hbm>>
      tpu.enqueue_dma source(%arg6 : memref<128x128xf32, #tpu.memory_space<vmem>>) target(%dma_start3A_108 : memref<128x128xf32, #tpu.memory_space<hbm>>) target_semaphore(%arg14 : memref<!tpu.dma_semaphore, #tpu.memory_space<semaphore_mem>>)
      %mul3A_109 = arith.constant 4 : i32
      %mul3A_110 = arith.muli %while3A_35, %mul3A_109 : i32
      %add3A_111 = arith.constant 1 : i32
      %add3A_112 = arith.addi %mul3A_110, %add3A_111 : i32
      %mul3A_113 = arith.constant 128 : i32
      %mul3A_114 = arith.muli %add3A_112, %mul3A_113 : i32
      %dma_wait3A_115 = tpu.memref_slice %arg5[%mul3A_114] : memref<7680xi32, #tpu.memory_space<vmem>> -> memref<128xi32, #tpu.memory_space<vmem>>
      %dma_wait3A_116 = arith.constant 0 : i32
      %dma_wait3A_117 = arith.constant 0 : i32
      %dma_wait3A_118 = tpu.memref_slice %arg2[%dma_wait3A_116, %dma_wait3A_117] : memref<10000x128xf32, #tpu.memory_space<hbm>> -> memref<10000x128xf32, #tpu.memory_space<hbm>>
      tpu.wait_indirect_dma semaphore(%arg11 : memref<!tpu.dma_semaphore, #tpu.memory_space<semaphore_mem>>) src(%dma_wait3A_118 : memref<10000x128xf32, #tpu.memory_space<hbm>>) dst(%arg7 : memref<128x128xf32, #tpu.memory_space<vmem>>)
      %mul3A_119 = arith.constant 128 : i32
      %mul3A_120 = arith.muli %add3A_112, %mul3A_119 : i32
      %add3A_121 = arith.addi %mul3A_10, %mul3A_120 : i32
      %dma_start3A_122 = arith.constant 0 : i32
      %dma_start3A_123 = tpu.memref_slice %arg4[%add3A_121, %dma_start3A_122] : memref<163840x128xf32, #tpu.memory_space<hbm>> -> memref<128x128xf32, #tpu.memory_space<hbm>>
      %dma_start3A_124 = arith.constant 0 : i32
      %dma_start3A_125 = tpu.memref_slice %arg4[%add3A_121, %dma_start3A_124] : memref<163840x128xf32, #tpu.memory_space<hbm>> -> memref<128x128xf32, #tpu.memory_space<hbm>>
      tpu.enqueue_dma source(%arg7 : memref<128x128xf32, #tpu.memory_space<vmem>>) target(%dma_start3A_125 : memref<128x128xf32, #tpu.memory_space<hbm>>) target_semaphore(%arg15 : memref<!tpu.dma_semaphore, #tpu.memory_space<semaphore_mem>>)
      %mul3A_126 = arith.constant 4 : i32
      %mul3A_127 = arith.muli %while3A_35, %mul3A_126 : i32
      %add3A_128 = arith.constant 2 : i32
      %add3A_129 = arith.addi %mul3A_127, %add3A_128 : i32
      %mul3A_130 = arith.constant 128 : i32
      %mul3A_131 = arith.muli %add3A_129, %mul3A_130 : i32
      %dma_wait3A_132 = tpu.memref_slice %arg5[%mul3A_131] : memref<7680xi32, #tpu.memory_space<vmem>> -> memref<128xi32, #tpu.memory_space<vmem>>
      %dma_wait3A_133 = arith.constant 0 : i32
      %dma_wait3A_134 = arith.constant 0 : i32
      %dma_wait3A_135 = tpu.memref_slice %arg2[%dma_wait3A_133, %dma_wait3A_134] : memref<10000x128xf32, #tpu.memory_space<hbm>> -> memref<10000x128xf32, #tpu.memory_space<hbm>>
      tpu.wait_indirect_dma semaphore(%arg12 : memref<!tpu.dma_semaphore, #tpu.memory_space<semaphore_mem>>) src(%dma_wait3A_135 : memref<10000x128xf32, #tpu.memory_space<hbm>>) dst(%arg8 : memref<128x128xf32, #tpu.memory_space<vmem>>)
      %mul3A_136 = arith.constant 128 : i32
      %mul3A_137 = arith.muli %add3A_129, %mul3A_136 : i32
      %add3A_138 = arith.addi %mul3A_10, %mul3A_137 : i32
      %dma_start3A_139 = arith.constant 0 : i32
      %dma_start3A_140 = tpu.memref_slice %arg4[%add3A_138, %dma_start3A_139] : memref<163840x128xf32, #tpu.memory_space<hbm>> -> memref<128x128xf32, #tpu.memory_space<hbm>>
      %dma_start3A_141 = arith.constant 0 : i32
      %dma_start3A_142 = tpu.memref_slice %arg4[%add3A_138, %dma_start3A_141] : memref<163840x128xf32, #tpu.memory_space<hbm>> -> memref<128x128xf32, #tpu.memory_space<hbm>>
      tpu.enqueue_dma source(%arg8 : memref<128x128xf32, #tpu.memory_space<vmem>>) target(%dma_start3A_142 : memref<128x128xf32, #tpu.memory_space<hbm>>) target_semaphore(%arg16 : memref<!tpu.dma_semaphore, #tpu.memory_space<semaphore_mem>>)
      %mul3A_143 = arith.constant 4 : i32
      %mul3A_144 = arith.muli %while3A_35, %mul3A_143 : i32
      %add3A_145 = arith.constant 3 : i32
      %add3A_146 = arith.addi %mul3A_144, %add3A_145 : i32
      %mul3A_147 = arith.constant 128 : i32
      %mul3A_148 = arith.muli %add3A_146, %mul3A_147 : i32
      %dma_wait3A_149 = tpu.memref_slice %arg5[%mul3A_148] : memref<7680xi32, #tpu.memory_space<vmem>> -> memref<128xi32, #tpu.memory_space<vmem>>
      %dma_wait3A_150 = arith.constant 0 : i32
      %dma_wait3A_151 = arith.constant 0 : i32
      %dma_wait3A_152 = tpu.memref_slice %arg2[%dma_wait3A_150, %dma_wait3A_151] : memref<10000x128xf32, #tpu.memory_space<hbm>> -> memref<10000x128xf32, #tpu.memory_space<hbm>>
      tpu.wait_indirect_dma semaphore(%arg13 : memref<!tpu.dma_semaphore, #tpu.memory_space<semaphore_mem>>) src(%dma_wait3A_152 : memref<10000x128xf32, #tpu.memory_space<hbm>>) dst(%arg9 : memref<128x128xf32, #tpu.memory_space<vmem>>)
      %mul3A_153 = arith.constant 128 : i32
      %mul3A_154 = arith.muli %add3A_146, %mul3A_153 : i32
      %add3A_155 = arith.addi %mul3A_10, %mul3A_154 : i32
      %dma_start3A_156 = arith.constant 0 : i32
      %dma_start3A_157 = tpu.memref_slice %arg4[%add3A_155, %dma_start3A_156] : memref<163840x128xf32, #tpu.memory_space<hbm>> -> memref<128x128xf32, #tpu.memory_space<hbm>>
      %dma_start3A_158 = arith.constant 0 : i32
      %dma_start3A_159 = tpu.memref_slice %arg4[%add3A_155, %dma_start3A_158] : memref<163840x128xf32, #tpu.memory_space<hbm>> -> memref<128x128xf32, #tpu.memory_space<hbm>>
      tpu.enqueue_dma source(%arg9 : memref<128x128xf32, #tpu.memory_space<vmem>>) target(%dma_start3A_159 : memref<128x128xf32, #tpu.memory_space<hbm>>) target_semaphore(%arg17 : memref<!tpu.dma_semaphore, #tpu.memory_space<semaphore_mem>>)
    }
    %while3A_19 = arith.constant 1 : i32
    scf.for %while3A_35 = %while3A_17 to %while3A_13 step %while3A_19  : i32 {
      %mul3A_36 = arith.constant 4 : i32
      %mul3A_37 = arith.muli %while3A_35, %mul3A_36 : i32
      %add3A_38 = arith.constant 0 : i32
      %add3A_39 = arith.addi %mul3A_37, %add3A_38 : i32
      %gt3A = arith.constant 0 : i32
      %gt3A_40 = arith.cmpi sgt, %while3A_35, %gt3A : i32
      %convert_element_type3A = arith.extui %gt3A_40 : i1 to i32
      %cond3A = arith.constant 0 : i32
      %cond3A_41 = arith.cmpi ne, %convert_element_type3A, %cond3A : i32
      scf.if %cond3A_41 {
        %dma_wait3A_160 = arith.constant 0 : i32
        %dma_wait3A_161 = tpu.memref_slice %arg4[%mul3A_10, %dma_wait3A_160] : memref<163840x128xf32, #tpu.memory_space<hbm>> -> memref<128x128xf32, #tpu.memory_space<hbm>>
        %dma_wait3A_162 = arith.constant 0 : i32
        %dma_wait3A_163 = tpu.memref_slice %arg4[%mul3A_10, %dma_wait3A_162] : memref<163840x128xf32, #tpu.memory_space<hbm>> -> memref<128x128xf32, #tpu.memory_space<hbm>>
        tpu.wait_dma2 semaphore(%arg14 : memref<!tpu.dma_semaphore, #tpu.memory_space<semaphore_mem>>) src(%arg6 : memref<128x128xf32, #tpu.memory_space<vmem>>) dst(%dma_wait3A_163 : memref<128x128xf32, #tpu.memory_space<hbm>>)
      } else {
      }
      %mul3A_42 = arith.constant 128 : i32
      %mul3A_43 = arith.muli %add3A_39, %mul3A_42 : i32
      %dma_start3A = tpu.memref_slice %arg5[%mul3A_43] : memref<7680xi32, #tpu.memory_space<vmem>> -> memref<128xi32, #tpu.memory_space<vmem>>
      %dma_start3A_44 = arith.constant 0 : i32
      %dma_start3A_45 = arith.constant 0 : i32
      %dma_start3A_46 = tpu.memref_slice %arg2[%dma_start3A_44, %dma_start3A_45] : memref<10000x128xf32, #tpu.memory_space<hbm>> -> memref<10000x128xf32, #tpu.memory_space<hbm>>
      tpu.enqueue_indirect_dma source(%dma_start3A_46 : memref<10000x128xf32, #tpu.memory_space<hbm>>) target(%arg6 : memref<128x128xf32, #tpu.memory_space<vmem>>) offsets(%dma_start3A : memref<128xi32, #tpu.memory_space<vmem>>) semaphore(%arg10 : memref<!tpu.dma_semaphore, #tpu.memory_space<semaphore_mem>>)
      %mul3A_47 = arith.constant 4 : i32
      %mul3A_48 = arith.muli %while3A_35, %mul3A_47 : i32
      %add3A_49 = arith.constant 1 : i32
      %add3A_50 = arith.addi %mul3A_48, %add3A_49 : i32
      %gt3A_51 = arith.constant 0 : i32
      %gt3A_52 = arith.cmpi sgt, %while3A_35, %gt3A_51 : i32
      %convert_element_type3A_53 = arith.extui %gt3A_52 : i1 to i32
      %cond3A_54 = arith.constant 0 : i32
      %cond3A_55 = arith.cmpi ne, %convert_element_type3A_53, %cond3A_54 : i32
      scf.if %cond3A_55 {
        %dma_wait3A_160 = arith.constant 0 : i32
        %dma_wait3A_161 = tpu.memref_slice %arg4[%mul3A_10, %dma_wait3A_160] : memref<163840x128xf32, #tpu.memory_space<hbm>> -> memref<128x128xf32, #tpu.memory_space<hbm>>
        %dma_wait3A_162 = arith.constant 0 : i32
        %dma_wait3A_163 = tpu.memref_slice %arg4[%mul3A_10, %dma_wait3A_162] : memref<163840x128xf32, #tpu.memory_space<hbm>> -> memref<128x128xf32, #tpu.memory_space<hbm>>
        tpu.wait_dma2 semaphore(%arg15 : memref<!tpu.dma_semaphore, #tpu.memory_space<semaphore_mem>>) src(%arg7 : memref<128x128xf32, #tpu.memory_space<vmem>>) dst(%dma_wait3A_163 : memref<128x128xf32, #tpu.memory_space<hbm>>)
      } else {
      }
      %mul3A_56 = arith.constant 128 : i32
      %mul3A_57 = arith.muli %add3A_50, %mul3A_56 : i32
      %dma_start3A_58 = tpu.memref_slice %arg5[%mul3A_57] : memref<7680xi32, #tpu.memory_space<vmem>> -> memref<128xi32, #tpu.memory_space<vmem>>
      %dma_start3A_59 = arith.constant 0 : i32
      %dma_start3A_60 = arith.constant 0 : i32
      %dma_start3A_61 = tpu.memref_slice %arg2[%dma_start3A_59, %dma_start3A_60] : memref<10000x128xf32, #tpu.memory_space<hbm>> -> memref<10000x128xf32, #tpu.memory_space<hbm>>
      tpu.enqueue_indirect_dma source(%dma_start3A_61 : memref<10000x128xf32, #tpu.memory_space<hbm>>) target(%arg7 : memref<128x128xf32, #tpu.memory_space<vmem>>) offsets(%dma_start3A_58 : memref<128xi32, #tpu.memory_space<vmem>>) semaphore(%arg11 : memref<!tpu.dma_semaphore, #tpu.memory_space<semaphore_mem>>)
      %mul3A_62 = arith.constant 4 : i32
      %mul3A_63 = arith.muli %while3A_35, %mul3A_62 : i32
      %add3A_64 = arith.constant 2 : i32
      %add3A_65 = arith.addi %mul3A_63, %add3A_64 : i32
      %gt3A_66 = arith.constant 0 : i32
      %gt3A_67 = arith.cmpi sgt, %while3A_35, %gt3A_66 : i32
      %convert_element_type3A_68 = arith.extui %gt3A_67 : i1 to i32
      %cond3A_69 = arith.constant 0 : i32
      %cond3A_70 = arith.cmpi ne, %convert_element_type3A_68, %cond3A_69 : i32
      scf.if %cond3A_70 {
        %dma_wait3A_160 = arith.constant 0 : i32
        %dma_wait3A_161 = tpu.memref_slice %arg4[%mul3A_10, %dma_wait3A_160] : memref<163840x128xf32, #tpu.memory_space<hbm>> -> memref<128x128xf32, #tpu.memory_space<hbm>>
        %dma_wait3A_162 = arith.constant 0 : i32
        %dma_wait3A_163 = tpu.memref_slice %arg4[%mul3A_10, %dma_wait3A_162] : memref<163840x128xf32, #tpu.memory_space<hbm>> -> memref<128x128xf32, #tpu.memory_space<hbm>>
        tpu.wait_dma2 semaphore(%arg16 : memref<!tpu.dma_semaphore, #tpu.memory_space<semaphore_mem>>) src(%arg8 : memref<128x128xf32, #tpu.memory_space<vmem>>) dst(%dma_wait3A_163 : memref<128x128xf32, #tpu.memory_space<hbm>>)
      } else {
      }
      %mul3A_71 = arith.constant 128 : i32
      %mul3A_72 = arith.muli %add3A_65, %mul3A_71 : i32
      %dma_start3A_73 = tpu.memref_slice %arg5[%mul3A_72] : memref<7680xi32, #tpu.memory_space<vmem>> -> memref<128xi32, #tpu.memory_space<vmem>>
      %dma_start3A_74 = arith.constant 0 : i32
      %dma_start3A_75 = arith.constant 0 : i32
      %dma_start3A_76 = tpu.memref_slice %arg2[%dma_start3A_74, %dma_start3A_75] : memref<10000x128xf32, #tpu.memory_space<hbm>> -> memref<10000x128xf32, #tpu.memory_space<hbm>>
      tpu.enqueue_indirect_dma source(%dma_start3A_76 : memref<10000x128xf32, #tpu.memory_space<hbm>>) target(%arg8 : memref<128x128xf32, #tpu.memory_space<vmem>>) offsets(%dma_start3A_73 : memref<128xi32, #tpu.memory_space<vmem>>) semaphore(%arg12 : memref<!tpu.dma_semaphore, #tpu.memory_space<semaphore_mem>>)
      %mul3A_77 = arith.constant 4 : i32
      %mul3A_78 = arith.muli %while3A_35, %mul3A_77 : i32
      %add3A_79 = arith.constant 3 : i32
      %add3A_80 = arith.addi %mul3A_78, %add3A_79 : i32
      %gt3A_81 = arith.constant 0 : i32
      %gt3A_82 = arith.cmpi sgt, %while3A_35, %gt3A_81 : i32
      %convert_element_type3A_83 = arith.extui %gt3A_82 : i1 to i32
      %cond3A_84 = arith.constant 0 : i32
      %cond3A_85 = arith.cmpi ne, %convert_element_type3A_83, %cond3A_84 : i32
      scf.if %cond3A_85 {
        %dma_wait3A_160 = arith.constant 0 : i32
        %dma_wait3A_161 = tpu.memref_slice %arg4[%mul3A_10, %dma_wait3A_160] : memref<163840x128xf32, #tpu.memory_space<hbm>> -> memref<128x128xf32, #tpu.memory_space<hbm>>
        %dma_wait3A_162 = arith.constant 0 : i32
        %dma_wait3A_163 = tpu.memref_slice %arg4[%mul3A_10, %dma_wait3A_162] : memref<163840x128xf32, #tpu.memory_space<hbm>> -> memref<128x128xf32, #tpu.memory_space<hbm>>
        tpu.wait_dma2 semaphore(%arg17 : memref<!tpu.dma_semaphore, #tpu.memory_space<semaphore_mem>>) src(%arg9 : memref<128x128xf32, #tpu.memory_space<vmem>>) dst(%dma_wait3A_163 : memref<128x128xf32, #tpu.memory_space<hbm>>)
      } else {
      }
      %mul3A_86 = arith.constant 128 : i32
      %mul3A_87 = arith.muli %add3A_80, %mul3A_86 : i32
      %dma_start3A_88 = tpu.memref_slice %arg5[%mul3A_87] : memref<7680xi32, #tpu.memory_space<vmem>> -> memref<128xi32, #tpu.memory_space<vmem>>
      %dma_start3A_89 = arith.constant 0 : i32
      %dma_start3A_90 = arith.constant 0 : i32
      %dma_start3A_91 = tpu.memref_slice %arg2[%dma_start3A_89, %dma_start3A_90] : memref<10000x128xf32, #tpu.memory_space<hbm>> -> memref<10000x128xf32, #tpu.memory_space<hbm>>
      tpu.enqueue_indirect_dma source(%dma_start3A_91 : memref<10000x128xf32, #tpu.memory_space<hbm>>) target(%arg9 : memref<128x128xf32, #tpu.memory_space<vmem>>) offsets(%dma_start3A_88 : memref<128xi32, #tpu.memory_space<vmem>>) semaphore(%arg13 : memref<!tpu.dma_semaphore, #tpu.memory_space<semaphore_mem>>)
      %mul3A_92 = arith.constant 4 : i32
      %mul3A_93 = arith.muli %while3A_35, %mul3A_92 : i32
      %add3A_94 = arith.constant 0 : i32
      %add3A_95 = arith.addi %mul3A_93, %add3A_94 : i32
      %mul3A_96 = arith.constant 128 : i32
      %mul3A_97 = arith.muli %add3A_95, %mul3A_96 : i32
      %dma_wait3A_98 = tpu.memref_slice %arg5[%mul3A_97] : memref<7680xi32, #tpu.memory_space<vmem>> -> memref<128xi32, #tpu.memory_space<vmem>>
      %dma_wait3A_99 = arith.constant 0 : i32
      %dma_wait3A_100 = arith.constant 0 : i32
      %dma_wait3A_101 = tpu.memref_slice %arg2[%dma_wait3A_99, %dma_wait3A_100] : memref<10000x128xf32, #tpu.memory_space<hbm>> -> memref<10000x128xf32, #tpu.memory_space<hbm>>
      tpu.wait_indirect_dma semaphore(%arg10 : memref<!tpu.dma_semaphore, #tpu.memory_space<semaphore_mem>>) src(%dma_wait3A_101 : memref<10000x128xf32, #tpu.memory_space<hbm>>) dst(%arg6 : memref<128x128xf32, #tpu.memory_space<vmem>>)
      %mul3A_102 = arith.constant 128 : i32
      %mul3A_103 = arith.muli %add3A_95, %mul3A_102 : i32
      %add3A_104 = arith.addi %mul3A_10, %mul3A_103 : i32
      %dma_start3A_105 = arith.constant 0 : i32
      %dma_start3A_106 = tpu.memref_slice %arg4[%add3A_104, %dma_start3A_105] : memref<163840x128xf32, #tpu.memory_space<hbm>> -> memref<128x128xf32, #tpu.memory_space<hbm>>
      %dma_start3A_107 = arith.constant 0 : i32
      %dma_start3A_108 = tpu.memref_slice %arg4[%add3A_104, %dma_start3A_107] : memref<163840x128xf32, #tpu.memory_space<hbm>> -> memref<128x128xf32, #tpu.memory_space<hbm>>
      tpu.enqueue_dma source(%arg6 : memref<128x128xf32, #tpu.memory_space<vmem>>) target(%dma_start3A_108 : memref<128x128xf32, #tpu.memory_space<hbm>>) target_semaphore(%arg14 : memref<!tpu.dma_semaphore, #tpu.memory_space<semaphore_mem>>)
      %mul3A_109 = arith.constant 4 : i32
      %mul3A_110 = arith.muli %while3A_35, %mul3A_109 : i32
      %add3A_111 = arith.constant 1 : i32
      %add3A_112 = arith.addi %mul3A_110, %add3A_111 : i32
      %mul3A_113 = arith.constant 128 : i32
      %mul3A_114 = arith.muli %add3A_112, %mul3A_113 : i32
      %dma_wait3A_115 = tpu.memref_slice %arg5[%mul3A_114] : memref<7680xi32, #tpu.memory_space<vmem>> -> memref<128xi32, #tpu.memory_space<vmem>>
      %dma_wait3A_116 = arith.constant 0 : i32
      %dma_wait3A_117 = arith.constant 0 : i32
      %dma_wait3A_118 = tpu.memref_slice %arg2[%dma_wait3A_116, %dma_wait3A_117] : memref<10000x128xf32, #tpu.memory_space<hbm>> -> memref<10000x128xf32, #tpu.memory_space<hbm>>
      tpu.wait_indirect_dma semaphore(%arg11 : memref<!tpu.dma_semaphore, #tpu.memory_space<semaphore_mem>>) src(%dma_wait3A_118 : memref<10000x128xf32, #tpu.memory_space<hbm>>) dst(%arg7 : memref<128x128xf32, #tpu.memory_space<vmem>>)
      %mul3A_119 = arith.constant 128 : i32
      %mul3A_120 = arith.muli %add3A_112, %mul3A_119 : i32
      %add3A_121 = arith.addi %mul3A_10, %mul3A_120 : i32
      %dma_start3A_122 = arith.constant 0 : i32
      %dma_start3A_123 = tpu.memref_slice %arg4[%add3A_121, %dma_start3A_122] : memref<163840x128xf32, #tpu.memory_space<hbm>> -> memref<128x128xf32, #tpu.memory_space<hbm>>
      %dma_start3A_124 = arith.constant 0 : i32
      %dma_start3A_125 = tpu.memref_slice %arg4[%add3A_121, %dma_start3A_124] : memref<163840x128xf32, #tpu.memory_space<hbm>> -> memref<128x128xf32, #tpu.memory_space<hbm>>
      tpu.enqueue_dma source(%arg7 : memref<128x128xf32, #tpu.memory_space<vmem>>) target(%dma_start3A_125 : memref<128x128xf32, #tpu.memory_space<hbm>>) target_semaphore(%arg15 : memref<!tpu.dma_semaphore, #tpu.memory_space<semaphore_mem>>)
      %mul3A_126 = arith.constant 4 : i32
      %mul3A_127 = arith.muli %while3A_35, %mul3A_126 : i32
      %add3A_128 = arith.constant 2 : i32
      %add3A_129 = arith.addi %mul3A_127, %add3A_128 : i32
      %mul3A_130 = arith.constant 128 : i32
      %mul3A_131 = arith.muli %add3A_129, %mul3A_130 : i32
      %dma_wait3A_132 = tpu.memref_slice %arg5[%mul3A_131] : memref<7680xi32, #tpu.memory_space<vmem>> -> memref<128xi32, #tpu.memory_space<vmem>>
      %dma_wait3A_133 = arith.constant 0 : i32
      %dma_wait3A_134 = arith.constant 0 : i32
      %dma_wait3A_135 = tpu.memref_slice %arg2[%dma_wait3A_133, %dma_wait3A_134] : memref<10000x128xf32, #tpu.memory_space<hbm>> -> memref<10000x128xf32, #tpu.memory_space<hbm>>
      tpu.wait_indirect_dma semaphore(%arg12 : memref<!tpu.dma_semaphore, #tpu.memory_space<semaphore_mem>>) src(%dma_wait3A_135 : memref<10000x128xf32, #tpu.memory_space<hbm>>) dst(%arg8 : memref<128x128xf32, #tpu.memory_space<vmem>>)
      %mul3A_136 = arith.constant 128 : i32
      %mul3A_137 = arith.muli %add3A_129, %mul3A_136 : i32
      %add3A_138 = arith.addi %mul3A_10, %mul3A_137 : i32
      %dma_start3A_139 = arith.constant 0 : i32
      %dma_start3A_140 = tpu.memref_slice %arg4[%add3A_138, %dma_start3A_139] : memref<163840x128xf32, #tpu.memory_space<hbm>> -> memref<128x128xf32, #tpu.memory_space<hbm>>
      %dma_start3A_141 = arith.constant 0 : i32
      %dma_start3A_142 = tpu.memref_slice %arg4[%add3A_138, %dma_start3A_141] : memref<163840x128xf32, #tpu.memory_space<hbm>> -> memref<128x128xf32, #tpu.memory_space<hbm>>
      tpu.enqueue_dma source(%arg8 : memref<128x128xf32, #tpu.memory_space<vmem>>) target(%dma_start3A_142 : memref<128x128xf32, #tpu.memory_space<hbm>>) target_semaphore(%arg16 : memref<!tpu.dma_semaphore, #tpu.memory_space<semaphore_mem>>)
      %mul3A_143 = arith.constant 4 : i32
      %mul3A_144 = arith.muli %while3A_35, %mul3A_143 : i32
      %add3A_145 = arith.constant 3 : i32
      %add3A_146 = arith.addi %mul3A_144, %add3A_145 : i32
      %mul3A_147 = arith.constant 128 : i32
      %mul3A_148 = arith.muli %add3A_146, %mul3A_147 : i32
      %dma_wait3A_149 = tpu.memref_slice %arg5[%mul3A_148] : memref<7680xi32, #tpu.memory_space<vmem>> -> memref<128xi32, #tpu.memory_space<vmem>>
      %dma_wait3A_150 = arith.constant 0 : i32
      %dma_wait3A_151 = arith.constant 0 : i32
      %dma_wait3A_152 = tpu.memref_slice %arg2[%dma_wait3A_150, %dma_wait3A_151] : memref<10000x128xf32, #tpu.memory_space<hbm>> -> memref<10000x128xf32, #tpu.memory_space<hbm>>
      tpu.wait_indirect_dma semaphore(%arg13 : memref<!tpu.dma_semaphore, #tpu.memory_space<semaphore_mem>>) src(%dma_wait3A_152 : memref<10000x128xf32, #tpu.memory_space<hbm>>) dst(%arg9 : memref<128x128xf32, #tpu.memory_space<vmem>>)
      %mul3A_153 = arith.constant 128 : i32
      %mul3A_154 = arith.muli %add3A_146, %mul3A_153 : i32
      %add3A_155 = arith.addi %mul3A_10, %mul3A_154 : i32
      %dma_start3A_156 = arith.constant 0 : i32
      %dma_start3A_157 = tpu.memref_slice %arg4[%add3A_155, %dma_start3A_156] : memref<163840x128xf32, #tpu.memory_space<hbm>> -> memref<128x128xf32, #tpu.memory_space<hbm>>
      %dma_start3A_158 = arith.constant 0 : i32
      %dma_start3A_159 = tpu.memref_slice %arg4[%add3A_155, %dma_start3A_158] : memref<163840x128xf32, #tpu.memory_space<hbm>> -> memref<128x128xf32, #tpu.memory_space<hbm>>
      tpu.enqueue_dma source(%arg9 : memref<128x128xf32, #tpu.memory_space<vmem>>) target(%dma_start3A_159 : memref<128x128xf32, #tpu.memory_space<hbm>>) target_semaphore(%arg17 : memref<!tpu.dma_semaphore, #tpu.memory_space<semaphore_mem>>)
    }
    %dma_wait3A = arith.constant 0 : i32
    %dma_wait3A_20 = tpu.memref_slice %arg4[%mul3A_10, %dma_wait3A] : memref<163840x128xf32, #tpu.memory_space<hbm>> -> memref<128x128xf32, #tpu.memory_space<hbm>>
    %dma_wait3A_21 = arith.constant 0 : i32
    %dma_wait3A_22 = tpu.memref_slice %arg4[%mul3A_10, %dma_wait3A_21] : memref<163840x128xf32, #tpu.memory_space<hbm>> -> memref<128x128xf32, #tpu.memory_space<hbm>>
    tpu.wait_dma2 semaphore(%arg14 : memref<!tpu.dma_semaphore, #tpu.memory_space<semaphore_mem>>) src(%arg6 : memref<128x128xf32, #tpu.memory_space<vmem>>) dst(%dma_wait3A_22 : memref<128x128xf32, #tpu.memory_space<hbm>>)
    %dma_wait3A_23 = arith.constant 0 : i32
    %dma_wait3A_24 = tpu.memref_slice %arg4[%mul3A_10, %dma_wait3A_23] : memref<163840x128xf32, #tpu.memory_space<hbm>> -> memref<128x128xf32, #tpu.memory_space<hbm>>
    %dma_wait3A_25 = arith.constant 0 : i32
    %dma_wait3A_26 = tpu.memref_slice %arg4[%mul3A_10, %dma_wait3A_25] : memref<163840x128xf32, #tpu.memory_space<hbm>> -> memref<128x128xf32, #tpu.memory_space<hbm>>
    tpu.wait_dma2 semaphore(%arg15 : memref<!tpu.dma_semaphore, #tpu.memory_space<semaphore_mem>>) src(%arg7 : memref<128x128xf32, #tpu.memory_space<vmem>>) dst(%dma_wait3A_26 : memref<128x128xf32, #tpu.memory_space<hbm>>)
    %dma_wait3A_27 = arith.constant 0 : i32
    %dma_wait3A_28 = tpu.memref_slice %arg4[%mul3A_10, %dma_wait3A_27] : memref<163840x128xf32, #tpu.memory_space<hbm>> -> memref<128x128xf32, #tpu.memory_space<hbm>>
    %dma_wait3A_29 = arith.constant 0 : i32
    %dma_wait3A_30 = tpu.memref_slice %arg4[%mul3A_10, %dma_wait3A_29] : memref<163840x128xf32, #tpu.memory_space<hbm>> -> memref<128x128xf32, #tpu.memory_space<hbm>>
    tpu.wait_dma2 semaphore(%arg16 : memref<!tpu.dma_semaphore, #tpu.memory_space<semaphore_mem>>) src(%arg8 : memref<128x128xf32, #tpu.memory_space<vmem>>) dst(%dma_wait3A_30 : memref<128x128xf32, #tpu.memory_space<hbm>>)
    %dma_wait3A_31 = arith.constant 0 : i32
    %dma_wait3A_32 = tpu.memref_slice %arg4[%mul3A_10, %dma_wait3A_31] : memref<163840x128xf32, #tpu.memory_space<hbm>> -> memref<128x128xf32, #tpu.memory_space<hbm>>
    %dma_wait3A_33 = arith.constant 0 : i32
    %dma_wait3A_34 = tpu.memref_slice %arg4[%mul3A_10, %dma_wait3A_33] : memref<163840x128xf32, #tpu.memory_space<hbm>> -> memref<128x128xf32, #tpu.memory_space<hbm>>
    tpu.wait_dma2 semaphore(%arg17 : memref<!tpu.dma_semaphore, #tpu.memory_space<semaphore_mem>>) src(%arg9 : memref<128x128xf32, #tpu.memory_space<vmem>>) dst(%dma_wait3A_34 : memref<128x128xf32, #tpu.memory_space<hbm>>)
    return
  }
}

#map = affine_map<(d0, d1) -> (0, 0)>
#map1 = affine_map<(d0, d1) -> (0)>
module attributes {stable_mosaic.version = 14 : i64} {
  func.func @body(%arg0: i32, %arg1: i32, %arg2: memref<10000x32xf32, #tpu.memory_space<hbm>>, %arg3: memref<171520xi32, #tpu.memory_space<hbm>>, %arg4: memref<163840x32xf32, #tpu.memory_space<hbm>>, %arg5: memref<7680xi32, #tpu.memory_space<vmem>>, %arg6: memref<128x32xf32, #tpu.memory_space<vmem>>, %arg7: memref<128x32xf32, #tpu.memory_space<vmem>>, %arg8: memref<128x32xf32, #tpu.memory_space<vmem>>, %arg9: memref<128x32xf32, #tpu.memory_space<vmem>>, %arg10: memref<!tpu.dma_semaphore, #tpu.memory_space<semaphore_mem>>, %arg11: memref<!tpu.dma_semaphore, #tpu.memory_space<semaphore_mem>>, %arg12: memref<!tpu.dma_semaphore, #tpu.memory_space<semaphore_mem>>, %arg13: memref<!tpu.dma_semaphore, #tpu.memory_space<semaphore_mem>>, %arg14: memref<!tpu.dma_semaphore, #tpu.memory_space<semaphore_mem>>, %arg15: memref<!tpu.dma_semaphore, #tpu.memory_space<semaphore_mem>>, %arg16: memref<!tpu.dma_semaphore, #tpu.memory_space<semaphore_mem>>, %arg17: memref<!tpu.dma_semaphore, #tpu.memory_space<semaphore_mem>>) attributes {dimension_semantics = [#tpu.dimension_semantics<core_parallel>, #tpu.dimension_semantics<subcore_parallel>], iteration_bounds = array<i64: 2, 16>, scalar_prefetch = 0 : i64, scratch_operands = 13 : i64, tpu.core_type = #tpu.core_type<sc_vector_subcore>, window_params = [{transform_indices = #map}, {transform_indices = #map1}, {transform_indices = #map}]} {
    %eq3A = arith.constant 0 : i32
    %eq3A_0 = arith.cmpi eq, %arg0, %eq3A : i32
    %jit3A = arith.constant 15 : i32
    %jit3A_1 = arith.constant 5 : i32
    %select_n3A = arith.select %eq3A_0, %jit3A, %jit3A_1 : i32
    %eq3A_2 = arith.constant 0 : i32
    %eq3A_3 = arith.cmpi eq, %arg0, %eq3A_2 : i32
    %mul3A = arith.constant 60 : i32
    %mul3A_4 = arith.muli %arg1, %mul3A : i32
    %mul3A_5 = arith.constant 20 : i32
    %mul3A_6 = arith.muli %arg1, %mul3A_5 : i32
    %add3A = arith.constant 960 : i32
    %add3A_7 = arith.addi %add3A, %mul3A_6 : i32
    %select_n3A_8 = arith.select %eq3A_3, %mul3A_4, %add3A_7 : i32
    %mul3A_9 = arith.constant 128 : i32
    %mul3A_10 = arith.muli %select_n3A_8, %mul3A_9 : i32
    "tpu.region"() ({
      %run_scoped3A = tpu.sem_alloc : memref<!tpu.dma_semaphore, #tpu.memory_space<semaphore_mem>>
      %dma_start3A = tpu.memref_slice %arg3[%mul3A_10] : memref<171520xi32, #tpu.memory_space<hbm>> -> memref<7680xi32, #tpu.memory_space<hbm>>
      %dma_start3A_35 = tpu.memref_slice %arg3[%mul3A_10] : memref<171520xi32, #tpu.memory_space<hbm>> -> memref<7680xi32, #tpu.memory_space<hbm>>
      tpu.enqueue_dma source(%dma_start3A_35 : memref<7680xi32, #tpu.memory_space<hbm>>) target(%arg5 : memref<7680xi32, #tpu.memory_space<vmem>>) target_semaphore(%run_scoped3A : memref<!tpu.dma_semaphore, #tpu.memory_space<semaphore_mem>>)
      %dma_wait3A_36 = tpu.memref_slice %arg3[%mul3A_10] : memref<171520xi32, #tpu.memory_space<hbm>> -> memref<7680xi32, #tpu.memory_space<hbm>>
      %dma_wait3A_37 = tpu.memref_slice %arg3[%mul3A_10] : memref<171520xi32, #tpu.memory_space<hbm>> -> memref<7680xi32, #tpu.memory_space<hbm>>
      tpu.wait_dma2 semaphore(%run_scoped3A : memref<!tpu.dma_semaphore, #tpu.memory_space<semaphore_mem>>) src(%dma_wait3A_37 : memref<7680xi32, #tpu.memory_space<hbm>>) dst(%arg5 : memref<7680xi32, #tpu.memory_space<vmem>>)
      tpu.yield
    }) : () -> ()
    %while3A = arith.constant 0 : i32
    %while3A_11 = arith.constant 0 : i32
    %while3A_12 = arith.subi %select_n3A, %while3A_11 : i32
    %while3A_13 = arith.addi %while3A_11, %while3A_12 : i32
    %while3A_14 = arith.constant 1 : i32
    %while3A_15 = arith.divsi %while3A_12, %while3A_14 : i32
    %while3A_16 = arith.muli %while3A_15, %while3A_14 : i32
    %while3A_17 = arith.addi %while3A_11, %while3A_16 : i32
    %while3A_18 = arith.constant 1 : i32
    scf.for %while3A_35 = %while3A_11 to %while3A_17 step %while3A_18  : i32 {
      %mul3A_36 = arith.constant 4 : i32
      %mul3A_37 = arith.muli %while3A_35, %mul3A_36 : i32
      %add3A_38 = arith.constant 0 : i32
      %add3A_39 = arith.addi %mul3A_37, %add3A_38 : i32
      %gt3A = arith.constant 0 : i32
      %gt3A_40 = arith.cmpi sgt, %while3A_35, %gt3A : i32
      %convert_element_type3A = arith.extui %gt3A_40 : i1 to i32
      %cond3A = arith.constant 0 : i32
      %cond3A_41 = arith.cmpi ne, %convert_element_type3A, %cond3A : i32
      scf.if %cond3A_41 {
        %dma_wait3A_160 = arith.constant 0 : i32
        %dma_wait3A_161 = tpu.memref_slice %arg4[%mul3A_10, %dma_wait3A_160] : memref<163840x32xf32, #tpu.memory_space<hbm>> -> memref<128x32xf32, #tpu.memory_space<hbm>>
        %dma_wait3A_162 = arith.constant 0 : i32
        %dma_wait3A_163 = tpu.memref_slice %arg4[%mul3A_10, %dma_wait3A_162] : memref<163840x32xf32, #tpu.memory_space<hbm>> -> memref<128x32xf32, #tpu.memory_space<hbm>>
        tpu.wait_dma2 semaphore(%arg14 : memref<!tpu.dma_semaphore, #tpu.memory_space<semaphore_mem>>) src(%arg6 : memref<128x32xf32, #tpu.memory_space<vmem>>) dst(%dma_wait3A_163 : memref<128x32xf32, #tpu.memory_space<hbm>>)
      } else {
      }
      %mul3A_42 = arith.constant 128 : i32
      %mul3A_43 = arith.muli %add3A_39, %mul3A_42 : i32
      %dma_start3A = tpu.memref_slice %arg5[%mul3A_43] : memref<7680xi32, #tpu.memory_space<vmem>> -> memref<128xi32, #tpu.memory_space<vmem>>
      %dma_start3A_44 = arith.constant 0 : i32
      %dma_start3A_45 = arith.constant 0 : i32
      %dma_start3A_46 = tpu.memref_slice %arg2[%dma_start3A_44, %dma_start3A_45] : memref<10000x32xf32, #tpu.memory_space<hbm>> -> memref<10000x32xf32, #tpu.memory_space<hbm>>
      tpu.enqueue_indirect_dma source(%dma_start3A_46 : memref<10000x32xf32, #tpu.memory_space<hbm>>) target(%arg6 : memref<128x32xf32, #tpu.memory_space<vmem>>) offsets(%dma_start3A : memref<128xi32, #tpu.memory_space<vmem>>) semaphore(%arg10 : memref<!tpu.dma_semaphore, #tpu.memory_space<semaphore_mem>>)
      %mul3A_47 = arith.constant 4 : i32
      %mul3A_48 = arith.muli %while3A_35, %mul3A_47 : i32
      %add3A_49 = arith.constant 1 : i32
      %add3A_50 = arith.addi %mul3A_48, %add3A_49 : i32
      %gt3A_51 = arith.constant 0 : i32
      %gt3A_52 = arith.cmpi sgt, %while3A_35, %gt3A_51 : i32
      %convert_element_type3A_53 = arith.extui %gt3A_52 : i1 to i32
      %cond3A_54 = arith.constant 0 : i32
      %cond3A_55 = arith.cmpi ne, %convert_element_type3A_53, %cond3A_54 : i32
      scf.if %cond3A_55 {
        %dma_wait3A_160 = arith.constant 0 : i32
        %dma_wait3A_161 = tpu.memref_slice %arg4[%mul3A_10, %dma_wait3A_160] : memref<163840x32xf32, #tpu.memory_space<hbm>> -> memref<128x32xf32, #tpu.memory_space<hbm>>
        %dma_wait3A_162 = arith.constant 0 : i32
        %dma_wait3A_163 = tpu.memref_slice %arg4[%mul3A_10, %dma_wait3A_162] : memref<163840x32xf32, #tpu.memory_space<hbm>> -> memref<128x32xf32, #tpu.memory_space<hbm>>
        tpu.wait_dma2 semaphore(%arg15 : memref<!tpu.dma_semaphore, #tpu.memory_space<semaphore_mem>>) src(%arg7 : memref<128x32xf32, #tpu.memory_space<vmem>>) dst(%dma_wait3A_163 : memref<128x32xf32, #tpu.memory_space<hbm>>)
      } else {
      }
      %mul3A_56 = arith.constant 128 : i32
      %mul3A_57 = arith.muli %add3A_50, %mul3A_56 : i32
      %dma_start3A_58 = tpu.memref_slice %arg5[%mul3A_57] : memref<7680xi32, #tpu.memory_space<vmem>> -> memref<128xi32, #tpu.memory_space<vmem>>
      %dma_start3A_59 = arith.constant 0 : i32
      %dma_start3A_60 = arith.constant 0 : i32
      %dma_start3A_61 = tpu.memref_slice %arg2[%dma_start3A_59, %dma_start3A_60] : memref<10000x32xf32, #tpu.memory_space<hbm>> -> memref<10000x32xf32, #tpu.memory_space<hbm>>
      tpu.enqueue_indirect_dma source(%dma_start3A_61 : memref<10000x32xf32, #tpu.memory_space<hbm>>) target(%arg7 : memref<128x32xf32, #tpu.memory_space<vmem>>) offsets(%dma_start3A_58 : memref<128xi32, #tpu.memory_space<vmem>>) semaphore(%arg11 : memref<!tpu.dma_semaphore, #tpu.memory_space<semaphore_mem>>)
      %mul3A_62 = arith.constant 4 : i32
      %mul3A_63 = arith.muli %while3A_35, %mul3A_62 : i32
      %add3A_64 = arith.constant 2 : i32
      %add3A_65 = arith.addi %mul3A_63, %add3A_64 : i32
      %gt3A_66 = arith.constant 0 : i32
      %gt3A_67 = arith.cmpi sgt, %while3A_35, %gt3A_66 : i32
      %convert_element_type3A_68 = arith.extui %gt3A_67 : i1 to i32
      %cond3A_69 = arith.constant 0 : i32
      %cond3A_70 = arith.cmpi ne, %convert_element_type3A_68, %cond3A_69 : i32
      scf.if %cond3A_70 {
        %dma_wait3A_160 = arith.constant 0 : i32
        %dma_wait3A_161 = tpu.memref_slice %arg4[%mul3A_10, %dma_wait3A_160] : memref<163840x32xf32, #tpu.memory_space<hbm>> -> memref<128x32xf32, #tpu.memory_space<hbm>>
        %dma_wait3A_162 = arith.constant 0 : i32
        %dma_wait3A_163 = tpu.memref_slice %arg4[%mul3A_10, %dma_wait3A_162] : memref<163840x32xf32, #tpu.memory_space<hbm>> -> memref<128x32xf32, #tpu.memory_space<hbm>>
        tpu.wait_dma2 semaphore(%arg16 : memref<!tpu.dma_semaphore, #tpu.memory_space<semaphore_mem>>) src(%arg8 : memref<128x32xf32, #tpu.memory_space<vmem>>) dst(%dma_wait3A_163 : memref<128x32xf32, #tpu.memory_space<hbm>>)
      } else {
      }
      %mul3A_71 = arith.constant 128 : i32
      %mul3A_72 = arith.muli %add3A_65, %mul3A_71 : i32
      %dma_start3A_73 = tpu.memref_slice %arg5[%mul3A_72] : memref<7680xi32, #tpu.memory_space<vmem>> -> memref<128xi32, #tpu.memory_space<vmem>>
      %dma_start3A_74 = arith.constant 0 : i32
      %dma_start3A_75 = arith.constant 0 : i32
      %dma_start3A_76 = tpu.memref_slice %arg2[%dma_start3A_74, %dma_start3A_75] : memref<10000x32xf32, #tpu.memory_space<hbm>> -> memref<10000x32xf32, #tpu.memory_space<hbm>>
      tpu.enqueue_indirect_dma source(%dma_start3A_76 : memref<10000x32xf32, #tpu.memory_space<hbm>>) target(%arg8 : memref<128x32xf32, #tpu.memory_space<vmem>>) offsets(%dma_start3A_73 : memref<128xi32, #tpu.memory_space<vmem>>) semaphore(%arg12 : memref<!tpu.dma_semaphore, #tpu.memory_space<semaphore_mem>>)
      %mul3A_77 = arith.constant 4 : i32
      %mul3A_78 = arith.muli %while3A_35, %mul3A_77 : i32
      %add3A_79 = arith.constant 3 : i32
      %add3A_80 = arith.addi %mul3A_78, %add3A_79 : i32
      %gt3A_81 = arith.constant 0 : i32
      %gt3A_82 = arith.cmpi sgt, %while3A_35, %gt3A_81 : i32
      %convert_element_type3A_83 = arith.extui %gt3A_82 : i1 to i32
      %cond3A_84 = arith.constant 0 : i32
      %cond3A_85 = arith.cmpi ne, %convert_element_type3A_83, %cond3A_84 : i32
      scf.if %cond3A_85 {
        %dma_wait3A_160 = arith.constant 0 : i32
        %dma_wait3A_161 = tpu.memref_slice %arg4[%mul3A_10, %dma_wait3A_160] : memref<163840x32xf32, #tpu.memory_space<hbm>> -> memref<128x32xf32, #tpu.memory_space<hbm>>
        %dma_wait3A_162 = arith.constant 0 : i32
        %dma_wait3A_163 = tpu.memref_slice %arg4[%mul3A_10, %dma_wait3A_162] : memref<163840x32xf32, #tpu.memory_space<hbm>> -> memref<128x32xf32, #tpu.memory_space<hbm>>
        tpu.wait_dma2 semaphore(%arg17 : memref<!tpu.dma_semaphore, #tpu.memory_space<semaphore_mem>>) src(%arg9 : memref<128x32xf32, #tpu.memory_space<vmem>>) dst(%dma_wait3A_163 : memref<128x32xf32, #tpu.memory_space<hbm>>)
      } else {
      }
      %mul3A_86 = arith.constant 128 : i32
      %mul3A_87 = arith.muli %add3A_80, %mul3A_86 : i32
      %dma_start3A_88 = tpu.memref_slice %arg5[%mul3A_87] : memref<7680xi32, #tpu.memory_space<vmem>> -> memref<128xi32, #tpu.memory_space<vmem>>
      %dma_start3A_89 = arith.constant 0 : i32
      %dma_start3A_90 = arith.constant 0 : i32
      %dma_start3A_91 = tpu.memref_slice %arg2[%dma_start3A_89, %dma_start3A_90] : memref<10000x32xf32, #tpu.memory_space<hbm>> -> memref<10000x32xf32, #tpu.memory_space<hbm>>
      tpu.enqueue_indirect_dma source(%dma_start3A_91 : memref<10000x32xf32, #tpu.memory_space<hbm>>) target(%arg9 : memref<128x32xf32, #tpu.memory_space<vmem>>) offsets(%dma_start3A_88 : memref<128xi32, #tpu.memory_space<vmem>>) semaphore(%arg13 : memref<!tpu.dma_semaphore, #tpu.memory_space<semaphore_mem>>)
      %mul3A_92 = arith.constant 4 : i32
      %mul3A_93 = arith.muli %while3A_35, %mul3A_92 : i32
      %add3A_94 = arith.constant 0 : i32
      %add3A_95 = arith.addi %mul3A_93, %add3A_94 : i32
      %mul3A_96 = arith.constant 128 : i32
      %mul3A_97 = arith.muli %add3A_95, %mul3A_96 : i32
      %dma_wait3A_98 = tpu.memref_slice %arg5[%mul3A_97] : memref<7680xi32, #tpu.memory_space<vmem>> -> memref<128xi32, #tpu.memory_space<vmem>>
      %dma_wait3A_99 = arith.constant 0 : i32
      %dma_wait3A_100 = arith.constant 0 : i32
      %dma_wait3A_101 = tpu.memref_slice %arg2[%dma_wait3A_99, %dma_wait3A_100] : memref<10000x32xf32, #tpu.memory_space<hbm>> -> memref<10000x32xf32, #tpu.memory_space<hbm>>
      tpu.wait_indirect_dma semaphore(%arg10 : memref<!tpu.dma_semaphore, #tpu.memory_space<semaphore_mem>>) src(%dma_wait3A_101 : memref<10000x32xf32, #tpu.memory_space<hbm>>) dst(%arg6 : memref<128x32xf32, #tpu.memory_space<vmem>>)
      %mul3A_102 = arith.constant 128 : i32
      %mul3A_103 = arith.muli %add3A_95, %mul3A_102 : i32
      %add3A_104 = arith.addi %mul3A_10, %mul3A_103 : i32
      %dma_start3A_105 = arith.constant 0 : i32
      %dma_start3A_106 = tpu.memref_slice %arg4[%add3A_104, %dma_start3A_105] : memref<163840x32xf32, #tpu.memory_space<hbm>> -> memref<128x32xf32, #tpu.memory_space<hbm>>
      %dma_start3A_107 = arith.constant 0 : i32
      %dma_start3A_108 = tpu.memref_slice %arg4[%add3A_104, %dma_start3A_107] : memref<163840x32xf32, #tpu.memory_space<hbm>> -> memref<128x32xf32, #tpu.memory_space<hbm>>
      tpu.enqueue_dma source(%arg6 : memref<128x32xf32, #tpu.memory_space<vmem>>) target(%dma_start3A_108 : memref<128x32xf32, #tpu.memory_space<hbm>>) target_semaphore(%arg14 : memref<!tpu.dma_semaphore, #tpu.memory_space<semaphore_mem>>)
      %mul3A_109 = arith.constant 4 : i32
      %mul3A_110 = arith.muli %while3A_35, %mul3A_109 : i32
      %add3A_111 = arith.constant 1 : i32
      %add3A_112 = arith.addi %mul3A_110, %add3A_111 : i32
      %mul3A_113 = arith.constant 128 : i32
      %mul3A_114 = arith.muli %add3A_112, %mul3A_113 : i32
      %dma_wait3A_115 = tpu.memref_slice %arg5[%mul3A_114] : memref<7680xi32, #tpu.memory_space<vmem>> -> memref<128xi32, #tpu.memory_space<vmem>>
      %dma_wait3A_116 = arith.constant 0 : i32
      %dma_wait3A_117 = arith.constant 0 : i32
      %dma_wait3A_118 = tpu.memref_slice %arg2[%dma_wait3A_116, %dma_wait3A_117] : memref<10000x32xf32, #tpu.memory_space<hbm>> -> memref<10000x32xf32, #tpu.memory_space<hbm>>
      tpu.wait_indirect_dma semaphore(%arg11 : memref<!tpu.dma_semaphore, #tpu.memory_space<semaphore_mem>>) src(%dma_wait3A_118 : memref<10000x32xf32, #tpu.memory_space<hbm>>) dst(%arg7 : memref<128x32xf32, #tpu.memory_space<vmem>>)
      %mul3A_119 = arith.constant 128 : i32
      %mul3A_120 = arith.muli %add3A_112, %mul3A_119 : i32
      %add3A_121 = arith.addi %mul3A_10, %mul3A_120 : i32
      %dma_start3A_122 = arith.constant 0 : i32
      %dma_start3A_123 = tpu.memref_slice %arg4[%add3A_121, %dma_start3A_122] : memref<163840x32xf32, #tpu.memory_space<hbm>> -> memref<128x32xf32, #tpu.memory_space<hbm>>
      %dma_start3A_124 = arith.constant 0 : i32
      %dma_start3A_125 = tpu.memref_slice %arg4[%add3A_121, %dma_start3A_124] : memref<163840x32xf32, #tpu.memory_space<hbm>> -> memref<128x32xf32, #tpu.memory_space<hbm>>
      tpu.enqueue_dma source(%arg7 : memref<128x32xf32, #tpu.memory_space<vmem>>) target(%dma_start3A_125 : memref<128x32xf32, #tpu.memory_space<hbm>>) target_semaphore(%arg15 : memref<!tpu.dma_semaphore, #tpu.memory_space<semaphore_mem>>)
      %mul3A_126 = arith.constant 4 : i32
      %mul3A_127 = arith.muli %while3A_35, %mul3A_126 : i32
      %add3A_128 = arith.constant 2 : i32
      %add3A_129 = arith.addi %mul3A_127, %add3A_128 : i32
      %mul3A_130 = arith.constant 128 : i32
      %mul3A_131 = arith.muli %add3A_129, %mul3A_130 : i32
      %dma_wait3A_132 = tpu.memref_slice %arg5[%mul3A_131] : memref<7680xi32, #tpu.memory_space<vmem>> -> memref<128xi32, #tpu.memory_space<vmem>>
      %dma_wait3A_133 = arith.constant 0 : i32
      %dma_wait3A_134 = arith.constant 0 : i32
      %dma_wait3A_135 = tpu.memref_slice %arg2[%dma_wait3A_133, %dma_wait3A_134] : memref<10000x32xf32, #tpu.memory_space<hbm>> -> memref<10000x32xf32, #tpu.memory_space<hbm>>
      tpu.wait_indirect_dma semaphore(%arg12 : memref<!tpu.dma_semaphore, #tpu.memory_space<semaphore_mem>>) src(%dma_wait3A_135 : memref<10000x32xf32, #tpu.memory_space<hbm>>) dst(%arg8 : memref<128x32xf32, #tpu.memory_space<vmem>>)
      %mul3A_136 = arith.constant 128 : i32
      %mul3A_137 = arith.muli %add3A_129, %mul3A_136 : i32
      %add3A_138 = arith.addi %mul3A_10, %mul3A_137 : i32
      %dma_start3A_139 = arith.constant 0 : i32
      %dma_start3A_140 = tpu.memref_slice %arg4[%add3A_138, %dma_start3A_139] : memref<163840x32xf32, #tpu.memory_space<hbm>> -> memref<128x32xf32, #tpu.memory_space<hbm>>
      %dma_start3A_141 = arith.constant 0 : i32
      %dma_start3A_142 = tpu.memref_slice %arg4[%add3A_138, %dma_start3A_141] : memref<163840x32xf32, #tpu.memory_space<hbm>> -> memref<128x32xf32, #tpu.memory_space<hbm>>
      tpu.enqueue_dma source(%arg8 : memref<128x32xf32, #tpu.memory_space<vmem>>) target(%dma_start3A_142 : memref<128x32xf32, #tpu.memory_space<hbm>>) target_semaphore(%arg16 : memref<!tpu.dma_semaphore, #tpu.memory_space<semaphore_mem>>)
      %mul3A_143 = arith.constant 4 : i32
      %mul3A_144 = arith.muli %while3A_35, %mul3A_143 : i32
      %add3A_145 = arith.constant 3 : i32
      %add3A_146 = arith.addi %mul3A_144, %add3A_145 : i32
      %mul3A_147 = arith.constant 128 : i32
      %mul3A_148 = arith.muli %add3A_146, %mul3A_147 : i32
      %dma_wait3A_149 = tpu.memref_slice %arg5[%mul3A_148] : memref<7680xi32, #tpu.memory_space<vmem>> -> memref<128xi32, #tpu.memory_space<vmem>>
      %dma_wait3A_150 = arith.constant 0 : i32
      %dma_wait3A_151 = arith.constant 0 : i32
      %dma_wait3A_152 = tpu.memref_slice %arg2[%dma_wait3A_150, %dma_wait3A_151] : memref<10000x32xf32, #tpu.memory_space<hbm>> -> memref<10000x32xf32, #tpu.memory_space<hbm>>
      tpu.wait_indirect_dma semaphore(%arg13 : memref<!tpu.dma_semaphore, #tpu.memory_space<semaphore_mem>>) src(%dma_wait3A_152 : memref<10000x32xf32, #tpu.memory_space<hbm>>) dst(%arg9 : memref<128x32xf32, #tpu.memory_space<vmem>>)
      %mul3A_153 = arith.constant 128 : i32
      %mul3A_154 = arith.muli %add3A_146, %mul3A_153 : i32
      %add3A_155 = arith.addi %mul3A_10, %mul3A_154 : i32
      %dma_start3A_156 = arith.constant 0 : i32
      %dma_start3A_157 = tpu.memref_slice %arg4[%add3A_155, %dma_start3A_156] : memref<163840x32xf32, #tpu.memory_space<hbm>> -> memref<128x32xf32, #tpu.memory_space<hbm>>
      %dma_start3A_158 = arith.constant 0 : i32
      %dma_start3A_159 = tpu.memref_slice %arg4[%add3A_155, %dma_start3A_158] : memref<163840x32xf32, #tpu.memory_space<hbm>> -> memref<128x32xf32, #tpu.memory_space<hbm>>
      tpu.enqueue_dma source(%arg9 : memref<128x32xf32, #tpu.memory_space<vmem>>) target(%dma_start3A_159 : memref<128x32xf32, #tpu.memory_space<hbm>>) target_semaphore(%arg17 : memref<!tpu.dma_semaphore, #tpu.memory_space<semaphore_mem>>)
    }
    %while3A_19 = arith.constant 1 : i32
    scf.for %while3A_35 = %while3A_17 to %while3A_13 step %while3A_19  : i32 {
      %mul3A_36 = arith.constant 4 : i32
      %mul3A_37 = arith.muli %while3A_35, %mul3A_36 : i32
      %add3A_38 = arith.constant 0 : i32
      %add3A_39 = arith.addi %mul3A_37, %add3A_38 : i32
      %gt3A = arith.constant 0 : i32
      %gt3A_40 = arith.cmpi sgt, %while3A_35, %gt3A : i32
      %convert_element_type3A = arith.extui %gt3A_40 : i1 to i32
      %cond3A = arith.constant 0 : i32
      %cond3A_41 = arith.cmpi ne, %convert_element_type3A, %cond3A : i32
      scf.if %cond3A_41 {
        %dma_wait3A_160 = arith.constant 0 : i32
        %dma_wait3A_161 = tpu.memref_slice %arg4[%mul3A_10, %dma_wait3A_160] : memref<163840x32xf32, #tpu.memory_space<hbm>> -> memref<128x32xf32, #tpu.memory_space<hbm>>
        %dma_wait3A_162 = arith.constant 0 : i32
        %dma_wait3A_163 = tpu.memref_slice %arg4[%mul3A_10, %dma_wait3A_162] : memref<163840x32xf32, #tpu.memory_space<hbm>> -> memref<128x32xf32, #tpu.memory_space<hbm>>
        tpu.wait_dma2 semaphore(%arg14 : memref<!tpu.dma_semaphore, #tpu.memory_space<semaphore_mem>>) src(%arg6 : memref<128x32xf32, #tpu.memory_space<vmem>>) dst(%dma_wait3A_163 : memref<128x32xf32, #tpu.memory_space<hbm>>)
      } else {
      }
      %mul3A_42 = arith.constant 128 : i32
      %mul3A_43 = arith.muli %add3A_39, %mul3A_42 : i32
      %dma_start3A = tpu.memref_slice %arg5[%mul3A_43] : memref<7680xi32, #tpu.memory_space<vmem>> -> memref<128xi32, #tpu.memory_space<vmem>>
      %dma_start3A_44 = arith.constant 0 : i32
      %dma_start3A_45 = arith.constant 0 : i32
      %dma_start3A_46 = tpu.memref_slice %arg2[%dma_start3A_44, %dma_start3A_45] : memref<10000x32xf32, #tpu.memory_space<hbm>> -> memref<10000x32xf32, #tpu.memory_space<hbm>>
      tpu.enqueue_indirect_dma source(%dma_start3A_46 : memref<10000x32xf32, #tpu.memory_space<hbm>>) target(%arg6 : memref<128x32xf32, #tpu.memory_space<vmem>>) offsets(%dma_start3A : memref<128xi32, #tpu.memory_space<vmem>>) semaphore(%arg10 : memref<!tpu.dma_semaphore, #tpu.memory_space<semaphore_mem>>)
      %mul3A_47 = arith.constant 4 : i32
      %mul3A_48 = arith.muli %while3A_35, %mul3A_47 : i32
      %add3A_49 = arith.constant 1 : i32
      %add3A_50 = arith.addi %mul3A_48, %add3A_49 : i32
      %gt3A_51 = arith.constant 0 : i32
      %gt3A_52 = arith.cmpi sgt, %while3A_35, %gt3A_51 : i32
      %convert_element_type3A_53 = arith.extui %gt3A_52 : i1 to i32
      %cond3A_54 = arith.constant 0 : i32
      %cond3A_55 = arith.cmpi ne, %convert_element_type3A_53, %cond3A_54 : i32
      scf.if %cond3A_55 {
        %dma_wait3A_160 = arith.constant 0 : i32
        %dma_wait3A_161 = tpu.memref_slice %arg4[%mul3A_10, %dma_wait3A_160] : memref<163840x32xf32, #tpu.memory_space<hbm>> -> memref<128x32xf32, #tpu.memory_space<hbm>>
        %dma_wait3A_162 = arith.constant 0 : i32
        %dma_wait3A_163 = tpu.memref_slice %arg4[%mul3A_10, %dma_wait3A_162] : memref<163840x32xf32, #tpu.memory_space<hbm>> -> memref<128x32xf32, #tpu.memory_space<hbm>>
        tpu.wait_dma2 semaphore(%arg15 : memref<!tpu.dma_semaphore, #tpu.memory_space<semaphore_mem>>) src(%arg7 : memref<128x32xf32, #tpu.memory_space<vmem>>) dst(%dma_wait3A_163 : memref<128x32xf32, #tpu.memory_space<hbm>>)
      } else {
      }
      %mul3A_56 = arith.constant 128 : i32
      %mul3A_57 = arith.muli %add3A_50, %mul3A_56 : i32
      %dma_start3A_58 = tpu.memref_slice %arg5[%mul3A_57] : memref<7680xi32, #tpu.memory_space<vmem>> -> memref<128xi32, #tpu.memory_space<vmem>>
      %dma_start3A_59 = arith.constant 0 : i32
      %dma_start3A_60 = arith.constant 0 : i32
      %dma_start3A_61 = tpu.memref_slice %arg2[%dma_start3A_59, %dma_start3A_60] : memref<10000x32xf32, #tpu.memory_space<hbm>> -> memref<10000x32xf32, #tpu.memory_space<hbm>>
      tpu.enqueue_indirect_dma source(%dma_start3A_61 : memref<10000x32xf32, #tpu.memory_space<hbm>>) target(%arg7 : memref<128x32xf32, #tpu.memory_space<vmem>>) offsets(%dma_start3A_58 : memref<128xi32, #tpu.memory_space<vmem>>) semaphore(%arg11 : memref<!tpu.dma_semaphore, #tpu.memory_space<semaphore_mem>>)
      %mul3A_62 = arith.constant 4 : i32
      %mul3A_63 = arith.muli %while3A_35, %mul3A_62 : i32
      %add3A_64 = arith.constant 2 : i32
      %add3A_65 = arith.addi %mul3A_63, %add3A_64 : i32
      %gt3A_66 = arith.constant 0 : i32
      %gt3A_67 = arith.cmpi sgt, %while3A_35, %gt3A_66 : i32
      %convert_element_type3A_68 = arith.extui %gt3A_67 : i1 to i32
      %cond3A_69 = arith.constant 0 : i32
      %cond3A_70 = arith.cmpi ne, %convert_element_type3A_68, %cond3A_69 : i32
      scf.if %cond3A_70 {
        %dma_wait3A_160 = arith.constant 0 : i32
        %dma_wait3A_161 = tpu.memref_slice %arg4[%mul3A_10, %dma_wait3A_160] : memref<163840x32xf32, #tpu.memory_space<hbm>> -> memref<128x32xf32, #tpu.memory_space<hbm>>
        %dma_wait3A_162 = arith.constant 0 : i32
        %dma_wait3A_163 = tpu.memref_slice %arg4[%mul3A_10, %dma_wait3A_162] : memref<163840x32xf32, #tpu.memory_space<hbm>> -> memref<128x32xf32, #tpu.memory_space<hbm>>
        tpu.wait_dma2 semaphore(%arg16 : memref<!tpu.dma_semaphore, #tpu.memory_space<semaphore_mem>>) src(%arg8 : memref<128x32xf32, #tpu.memory_space<vmem>>) dst(%dma_wait3A_163 : memref<128x32xf32, #tpu.memory_space<hbm>>)
      } else {
      }
      %mul3A_71 = arith.constant 128 : i32
      %mul3A_72 = arith.muli %add3A_65, %mul3A_71 : i32
      %dma_start3A_73 = tpu.memref_slice %arg5[%mul3A_72] : memref<7680xi32, #tpu.memory_space<vmem>> -> memref<128xi32, #tpu.memory_space<vmem>>
      %dma_start3A_74 = arith.constant 0 : i32
      %dma_start3A_75 = arith.constant 0 : i32
      %dma_start3A_76 = tpu.memref_slice %arg2[%dma_start3A_74, %dma_start3A_75] : memref<10000x32xf32, #tpu.memory_space<hbm>> -> memref<10000x32xf32, #tpu.memory_space<hbm>>
      tpu.enqueue_indirect_dma source(%dma_start3A_76 : memref<10000x32xf32, #tpu.memory_space<hbm>>) target(%arg8 : memref<128x32xf32, #tpu.memory_space<vmem>>) offsets(%dma_start3A_73 : memref<128xi32, #tpu.memory_space<vmem>>) semaphore(%arg12 : memref<!tpu.dma_semaphore, #tpu.memory_space<semaphore_mem>>)
      %mul3A_77 = arith.constant 4 : i32
      %mul3A_78 = arith.muli %while3A_35, %mul3A_77 : i32
      %add3A_79 = arith.constant 3 : i32
      %add3A_80 = arith.addi %mul3A_78, %add3A_79 : i32
      %gt3A_81 = arith.constant 0 : i32
      %gt3A_82 = arith.cmpi sgt, %while3A_35, %gt3A_81 : i32
      %convert_element_type3A_83 = arith.extui %gt3A_82 : i1 to i32
      %cond3A_84 = arith.constant 0 : i32
      %cond3A_85 = arith.cmpi ne, %convert_element_type3A_83, %cond3A_84 : i32
      scf.if %cond3A_85 {
        %dma_wait3A_160 = arith.constant 0 : i32
        %dma_wait3A_161 = tpu.memref_slice %arg4[%mul3A_10, %dma_wait3A_160] : memref<163840x32xf32, #tpu.memory_space<hbm>> -> memref<128x32xf32, #tpu.memory_space<hbm>>
        %dma_wait3A_162 = arith.constant 0 : i32
        %dma_wait3A_163 = tpu.memref_slice %arg4[%mul3A_10, %dma_wait3A_162] : memref<163840x32xf32, #tpu.memory_space<hbm>> -> memref<128x32xf32, #tpu.memory_space<hbm>>
        tpu.wait_dma2 semaphore(%arg17 : memref<!tpu.dma_semaphore, #tpu.memory_space<semaphore_mem>>) src(%arg9 : memref<128x32xf32, #tpu.memory_space<vmem>>) dst(%dma_wait3A_163 : memref<128x32xf32, #tpu.memory_space<hbm>>)
      } else {
      }
      %mul3A_86 = arith.constant 128 : i32
      %mul3A_87 = arith.muli %add3A_80, %mul3A_86 : i32
      %dma_start3A_88 = tpu.memref_slice %arg5[%mul3A_87] : memref<7680xi32, #tpu.memory_space<vmem>> -> memref<128xi32, #tpu.memory_space<vmem>>
      %dma_start3A_89 = arith.constant 0 : i32
      %dma_start3A_90 = arith.constant 0 : i32
      %dma_start3A_91 = tpu.memref_slice %arg2[%dma_start3A_89, %dma_start3A_90] : memref<10000x32xf32, #tpu.memory_space<hbm>> -> memref<10000x32xf32, #tpu.memory_space<hbm>>
      tpu.enqueue_indirect_dma source(%dma_start3A_91 : memref<10000x32xf32, #tpu.memory_space<hbm>>) target(%arg9 : memref<128x32xf32, #tpu.memory_space<vmem>>) offsets(%dma_start3A_88 : memref<128xi32, #tpu.memory_space<vmem>>) semaphore(%arg13 : memref<!tpu.dma_semaphore, #tpu.memory_space<semaphore_mem>>)
      %mul3A_92 = arith.constant 4 : i32
      %mul3A_93 = arith.muli %while3A_35, %mul3A_92 : i32
      %add3A_94 = arith.constant 0 : i32
      %add3A_95 = arith.addi %mul3A_93, %add3A_94 : i32
      %mul3A_96 = arith.constant 128 : i32
      %mul3A_97 = arith.muli %add3A_95, %mul3A_96 : i32
      %dma_wait3A_98 = tpu.memref_slice %arg5[%mul3A_97] : memref<7680xi32, #tpu.memory_space<vmem>> -> memref<128xi32, #tpu.memory_space<vmem>>
      %dma_wait3A_99 = arith.constant 0 : i32
      %dma_wait3A_100 = arith.constant 0 : i32
      %dma_wait3A_101 = tpu.memref_slice %arg2[%dma_wait3A_99, %dma_wait3A_100] : memref<10000x32xf32, #tpu.memory_space<hbm>> -> memref<10000x32xf32, #tpu.memory_space<hbm>>
      tpu.wait_indirect_dma semaphore(%arg10 : memref<!tpu.dma_semaphore, #tpu.memory_space<semaphore_mem>>) src(%dma_wait3A_101 : memref<10000x32xf32, #tpu.memory_space<hbm>>) dst(%arg6 : memref<128x32xf32, #tpu.memory_space<vmem>>)
      %mul3A_102 = arith.constant 128 : i32
      %mul3A_103 = arith.muli %add3A_95, %mul3A_102 : i32
      %add3A_104 = arith.addi %mul3A_10, %mul3A_103 : i32
      %dma_start3A_105 = arith.constant 0 : i32
      %dma_start3A_106 = tpu.memref_slice %arg4[%add3A_104, %dma_start3A_105] : memref<163840x32xf32, #tpu.memory_space<hbm>> -> memref<128x32xf32, #tpu.memory_space<hbm>>
      %dma_start3A_107 = arith.constant 0 : i32
      %dma_start3A_108 = tpu.memref_slice %arg4[%add3A_104, %dma_start3A_107] : memref<163840x32xf32, #tpu.memory_space<hbm>> -> memref<128x32xf32, #tpu.memory_space<hbm>>
      tpu.enqueue_dma source(%arg6 : memref<128x32xf32, #tpu.memory_space<vmem>>) target(%dma_start3A_108 : memref<128x32xf32, #tpu.memory_space<hbm>>) target_semaphore(%arg14 : memref<!tpu.dma_semaphore, #tpu.memory_space<semaphore_mem>>)
      %mul3A_109 = arith.constant 4 : i32
      %mul3A_110 = arith.muli %while3A_35, %mul3A_109 : i32
      %add3A_111 = arith.constant 1 : i32
      %add3A_112 = arith.addi %mul3A_110, %add3A_111 : i32
      %mul3A_113 = arith.constant 128 : i32
      %mul3A_114 = arith.muli %add3A_112, %mul3A_113 : i32
      %dma_wait3A_115 = tpu.memref_slice %arg5[%mul3A_114] : memref<7680xi32, #tpu.memory_space<vmem>> -> memref<128xi32, #tpu.memory_space<vmem>>
      %dma_wait3A_116 = arith.constant 0 : i32
      %dma_wait3A_117 = arith.constant 0 : i32
      %dma_wait3A_118 = tpu.memref_slice %arg2[%dma_wait3A_116, %dma_wait3A_117] : memref<10000x32xf32, #tpu.memory_space<hbm>> -> memref<10000x32xf32, #tpu.memory_space<hbm>>
      tpu.wait_indirect_dma semaphore(%arg11 : memref<!tpu.dma_semaphore, #tpu.memory_space<semaphore_mem>>) src(%dma_wait3A_118 : memref<10000x32xf32, #tpu.memory_space<hbm>>) dst(%arg7 : memref<128x32xf32, #tpu.memory_space<vmem>>)
      %mul3A_119 = arith.constant 128 : i32
      %mul3A_120 = arith.muli %add3A_112, %mul3A_119 : i32
      %add3A_121 = arith.addi %mul3A_10, %mul3A_120 : i32
      %dma_start3A_122 = arith.constant 0 : i32
      %dma_start3A_123 = tpu.memref_slice %arg4[%add3A_121, %dma_start3A_122] : memref<163840x32xf32, #tpu.memory_space<hbm>> -> memref<128x32xf32, #tpu.memory_space<hbm>>
      %dma_start3A_124 = arith.constant 0 : i32
      %dma_start3A_125 = tpu.memref_slice %arg4[%add3A_121, %dma_start3A_124] : memref<163840x32xf32, #tpu.memory_space<hbm>> -> memref<128x32xf32, #tpu.memory_space<hbm>>
      tpu.enqueue_dma source(%arg7 : memref<128x32xf32, #tpu.memory_space<vmem>>) target(%dma_start3A_125 : memref<128x32xf32, #tpu.memory_space<hbm>>) target_semaphore(%arg15 : memref<!tpu.dma_semaphore, #tpu.memory_space<semaphore_mem>>)
      %mul3A_126 = arith.constant 4 : i32
      %mul3A_127 = arith.muli %while3A_35, %mul3A_126 : i32
      %add3A_128 = arith.constant 2 : i32
      %add3A_129 = arith.addi %mul3A_127, %add3A_128 : i32
      %mul3A_130 = arith.constant 128 : i32
      %mul3A_131 = arith.muli %add3A_129, %mul3A_130 : i32
      %dma_wait3A_132 = tpu.memref_slice %arg5[%mul3A_131] : memref<7680xi32, #tpu.memory_space<vmem>> -> memref<128xi32, #tpu.memory_space<vmem>>
      %dma_wait3A_133 = arith.constant 0 : i32
      %dma_wait3A_134 = arith.constant 0 : i32
      %dma_wait3A_135 = tpu.memref_slice %arg2[%dma_wait3A_133, %dma_wait3A_134] : memref<10000x32xf32, #tpu.memory_space<hbm>> -> memref<10000x32xf32, #tpu.memory_space<hbm>>
      tpu.wait_indirect_dma semaphore(%arg12 : memref<!tpu.dma_semaphore, #tpu.memory_space<semaphore_mem>>) src(%dma_wait3A_135 : memref<10000x32xf32, #tpu.memory_space<hbm>>) dst(%arg8 : memref<128x32xf32, #tpu.memory_space<vmem>>)
      %mul3A_136 = arith.constant 128 : i32
      %mul3A_137 = arith.muli %add3A_129, %mul3A_136 : i32
      %add3A_138 = arith.addi %mul3A_10, %mul3A_137 : i32
      %dma_start3A_139 = arith.constant 0 : i32
      %dma_start3A_140 = tpu.memref_slice %arg4[%add3A_138, %dma_start3A_139] : memref<163840x32xf32, #tpu.memory_space<hbm>> -> memref<128x32xf32, #tpu.memory_space<hbm>>
      %dma_start3A_141 = arith.constant 0 : i32
      %dma_start3A_142 = tpu.memref_slice %arg4[%add3A_138, %dma_start3A_141] : memref<163840x32xf32, #tpu.memory_space<hbm>> -> memref<128x32xf32, #tpu.memory_space<hbm>>
      tpu.enqueue_dma source(%arg8 : memref<128x32xf32, #tpu.memory_space<vmem>>) target(%dma_start3A_142 : memref<128x32xf32, #tpu.memory_space<hbm>>) target_semaphore(%arg16 : memref<!tpu.dma_semaphore, #tpu.memory_space<semaphore_mem>>)
      %mul3A_143 = arith.constant 4 : i32
      %mul3A_144 = arith.muli %while3A_35, %mul3A_143 : i32
      %add3A_145 = arith.constant 3 : i32
      %add3A_146 = arith.addi %mul3A_144, %add3A_145 : i32
      %mul3A_147 = arith.constant 128 : i32
      %mul3A_148 = arith.muli %add3A_146, %mul3A_147 : i32
      %dma_wait3A_149 = tpu.memref_slice %arg5[%mul3A_148] : memref<7680xi32, #tpu.memory_space<vmem>> -> memref<128xi32, #tpu.memory_space<vmem>>
      %dma_wait3A_150 = arith.constant 0 : i32
      %dma_wait3A_151 = arith.constant 0 : i32
      %dma_wait3A_152 = tpu.memref_slice %arg2[%dma_wait3A_150, %dma_wait3A_151] : memref<10000x32xf32, #tpu.memory_space<hbm>> -> memref<10000x32xf32, #tpu.memory_space<hbm>>
      tpu.wait_indirect_dma semaphore(%arg13 : memref<!tpu.dma_semaphore, #tpu.memory_space<semaphore_mem>>) src(%dma_wait3A_152 : memref<10000x32xf32, #tpu.memory_space<hbm>>) dst(%arg9 : memref<128x32xf32, #tpu.memory_space<vmem>>)
      %mul3A_153 = arith.constant 128 : i32
      %mul3A_154 = arith.muli %add3A_146, %mul3A_153 : i32
      %add3A_155 = arith.addi %mul3A_10, %mul3A_154 : i32
      %dma_start3A_156 = arith.constant 0 : i32
      %dma_start3A_157 = tpu.memref_slice %arg4[%add3A_155, %dma_start3A_156] : memref<163840x32xf32, #tpu.memory_space<hbm>> -> memref<128x32xf32, #tpu.memory_space<hbm>>
      %dma_start3A_158 = arith.constant 0 : i32
      %dma_start3A_159 = tpu.memref_slice %arg4[%add3A_155, %dma_start3A_158] : memref<163840x32xf32, #tpu.memory_space<hbm>> -> memref<128x32xf32, #tpu.memory_space<hbm>>
      tpu.enqueue_dma source(%arg9 : memref<128x32xf32, #tpu.memory_space<vmem>>) target(%dma_start3A_159 : memref<128x32xf32, #tpu.memory_space<hbm>>) target_semaphore(%arg17 : memref<!tpu.dma_semaphore, #tpu.memory_space<semaphore_mem>>)
    }
    %dma_wait3A = arith.constant 0 : i32
    %dma_wait3A_20 = tpu.memref_slice %arg4[%mul3A_10, %dma_wait3A] : memref<163840x32xf32, #tpu.memory_space<hbm>> -> memref<128x32xf32, #tpu.memory_space<hbm>>
    %dma_wait3A_21 = arith.constant 0 : i32
    %dma_wait3A_22 = tpu.memref_slice %arg4[%mul3A_10, %dma_wait3A_21] : memref<163840x32xf32, #tpu.memory_space<hbm>> -> memref<128x32xf32, #tpu.memory_space<hbm>>
    tpu.wait_dma2 semaphore(%arg14 : memref<!tpu.dma_semaphore, #tpu.memory_space<semaphore_mem>>) src(%arg6 : memref<128x32xf32, #tpu.memory_space<vmem>>) dst(%dma_wait3A_22 : memref<128x32xf32, #tpu.memory_space<hbm>>)
    %dma_wait3A_23 = arith.constant 0 : i32
    %dma_wait3A_24 = tpu.memref_slice %arg4[%mul3A_10, %dma_wait3A_23] : memref<163840x32xf32, #tpu.memory_space<hbm>> -> memref<128x32xf32, #tpu.memory_space<hbm>>
    %dma_wait3A_25 = arith.constant 0 : i32
    %dma_wait3A_26 = tpu.memref_slice %arg4[%mul3A_10, %dma_wait3A_25] : memref<163840x32xf32, #tpu.memory_space<hbm>> -> memref<128x32xf32, #tpu.memory_space<hbm>>
    tpu.wait_dma2 semaphore(%arg15 : memref<!tpu.dma_semaphore, #tpu.memory_space<semaphore_mem>>) src(%arg7 : memref<128x32xf32, #tpu.memory_space<vmem>>) dst(%dma_wait3A_26 : memref<128x32xf32, #tpu.memory_space<hbm>>)
    %dma_wait3A_27 = arith.constant 0 : i32
    %dma_wait3A_28 = tpu.memref_slice %arg4[%mul3A_10, %dma_wait3A_27] : memref<163840x32xf32, #tpu.memory_space<hbm>> -> memref<128x32xf32, #tpu.memory_space<hbm>>
    %dma_wait3A_29 = arith.constant 0 : i32
    %dma_wait3A_30 = tpu.memref_slice %arg4[%mul3A_10, %dma_wait3A_29] : memref<163840x32xf32, #tpu.memory_space<hbm>> -> memref<128x32xf32, #tpu.memory_space<hbm>>
    tpu.wait_dma2 semaphore(%arg16 : memref<!tpu.dma_semaphore, #tpu.memory_space<semaphore_mem>>) src(%arg8 : memref<128x32xf32, #tpu.memory_space<vmem>>) dst(%dma_wait3A_30 : memref<128x32xf32, #tpu.memory_space<hbm>>)
    %dma_wait3A_31 = arith.constant 0 : i32
    %dma_wait3A_32 = tpu.memref_slice %arg4[%mul3A_10, %dma_wait3A_31] : memref<163840x32xf32, #tpu.memory_space<hbm>> -> memref<128x32xf32, #tpu.memory_space<hbm>>
    %dma_wait3A_33 = arith.constant 0 : i32
    %dma_wait3A_34 = tpu.memref_slice %arg4[%mul3A_10, %dma_wait3A_33] : memref<163840x32xf32, #tpu.memory_space<hbm>> -> memref<128x32xf32, #tpu.memory_space<hbm>>
    tpu.wait_dma2 semaphore(%arg17 : memref<!tpu.dma_semaphore, #tpu.memory_space<semaphore_mem>>) src(%arg9 : memref<128x32xf32, #tpu.memory_space<vmem>>) dst(%dma_wait3A_34 : memref<128x32xf32, #tpu.memory_space<hbm>>)
    return
  }
}

#map = affine_map<(d0, d1) -> (0, 0)>
module attributes {stable_mosaic.version = 14 : i64} {
  func.func @body(%arg0: i32, %arg1: i32, %arg2: memref<163840x32xf32, #tpu.memory_space<hbm>>, %arg3: memref<1280x128xi32, #tpu.memory_space<hbm>>, %arg4: memref<10240x32xf32, #tpu.memory_space<hbm>>, %arg5: memref<20480x32xf32, #tpu.memory_space<hbm>>, %arg6: memref<40x128xi32, #tpu.memory_space<vmem>>, %arg7: memref<128x32xf32, #tpu.memory_space<vmem>>, %arg8: memref<128x32xf32, #tpu.memory_space<vmem>>, %arg9: memref<128x32xf32, #tpu.memory_space<vmem>>, %arg10: memref<128x32xf32, #tpu.memory_space<vmem>>, %arg11: memref<10240x32xf32, #tpu.memory_space<vmem_shared>>, %arg12: memref<!tpu.dma_semaphore, #tpu.memory_space<semaphore_mem>>, %arg13: memref<!tpu.dma_semaphore, #tpu.memory_space<semaphore_mem>>, %arg14: memref<!tpu.dma_semaphore, #tpu.memory_space<semaphore_mem>>, %arg15: memref<!tpu.dma_semaphore, #tpu.memory_space<semaphore_mem>>) attributes {dimension_semantics = [#tpu.dimension_semantics<core_parallel>, #tpu.dimension_semantics<subcore_parallel>], iteration_bounds = array<i64: 2, 16>, scalar_prefetch = 0 : i64, scratch_operands = 10 : i64, tpu.core_type = #tpu.core_type<sc_vector_subcore>, window_params = [{transform_indices = #map}, {transform_indices = #map}, {transform_indices = #map}, {transform_indices = #map}]} {
    %mul3A = arith.constant 2 : i32
    %mul3A_0 = arith.muli %arg1, %mul3A : i32
    %add3A = arith.addi %mul3A_0, %arg0 : i32
    %mul3A_1 = arith.constant 640 : i32
    %mul3A_2 = arith.muli %arg1, %mul3A_1 : i32
    %mul3A_3 = arith.constant 640 : i32
    %mul3A_4 = arith.muli %arg1, %mul3A_3 : i32
    "tpu.region"() ({
      %run_scoped3A = tpu.sem_alloc : memref<!tpu.dma_semaphore, #tpu.memory_space<semaphore_mem>>
      %dma_start3A_47 = arith.constant 0 : i32
      %dma_start3A_48 = tpu.memref_slice %arg11[%mul3A_4, %dma_start3A_47] : memref<10240x32xf32, #tpu.memory_space<vmem_shared>> -> memref<640x32xf32, #tpu.memory_space<vmem_shared>>
      %dma_start3A_49 = arith.constant 0 : i32
      %dma_start3A_50 = tpu.memref_slice %arg4[%mul3A_2, %dma_start3A_49] : memref<10240x32xf32, #tpu.memory_space<hbm>> -> memref<640x32xf32, #tpu.memory_space<hbm>>
      tpu.enqueue_dma source(%dma_start3A_50 : memref<640x32xf32, #tpu.memory_space<hbm>>) target(%dma_start3A_48 : memref<640x32xf32, #tpu.memory_space<vmem_shared>>) target_semaphore(%run_scoped3A : memref<!tpu.dma_semaphore, #tpu.memory_space<semaphore_mem>>)
      %dma_wait3A = arith.constant 0 : i32
      %dma_wait3A_51 = tpu.memref_slice %arg11[%mul3A_4, %dma_wait3A] : memref<10240x32xf32, #tpu.memory_space<vmem_shared>> -> memref<640x32xf32, #tpu.memory_space<vmem_shared>>
      %dma_wait3A_52 = arith.constant 0 : i32
      %dma_wait3A_53 = tpu.memref_slice %arg4[%mul3A_2, %dma_wait3A_52] : memref<10240x32xf32, #tpu.memory_space<hbm>> -> memref<640x32xf32, #tpu.memory_space<hbm>>
      tpu.wait_dma2 semaphore(%run_scoped3A : memref<!tpu.dma_semaphore, #tpu.memory_space<semaphore_mem>>) src(%dma_wait3A_53 : memref<640x32xf32, #tpu.memory_space<hbm>>) dst(%dma_wait3A_51 : memref<640x32xf32, #tpu.memory_space<vmem_shared>>)
      tpu.yield
    }) : () -> ()
    %mul3A_5 = arith.constant 40 : i32
    %mul3A_6 = arith.muli %add3A, %mul3A_5 : i32
    "tpu.region"() ({
      %run_scoped3A = tpu.sem_alloc : memref<!tpu.dma_semaphore, #tpu.memory_space<semaphore_mem>>
      %dma_start3A_47 = arith.constant 0 : i32
      %dma_start3A_48 = tpu.memref_slice %arg3[%mul3A_6, %dma_start3A_47] : memref<1280x128xi32, #tpu.memory_space<hbm>> -> memref<40x128xi32, #tpu.memory_space<hbm>>
      %dma_start3A_49 = arith.constant 0 : i32
      %dma_start3A_50 = tpu.memref_slice %arg3[%mul3A_6, %dma_start3A_49] : memref<1280x128xi32, #tpu.memory_space<hbm>> -> memref<40x128xi32, #tpu.memory_space<hbm>>
      tpu.enqueue_dma source(%dma_start3A_50 : memref<40x128xi32, #tpu.memory_space<hbm>>) target(%arg6 : memref<40x128xi32, #tpu.memory_space<vmem>>) target_semaphore(%run_scoped3A : memref<!tpu.dma_semaphore, #tpu.memory_space<semaphore_mem>>)
      %dma_wait3A = arith.constant 0 : i32
      %dma_wait3A_51 = tpu.memref_slice %arg3[%mul3A_6, %dma_wait3A] : memref<1280x128xi32, #tpu.memory_space<hbm>> -> memref<40x128xi32, #tpu.memory_space<hbm>>
      %dma_wait3A_52 = arith.constant 0 : i32
      %dma_wait3A_53 = tpu.memref_slice %arg3[%mul3A_6, %dma_wait3A_52] : memref<1280x128xi32, #tpu.memory_space<hbm>> -> memref<40x128xi32, #tpu.memory_space<hbm>>
      tpu.wait_dma2 semaphore(%run_scoped3A : memref<!tpu.dma_semaphore, #tpu.memory_space<semaphore_mem>>) src(%dma_wait3A_53 : memref<40x128xi32, #tpu.memory_space<hbm>>) dst(%arg6 : memref<40x128xi32, #tpu.memory_space<vmem>>)
      tpu.yield
    }) : () -> ()
    %barrier3A = arith.constant 0 : index
    tpu.barrier barrier_id(%barrier3A)
    %mul3A_7 = arith.constant 40 : i32
    %mul3A_8 = arith.muli %add3A, %mul3A_7 : i32
    %mul3A_9 = arith.constant 128 : i32
    %mul3A_10 = arith.muli %mul3A_8, %mul3A_9 : i32
    %add3A_11 = arith.constant 0 : i32
    %add3A_12 = arith.addi %mul3A_10, %add3A_11 : i32
    %dma_start3A = arith.constant 0 : i32
    %dma_start3A_13 = tpu.memref_slice %arg2[%add3A_12, %dma_start3A] : memref<163840x32xf32, #tpu.memory_space<hbm>> -> memref<128x32xf32, #tpu.memory_space<hbm>>
    %dma_start3A_14 = arith.constant 0 : i32
    %dma_start3A_15 = tpu.memref_slice %arg2[%add3A_12, %dma_start3A_14] : memref<163840x32xf32, #tpu.memory_space<hbm>> -> memref<128x32xf32, #tpu.memory_space<hbm>>
    tpu.enqueue_dma source(%dma_start3A_15 : memref<128x32xf32, #tpu.memory_space<hbm>>) target(%arg7 : memref<128x32xf32, #tpu.memory_space<vmem>>) target_semaphore(%arg12 : memref<!tpu.dma_semaphore, #tpu.memory_space<semaphore_mem>>)
    %add3A_16 = arith.constant 128 : i32
    %add3A_17 = arith.addi %mul3A_10, %add3A_16 : i32
    %dma_start3A_18 = arith.constant 0 : i32
    %dma_start3A_19 = tpu.memref_slice %arg2[%add3A_17, %dma_start3A_18] : memref<163840x32xf32, #tpu.memory_space<hbm>> -> memref<128x32xf32, #tpu.memory_space<hbm>>
    %dma_start3A_20 = arith.constant 0 : i32
    %dma_start3A_21 = tpu.memref_slice %arg2[%add3A_17, %dma_start3A_20] : memref<163840x32xf32, #tpu.memory_space<hbm>> -> memref<128x32xf32, #tpu.memory_space<hbm>>
    tpu.enqueue_dma source(%dma_start3A_21 : memref<128x32xf32, #tpu.memory_space<hbm>>) target(%arg8 : memref<128x32xf32, #tpu.memory_space<vmem>>) target_semaphore(%arg13 : memref<!tpu.dma_semaphore, #tpu.memory_space<semaphore_mem>>)
    %add3A_22 = arith.constant 256 : i32
    %add3A_23 = arith.addi %mul3A_10, %add3A_22 : i32
    %dma_start3A_24 = arith.constant 0 : i32
    %dma_start3A_25 = tpu.memref_slice %arg2[%add3A_23, %dma_start3A_24] : memref<163840x32xf32, #tpu.memory_space<hbm>> -> memref<128x32xf32, #tpu.memory_space<hbm>>
    %dma_start3A_26 = arith.constant 0 : i32
    %dma_start3A_27 = tpu.memref_slice %arg2[%add3A_23, %dma_start3A_26] : memref<163840x32xf32, #tpu.memory_space<hbm>> -> memref<128x32xf32, #tpu.memory_space<hbm>>
    tpu.enqueue_dma source(%dma_start3A_27 : memref<128x32xf32, #tpu.memory_space<hbm>>) target(%arg9 : memref<128x32xf32, #tpu.memory_space<vmem>>) target_semaphore(%arg14 : memref<!tpu.dma_semaphore, #tpu.memory_space<semaphore_mem>>)
    %add3A_28 = arith.constant 384 : i32
    %add3A_29 = arith.addi %mul3A_10, %add3A_28 : i32
    %dma_start3A_30 = arith.constant 0 : i32
    %dma_start3A_31 = tpu.memref_slice %arg2[%add3A_29, %dma_start3A_30] : memref<163840x32xf32, #tpu.memory_space<hbm>> -> memref<128x32xf32, #tpu.memory_space<hbm>>
    %dma_start3A_32 = arith.constant 0 : i32
    %dma_start3A_33 = tpu.memref_slice %arg2[%add3A_29, %dma_start3A_32] : memref<163840x32xf32, #tpu.memory_space<hbm>> -> memref<128x32xf32, #tpu.memory_space<hbm>>
    tpu.enqueue_dma source(%dma_start3A_33 : memref<128x32xf32, #tpu.memory_space<hbm>>) target(%arg10 : memref<128x32xf32, #tpu.memory_space<vmem>>) target_semaphore(%arg15 : memref<!tpu.dma_semaphore, #tpu.memory_space<semaphore_mem>>)
    %scan3A = arith.constant 0 : i32
    %scan3A_34 = arith.constant 0 : i32
    %scan3A_35 = arith.constant 10 : i32
    %scan3A_36 = arith.addi %scan3A_34, %scan3A_35 : i32
    %scan3A_37 = arith.constant 1 : i32
    scf.for %scan3A_47 = %scan3A_34 to %scan3A_36 step %scan3A_37  : i32 {
      %mul3A_48 = arith.constant 4 : i32
      %mul3A_49 = arith.muli %scan3A_47, %mul3A_48 : i32
      %add3A_50 = arith.constant 0 : i32
      %add3A_51 = arith.addi %mul3A_49, %add3A_50 : i32
      %dma_wait3A = arith.constant 0 : i32
      %dma_wait3A_52 = tpu.memref_slice %arg2[%mul3A_10, %dma_wait3A] : memref<163840x32xf32, #tpu.memory_space<hbm>> -> memref<128x32xf32, #tpu.memory_space<hbm>>
      %dma_wait3A_53 = arith.constant 0 : i32
      %dma_wait3A_54 = tpu.memref_slice %arg2[%mul3A_10, %dma_wait3A_53] : memref<163840x32xf32, #tpu.memory_space<hbm>> -> memref<128x32xf32, #tpu.memory_space<hbm>>
      tpu.wait_dma2 semaphore(%arg12 : memref<!tpu.dma_semaphore, #tpu.memory_space<semaphore_mem>>) src(%dma_wait3A_54 : memref<128x32xf32, #tpu.memory_space<hbm>>) dst(%arg7 : memref<128x32xf32, #tpu.memory_space<vmem>>)
      "tpu.region"() ({
        %run_scoped3A = tpu.sem_alloc : memref<!tpu.dma_semaphore, #tpu.memory_space<semaphore_mem>>
        %dma_start3A_96 = arith.constant 0 : i32
        %dma_start3A_97 = tpu.memref_slice %arg6[%add3A_51, %dma_start3A_96] : memref<40x128xi32, #tpu.memory_space<vmem>> -> memref<1x128xi32, #tpu.memory_space<vmem>>
        %dma_start3A_98 = tpu.memref_squeeze %dma_start3A_97 : memref<1x128xi32, #tpu.memory_space<vmem>> -> memref<128xi32, #tpu.memory_space<vmem>>
        %dma_start3A_99 = arith.constant 0 : i32
        %dma_start3A_100 = arith.constant 0 : i32
        %dma_start3A_101 = tpu.memref_slice %arg11[%dma_start3A_99, %dma_start3A_100] : memref<10240x32xf32, #tpu.memory_space<vmem_shared>> -> memref<10240x32xf32, #tpu.memory_space<vmem_shared>>
        tpu.enqueue_indirect_dma source(%arg7 : memref<128x32xf32, #tpu.memory_space<vmem>>) target(%dma_start3A_101 : memref<10240x32xf32, #tpu.memory_space<vmem_shared>>) offsets(%dma_start3A_98 : memref<128xi32, #tpu.memory_space<vmem>>) semaphore(%run_scoped3A : memref<!tpu.dma_semaphore, #tpu.memory_space<semaphore_mem>>) {add = true}
        %dma_wait3A_102 = arith.constant 0 : i32
        %dma_wait3A_103 = tpu.memref_slice %arg6[%add3A_51, %dma_wait3A_102] : memref<40x128xi32, #tpu.memory_space<vmem>> -> memref<1x128xi32, #tpu.memory_space<vmem>>
        %dma_wait3A_104 = tpu.memref_squeeze %dma_wait3A_103 : memref<1x128xi32, #tpu.memory_space<vmem>> -> memref<128xi32, #tpu.memory_space<vmem>>
        %dma_wait3A_105 = arith.constant 0 : i32
        %dma_wait3A_106 = arith.constant 0 : i32
        %dma_wait3A_107 = tpu.memref_slice %arg11[%dma_wait3A_105, %dma_wait3A_106] : memref<10240x32xf32, #tpu.memory_space<vmem_shared>> -> memref<10240x32xf32, #tpu.memory_space<vmem_shared>>
        tpu.wait_indirect_dma semaphore(%run_scoped3A : memref<!tpu.dma_semaphore, #tpu.memory_space<semaphore_mem>>) src(%arg7 : memref<128x32xf32, #tpu.memory_space<vmem>>) dst(%dma_wait3A_107 : memref<10240x32xf32, #tpu.memory_space<vmem_shared>>)
        tpu.yield
      }) : () -> ()
      %lt3A = arith.constant 9 : i32
      %lt3A_55 = arith.cmpi slt, %scan3A_47, %lt3A : i32
      %convert_element_type3A = arith.extui %lt3A_55 : i1 to i32
      %cond3A = arith.constant 0 : i32
      %cond3A_56 = arith.cmpi ne, %convert_element_type3A, %cond3A : i32
      scf.if %cond3A_56 {
        %add3A_96 = arith.constant 4 : i32
        %add3A_97 = arith.addi %add3A_51, %add3A_96 : i32
        %mul3A_98 = arith.constant 128 : i32
        %mul3A_99 = arith.muli %add3A_97, %mul3A_98 : i32
        %add3A_100 = arith.addi %mul3A_10, %mul3A_99 : i32
        %dma_start3A_101 = arith.constant 0 : i32
        %dma_start3A_102 = tpu.memref_slice %arg2[%add3A_100, %dma_start3A_101] : memref<163840x32xf32, #tpu.memory_space<hbm>> -> memref<128x32xf32, #tpu.memory_space<hbm>>
        %dma_start3A_103 = arith.constant 0 : i32
        %dma_start3A_104 = tpu.memref_slice %arg2[%add3A_100, %dma_start3A_103] : memref<163840x32xf32, #tpu.memory_space<hbm>> -> memref<128x32xf32, #tpu.memory_space<hbm>>
        tpu.enqueue_dma source(%dma_start3A_104 : memref<128x32xf32, #tpu.memory_space<hbm>>) target(%arg7 : memref<128x32xf32, #tpu.memory_space<vmem>>) target_semaphore(%arg12 : memref<!tpu.dma_semaphore, #tpu.memory_space<semaphore_mem>>)
      } else {
      }
      %mul3A_57 = arith.constant 4 : i32
      %mul3A_58 = arith.muli %scan3A_47, %mul3A_57 : i32
      %add3A_59 = arith.constant 1 : i32
      %add3A_60 = arith.addi %mul3A_58, %add3A_59 : i32
      %dma_wait3A_61 = arith.constant 0 : i32
      %dma_wait3A_62 = tpu.memref_slice %arg2[%mul3A_10, %dma_wait3A_61] : memref<163840x32xf32, #tpu.memory_space<hbm>> -> memref<128x32xf32, #tpu.memory_space<hbm>>
      %dma_wait3A_63 = arith.constant 0 : i32
      %dma_wait3A_64 = tpu.memref_slice %arg2[%mul3A_10, %dma_wait3A_63] : memref<163840x32xf32, #tpu.memory_space<hbm>> -> memref<128x32xf32, #tpu.memory_space<hbm>>
      tpu.wait_dma2 semaphore(%arg13 : memref<!tpu.dma_semaphore, #tpu.memory_space<semaphore_mem>>) src(%dma_wait3A_64 : memref<128x32xf32, #tpu.memory_space<hbm>>) dst(%arg8 : memref<128x32xf32, #tpu.memory_space<vmem>>)
      "tpu.region"() ({
        %run_scoped3A = tpu.sem_alloc : memref<!tpu.dma_semaphore, #tpu.memory_space<semaphore_mem>>
        %dma_start3A_96 = arith.constant 0 : i32
        %dma_start3A_97 = tpu.memref_slice %arg6[%add3A_60, %dma_start3A_96] : memref<40x128xi32, #tpu.memory_space<vmem>> -> memref<1x128xi32, #tpu.memory_space<vmem>>
        %dma_start3A_98 = tpu.memref_squeeze %dma_start3A_97 : memref<1x128xi32, #tpu.memory_space<vmem>> -> memref<128xi32, #tpu.memory_space<vmem>>
        %dma_start3A_99 = arith.constant 0 : i32
        %dma_start3A_100 = arith.constant 0 : i32
        %dma_start3A_101 = tpu.memref_slice %arg11[%dma_start3A_99, %dma_start3A_100] : memref<10240x32xf32, #tpu.memory_space<vmem_shared>> -> memref<10240x32xf32, #tpu.memory_space<vmem_shared>>
        tpu.enqueue_indirect_dma source(%arg8 : memref<128x32xf32, #tpu.memory_space<vmem>>) target(%dma_start3A_101 : memref<10240x32xf32, #tpu.memory_space<vmem_shared>>) offsets(%dma_start3A_98 : memref<128xi32, #tpu.memory_space<vmem>>) semaphore(%run_scoped3A : memref<!tpu.dma_semaphore, #tpu.memory_space<semaphore_mem>>) {add = true}
        %dma_wait3A_102 = arith.constant 0 : i32
        %dma_wait3A_103 = tpu.memref_slice %arg6[%add3A_60, %dma_wait3A_102] : memref<40x128xi32, #tpu.memory_space<vmem>> -> memref<1x128xi32, #tpu.memory_space<vmem>>
        %dma_wait3A_104 = tpu.memref_squeeze %dma_wait3A_103 : memref<1x128xi32, #tpu.memory_space<vmem>> -> memref<128xi32, #tpu.memory_space<vmem>>
        %dma_wait3A_105 = arith.constant 0 : i32
        %dma_wait3A_106 = arith.constant 0 : i32
        %dma_wait3A_107 = tpu.memref_slice %arg11[%dma_wait3A_105, %dma_wait3A_106] : memref<10240x32xf32, #tpu.memory_space<vmem_shared>> -> memref<10240x32xf32, #tpu.memory_space<vmem_shared>>
        tpu.wait_indirect_dma semaphore(%run_scoped3A : memref<!tpu.dma_semaphore, #tpu.memory_space<semaphore_mem>>) src(%arg8 : memref<128x32xf32, #tpu.memory_space<vmem>>) dst(%dma_wait3A_107 : memref<10240x32xf32, #tpu.memory_space<vmem_shared>>)
        tpu.yield
      }) : () -> ()
      %lt3A_65 = arith.constant 9 : i32
      %lt3A_66 = arith.cmpi slt, %scan3A_47, %lt3A_65 : i32
      %convert_element_type3A_67 = arith.extui %lt3A_66 : i1 to i32
      %cond3A_68 = arith.constant 0 : i32
      %cond3A_69 = arith.cmpi ne, %convert_element_type3A_67, %cond3A_68 : i32
      scf.if %cond3A_69 {
        %add3A_96 = arith.constant 4 : i32
        %add3A_97 = arith.addi %add3A_60, %add3A_96 : i32
        %mul3A_98 = arith.constant 128 : i32
        %mul3A_99 = arith.muli %add3A_97, %mul3A_98 : i32
        %add3A_100 = arith.addi %mul3A_10, %mul3A_99 : i32
        %dma_start3A_101 = arith.constant 0 : i32
        %dma_start3A_102 = tpu.memref_slice %arg2[%add3A_100, %dma_start3A_101] : memref<163840x32xf32, #tpu.memory_space<hbm>> -> memref<128x32xf32, #tpu.memory_space<hbm>>
        %dma_start3A_103 = arith.constant 0 : i32
        %dma_start3A_104 = tpu.memref_slice %arg2[%add3A_100, %dma_start3A_103] : memref<163840x32xf32, #tpu.memory_space<hbm>> -> memref<128x32xf32, #tpu.memory_space<hbm>>
        tpu.enqueue_dma source(%dma_start3A_104 : memref<128x32xf32, #tpu.memory_space<hbm>>) target(%arg8 : memref<128x32xf32, #tpu.memory_space<vmem>>) target_semaphore(%arg13 : memref<!tpu.dma_semaphore, #tpu.memory_space<semaphore_mem>>)
      } else {
      }
      %mul3A_70 = arith.constant 4 : i32
      %mul3A_71 = arith.muli %scan3A_47, %mul3A_70 : i32
      %add3A_72 = arith.constant 2 : i32
      %add3A_73 = arith.addi %mul3A_71, %add3A_72 : i32
      %dma_wait3A_74 = arith.constant 0 : i32
      %dma_wait3A_75 = tpu.memref_slice %arg2[%mul3A_10, %dma_wait3A_74] : memref<163840x32xf32, #tpu.memory_space<hbm>> -> memref<128x32xf32, #tpu.memory_space<hbm>>
      %dma_wait3A_76 = arith.constant 0 : i32
      %dma_wait3A_77 = tpu.memref_slice %arg2[%mul3A_10, %dma_wait3A_76] : memref<163840x32xf32, #tpu.memory_space<hbm>> -> memref<128x32xf32, #tpu.memory_space<hbm>>
      tpu.wait_dma2 semaphore(%arg14 : memref<!tpu.dma_semaphore, #tpu.memory_space<semaphore_mem>>) src(%dma_wait3A_77 : memref<128x32xf32, #tpu.memory_space<hbm>>) dst(%arg9 : memref<128x32xf32, #tpu.memory_space<vmem>>)
      "tpu.region"() ({
        %run_scoped3A = tpu.sem_alloc : memref<!tpu.dma_semaphore, #tpu.memory_space<semaphore_mem>>
        %dma_start3A_96 = arith.constant 0 : i32
        %dma_start3A_97 = tpu.memref_slice %arg6[%add3A_73, %dma_start3A_96] : memref<40x128xi32, #tpu.memory_space<vmem>> -> memref<1x128xi32, #tpu.memory_space<vmem>>
        %dma_start3A_98 = tpu.memref_squeeze %dma_start3A_97 : memref<1x128xi32, #tpu.memory_space<vmem>> -> memref<128xi32, #tpu.memory_space<vmem>>
        %dma_start3A_99 = arith.constant 0 : i32
        %dma_start3A_100 = arith.constant 0 : i32
        %dma_start3A_101 = tpu.memref_slice %arg11[%dma_start3A_99, %dma_start3A_100] : memref<10240x32xf32, #tpu.memory_space<vmem_shared>> -> memref<10240x32xf32, #tpu.memory_space<vmem_shared>>
        tpu.enqueue_indirect_dma source(%arg9 : memref<128x32xf32, #tpu.memory_space<vmem>>) target(%dma_start3A_101 : memref<10240x32xf32, #tpu.memory_space<vmem_shared>>) offsets(%dma_start3A_98 : memref<128xi32, #tpu.memory_space<vmem>>) semaphore(%run_scoped3A : memref<!tpu.dma_semaphore, #tpu.memory_space<semaphore_mem>>) {add = true}
        %dma_wait3A_102 = arith.constant 0 : i32
        %dma_wait3A_103 = tpu.memref_slice %arg6[%add3A_73, %dma_wait3A_102] : memref<40x128xi32, #tpu.memory_space<vmem>> -> memref<1x128xi32, #tpu.memory_space<vmem>>
        %dma_wait3A_104 = tpu.memref_squeeze %dma_wait3A_103 : memref<1x128xi32, #tpu.memory_space<vmem>> -> memref<128xi32, #tpu.memory_space<vmem>>
        %dma_wait3A_105 = arith.constant 0 : i32
        %dma_wait3A_106 = arith.constant 0 : i32
        %dma_wait3A_107 = tpu.memref_slice %arg11[%dma_wait3A_105, %dma_wait3A_106] : memref<10240x32xf32, #tpu.memory_space<vmem_shared>> -> memref<10240x32xf32, #tpu.memory_space<vmem_shared>>
        tpu.wait_indirect_dma semaphore(%run_scoped3A : memref<!tpu.dma_semaphore, #tpu.memory_space<semaphore_mem>>) src(%arg9 : memref<128x32xf32, #tpu.memory_space<vmem>>) dst(%dma_wait3A_107 : memref<10240x32xf32, #tpu.memory_space<vmem_shared>>)
        tpu.yield
      }) : () -> ()
      %lt3A_78 = arith.constant 9 : i32
      %lt3A_79 = arith.cmpi slt, %scan3A_47, %lt3A_78 : i32
      %convert_element_type3A_80 = arith.extui %lt3A_79 : i1 to i32
      %cond3A_81 = arith.constant 0 : i32
      %cond3A_82 = arith.cmpi ne, %convert_element_type3A_80, %cond3A_81 : i32
      scf.if %cond3A_82 {
        %add3A_96 = arith.constant 4 : i32
        %add3A_97 = arith.addi %add3A_73, %add3A_96 : i32
        %mul3A_98 = arith.constant 128 : i32
        %mul3A_99 = arith.muli %add3A_97, %mul3A_98 : i32
        %add3A_100 = arith.addi %mul3A_10, %mul3A_99 : i32
        %dma_start3A_101 = arith.constant 0 : i32
        %dma_start3A_102 = tpu.memref_slice %arg2[%add3A_100, %dma_start3A_101] : memref<163840x32xf32, #tpu.memory_space<hbm>> -> memref<128x32xf32, #tpu.memory_space<hbm>>
        %dma_start3A_103 = arith.constant 0 : i32
        %dma_start3A_104 = tpu.memref_slice %arg2[%add3A_100, %dma_start3A_103] : memref<163840x32xf32, #tpu.memory_space<hbm>> -> memref<128x32xf32, #tpu.memory_space<hbm>>
        tpu.enqueue_dma source(%dma_start3A_104 : memref<128x32xf32, #tpu.memory_space<hbm>>) target(%arg9 : memref<128x32xf32, #tpu.memory_space<vmem>>) target_semaphore(%arg14 : memref<!tpu.dma_semaphore, #tpu.memory_space<semaphore_mem>>)
      } else {
      }
      %mul3A_83 = arith.constant 4 : i32
      %mul3A_84 = arith.muli %scan3A_47, %mul3A_83 : i32
      %add3A_85 = arith.constant 3 : i32
      %add3A_86 = arith.addi %mul3A_84, %add3A_85 : i32
      %dma_wait3A_87 = arith.constant 0 : i32
      %dma_wait3A_88 = tpu.memref_slice %arg2[%mul3A_10, %dma_wait3A_87] : memref<163840x32xf32, #tpu.memory_space<hbm>> -> memref<128x32xf32, #tpu.memory_space<hbm>>
      %dma_wait3A_89 = arith.constant 0 : i32
      %dma_wait3A_90 = tpu.memref_slice %arg2[%mul3A_10, %dma_wait3A_89] : memref<163840x32xf32, #tpu.memory_space<hbm>> -> memref<128x32xf32, #tpu.memory_space<hbm>>
      tpu.wait_dma2 semaphore(%arg15 : memref<!tpu.dma_semaphore, #tpu.memory_space<semaphore_mem>>) src(%dma_wait3A_90 : memref<128x32xf32, #tpu.memory_space<hbm>>) dst(%arg10 : memref<128x32xf32, #tpu.memory_space<vmem>>)
      "tpu.region"() ({
        %run_scoped3A = tpu.sem_alloc : memref<!tpu.dma_semaphore, #tpu.memory_space<semaphore_mem>>
        %dma_start3A_96 = arith.constant 0 : i32
        %dma_start3A_97 = tpu.memref_slice %arg6[%add3A_86, %dma_start3A_96] : memref<40x128xi32, #tpu.memory_space<vmem>> -> memref<1x128xi32, #tpu.memory_space<vmem>>
        %dma_start3A_98 = tpu.memref_squeeze %dma_start3A_97 : memref<1x128xi32, #tpu.memory_space<vmem>> -> memref<128xi32, #tpu.memory_space<vmem>>
        %dma_start3A_99 = arith.constant 0 : i32
        %dma_start3A_100 = arith.constant 0 : i32
        %dma_start3A_101 = tpu.memref_slice %arg11[%dma_start3A_99, %dma_start3A_100] : memref<10240x32xf32, #tpu.memory_space<vmem_shared>> -> memref<10240x32xf32, #tpu.memory_space<vmem_shared>>
        tpu.enqueue_indirect_dma source(%arg10 : memref<128x32xf32, #tpu.memory_space<vmem>>) target(%dma_start3A_101 : memref<10240x32xf32, #tpu.memory_space<vmem_shared>>) offsets(%dma_start3A_98 : memref<128xi32, #tpu.memory_space<vmem>>) semaphore(%run_scoped3A : memref<!tpu.dma_semaphore, #tpu.memory_space<semaphore_mem>>) {add = true}
        %dma_wait3A_102 = arith.constant 0 : i32
        %dma_wait3A_103 = tpu.memref_slice %arg6[%add3A_86, %dma_wait3A_102] : memref<40x128xi32, #tpu.memory_space<vmem>> -> memref<1x128xi32, #tpu.memory_space<vmem>>
        %dma_wait3A_104 = tpu.memref_squeeze %dma_wait3A_103 : memref<1x128xi32, #tpu.memory_space<vmem>> -> memref<128xi32, #tpu.memory_space<vmem>>
        %dma_wait3A_105 = arith.constant 0 : i32
        %dma_wait3A_106 = arith.constant 0 : i32
        %dma_wait3A_107 = tpu.memref_slice %arg11[%dma_wait3A_105, %dma_wait3A_106] : memref<10240x32xf32, #tpu.memory_space<vmem_shared>> -> memref<10240x32xf32, #tpu.memory_space<vmem_shared>>
        tpu.wait_indirect_dma semaphore(%run_scoped3A : memref<!tpu.dma_semaphore, #tpu.memory_space<semaphore_mem>>) src(%arg10 : memref<128x32xf32, #tpu.memory_space<vmem>>) dst(%dma_wait3A_107 : memref<10240x32xf32, #tpu.memory_space<vmem_shared>>)
        tpu.yield
      }) : () -> ()
      %lt3A_91 = arith.constant 9 : i32
      %lt3A_92 = arith.cmpi slt, %scan3A_47, %lt3A_91 : i32
      %convert_element_type3A_93 = arith.extui %lt3A_92 : i1 to i32
      %cond3A_94 = arith.constant 0 : i32
      %cond3A_95 = arith.cmpi ne, %convert_element_type3A_93, %cond3A_94 : i32
      scf.if %cond3A_95 {
        %add3A_96 = arith.constant 4 : i32
        %add3A_97 = arith.addi %add3A_86, %add3A_96 : i32
        %mul3A_98 = arith.constant 128 : i32
        %mul3A_99 = arith.muli %add3A_97, %mul3A_98 : i32
        %add3A_100 = arith.addi %mul3A_10, %mul3A_99 : i32
        %dma_start3A_101 = arith.constant 0 : i32
        %dma_start3A_102 = tpu.memref_slice %arg2[%add3A_100, %dma_start3A_101] : memref<163840x32xf32, #tpu.memory_space<hbm>> -> memref<128x32xf32, #tpu.memory_space<hbm>>
        %dma_start3A_103 = arith.constant 0 : i32
        %dma_start3A_104 = tpu.memref_slice %arg2[%add3A_100, %dma_start3A_103] : memref<163840x32xf32, #tpu.memory_space<hbm>> -> memref<128x32xf32, #tpu.memory_space<hbm>>
        tpu.enqueue_dma source(%dma_start3A_104 : memref<128x32xf32, #tpu.memory_space<hbm>>) target(%arg10 : memref<128x32xf32, #tpu.memory_space<vmem>>) target_semaphore(%arg15 : memref<!tpu.dma_semaphore, #tpu.memory_space<semaphore_mem>>)
      } else {
      }
    }
    %scan3A_38 = arith.constant 10 : i32
    %barrier3A_39 = arith.constant 0 : index
    tpu.barrier barrier_id(%barrier3A_39)
    %mul3A_40 = arith.constant 10240 : i32
    %mul3A_41 = arith.muli %arg0, %mul3A_40 : i32
    %mul3A_42 = arith.constant 640 : i32
    %mul3A_43 = arith.muli %arg1, %mul3A_42 : i32
    %add3A_44 = arith.addi %mul3A_41, %mul3A_43 : i32
    %mul3A_45 = arith.constant 640 : i32
    %mul3A_46 = arith.muli %arg1, %mul3A_45 : i32
    "tpu.region"() ({
      %run_scoped3A = tpu.sem_alloc : memref<!tpu.dma_semaphore, #tpu.memory_space<semaphore_mem>>
      %dma_start3A_47 = arith.constant 0 : i32
      %dma_start3A_48 = tpu.memref_slice %arg5[%add3A_44, %dma_start3A_47] : memref<20480x32xf32, #tpu.memory_space<hbm>> -> memref<640x32xf32, #tpu.memory_space<hbm>>
      %dma_start3A_49 = arith.constant 0 : i32
      %dma_start3A_50 = tpu.memref_slice %arg11[%mul3A_46, %dma_start3A_49] : memref<10240x32xf32, #tpu.memory_space<vmem_shared>> -> memref<640x32xf32, #tpu.memory_space<vmem_shared>>
      tpu.enqueue_dma source(%dma_start3A_50 : memref<640x32xf32, #tpu.memory_space<vmem_shared>>) target(%dma_start3A_48 : memref<640x32xf32, #tpu.memory_space<hbm>>) target_semaphore(%run_scoped3A : memref<!tpu.dma_semaphore, #tpu.memory_space<semaphore_mem>>)
      %dma_wait3A = arith.constant 0 : i32
      %dma_wait3A_51 = tpu.memref_slice %arg5[%add3A_44, %dma_wait3A] : memref<20480x32xf32, #tpu.memory_space<hbm>> -> memref<640x32xf32, #tpu.memory_space<hbm>>
      %dma_wait3A_52 = arith.constant 0 : i32
      %dma_wait3A_53 = tpu.memref_slice %arg11[%mul3A_46, %dma_wait3A_52] : memref<10240x32xf32, #tpu.memory_space<vmem_shared>> -> memref<640x32xf32, #tpu.memory_space<vmem_shared>>
      tpu.wait_dma2 semaphore(%run_scoped3A : memref<!tpu.dma_semaphore, #tpu.memory_space<semaphore_mem>>) src(%dma_wait3A_53 : memref<640x32xf32, #tpu.memory_space<vmem_shared>>) dst(%dma_wait3A_51 : memref<640x32xf32, #tpu.memory_space<hbm>>)
      tpu.yield
    }) : () -> ()
    return
  }
}

#map = affine_map<(d0, d1) -> (0, 0)>
module attributes {stable_mosaic.version = 14 : i64} {
  func.func @body(%arg0: i32, %arg1: i32, %arg2: memref<163840x16xf32, #tpu.memory_space<hbm>>, %arg3: memref<1280x128xi32, #tpu.memory_space<hbm>>, %arg4: memref<10240x16xf32, #tpu.memory_space<hbm>>, %arg5: memref<20480x16xf32, #tpu.memory_space<hbm>>, %arg6: memref<40x128xi32, #tpu.memory_space<vmem>>, %arg7: memref<128x16xf32, #tpu.memory_space<vmem>>, %arg8: memref<128x16xf32, #tpu.memory_space<vmem>>, %arg9: memref<128x16xf32, #tpu.memory_space<vmem>>, %arg10: memref<128x16xf32, #tpu.memory_space<vmem>>, %arg11: memref<10240x16xf32, #tpu.memory_space<vmem_shared>>, %arg12: memref<!tpu.dma_semaphore, #tpu.memory_space<semaphore_mem>>, %arg13: memref<!tpu.dma_semaphore, #tpu.memory_space<semaphore_mem>>, %arg14: memref<!tpu.dma_semaphore, #tpu.memory_space<semaphore_mem>>, %arg15: memref<!tpu.dma_semaphore, #tpu.memory_space<semaphore_mem>>) attributes {dimension_semantics = [#tpu.dimension_semantics<core_parallel>, #tpu.dimension_semantics<subcore_parallel>], iteration_bounds = array<i64: 2, 16>, scalar_prefetch = 0 : i64, scratch_operands = 10 : i64, tpu.core_type = #tpu.core_type<sc_vector_subcore>, window_params = [{transform_indices = #map}, {transform_indices = #map}, {transform_indices = #map}, {transform_indices = #map}]} {
    %mul3A = arith.constant 2 : i32
    %mul3A_0 = arith.muli %arg1, %mul3A : i32
    %add3A = arith.addi %mul3A_0, %arg0 : i32
    %mul3A_1 = arith.constant 640 : i32
    %mul3A_2 = arith.muli %arg1, %mul3A_1 : i32
    %mul3A_3 = arith.constant 640 : i32
    %mul3A_4 = arith.muli %arg1, %mul3A_3 : i32
    "tpu.region"() ({
      %run_scoped3A = tpu.sem_alloc : memref<!tpu.dma_semaphore, #tpu.memory_space<semaphore_mem>>
      %dma_start3A_47 = arith.constant 0 : i32
      %dma_start3A_48 = tpu.memref_slice %arg11[%mul3A_4, %dma_start3A_47] : memref<10240x16xf32, #tpu.memory_space<vmem_shared>> -> memref<640x16xf32, #tpu.memory_space<vmem_shared>>
      %dma_start3A_49 = arith.constant 0 : i32
      %dma_start3A_50 = tpu.memref_slice %arg4[%mul3A_2, %dma_start3A_49] : memref<10240x16xf32, #tpu.memory_space<hbm>> -> memref<640x16xf32, #tpu.memory_space<hbm>>
      tpu.enqueue_dma source(%dma_start3A_50 : memref<640x16xf32, #tpu.memory_space<hbm>>) target(%dma_start3A_48 : memref<640x16xf32, #tpu.memory_space<vmem_shared>>) target_semaphore(%run_scoped3A : memref<!tpu.dma_semaphore, #tpu.memory_space<semaphore_mem>>)
      %dma_wait3A = arith.constant 0 : i32
      %dma_wait3A_51 = tpu.memref_slice %arg11[%mul3A_4, %dma_wait3A] : memref<10240x16xf32, #tpu.memory_space<vmem_shared>> -> memref<640x16xf32, #tpu.memory_space<vmem_shared>>
      %dma_wait3A_52 = arith.constant 0 : i32
      %dma_wait3A_53 = tpu.memref_slice %arg4[%mul3A_2, %dma_wait3A_52] : memref<10240x16xf32, #tpu.memory_space<hbm>> -> memref<640x16xf32, #tpu.memory_space<hbm>>
      tpu.wait_dma2 semaphore(%run_scoped3A : memref<!tpu.dma_semaphore, #tpu.memory_space<semaphore_mem>>) src(%dma_wait3A_53 : memref<640x16xf32, #tpu.memory_space<hbm>>) dst(%dma_wait3A_51 : memref<640x16xf32, #tpu.memory_space<vmem_shared>>)
      tpu.yield
    }) : () -> ()
    %mul3A_5 = arith.constant 40 : i32
    %mul3A_6 = arith.muli %add3A, %mul3A_5 : i32
    "tpu.region"() ({
      %run_scoped3A = tpu.sem_alloc : memref<!tpu.dma_semaphore, #tpu.memory_space<semaphore_mem>>
      %dma_start3A_47 = arith.constant 0 : i32
      %dma_start3A_48 = tpu.memref_slice %arg3[%mul3A_6, %dma_start3A_47] : memref<1280x128xi32, #tpu.memory_space<hbm>> -> memref<40x128xi32, #tpu.memory_space<hbm>>
      %dma_start3A_49 = arith.constant 0 : i32
      %dma_start3A_50 = tpu.memref_slice %arg3[%mul3A_6, %dma_start3A_49] : memref<1280x128xi32, #tpu.memory_space<hbm>> -> memref<40x128xi32, #tpu.memory_space<hbm>>
      tpu.enqueue_dma source(%dma_start3A_50 : memref<40x128xi32, #tpu.memory_space<hbm>>) target(%arg6 : memref<40x128xi32, #tpu.memory_space<vmem>>) target_semaphore(%run_scoped3A : memref<!tpu.dma_semaphore, #tpu.memory_space<semaphore_mem>>)
      %dma_wait3A = arith.constant 0 : i32
      %dma_wait3A_51 = tpu.memref_slice %arg3[%mul3A_6, %dma_wait3A] : memref<1280x128xi32, #tpu.memory_space<hbm>> -> memref<40x128xi32, #tpu.memory_space<hbm>>
      %dma_wait3A_52 = arith.constant 0 : i32
      %dma_wait3A_53 = tpu.memref_slice %arg3[%mul3A_6, %dma_wait3A_52] : memref<1280x128xi32, #tpu.memory_space<hbm>> -> memref<40x128xi32, #tpu.memory_space<hbm>>
      tpu.wait_dma2 semaphore(%run_scoped3A : memref<!tpu.dma_semaphore, #tpu.memory_space<semaphore_mem>>) src(%dma_wait3A_53 : memref<40x128xi32, #tpu.memory_space<hbm>>) dst(%arg6 : memref<40x128xi32, #tpu.memory_space<vmem>>)
      tpu.yield
    }) : () -> ()
    %barrier3A = arith.constant 0 : index
    tpu.barrier barrier_id(%barrier3A)
    %mul3A_7 = arith.constant 40 : i32
    %mul3A_8 = arith.muli %add3A, %mul3A_7 : i32
    %mul3A_9 = arith.constant 128 : i32
    %mul3A_10 = arith.muli %mul3A_8, %mul3A_9 : i32
    %add3A_11 = arith.constant 0 : i32
    %add3A_12 = arith.addi %mul3A_10, %add3A_11 : i32
    %dma_start3A = arith.constant 0 : i32
    %dma_start3A_13 = tpu.memref_slice %arg2[%add3A_12, %dma_start3A] : memref<163840x16xf32, #tpu.memory_space<hbm>> -> memref<128x16xf32, #tpu.memory_space<hbm>>
    %dma_start3A_14 = arith.constant 0 : i32
    %dma_start3A_15 = tpu.memref_slice %arg2[%add3A_12, %dma_start3A_14] : memref<163840x16xf32, #tpu.memory_space<hbm>> -> memref<128x16xf32, #tpu.memory_space<hbm>>
    tpu.enqueue_dma source(%dma_start3A_15 : memref<128x16xf32, #tpu.memory_space<hbm>>) target(%arg7 : memref<128x16xf32, #tpu.memory_space<vmem>>) target_semaphore(%arg12 : memref<!tpu.dma_semaphore, #tpu.memory_space<semaphore_mem>>)
    %add3A_16 = arith.constant 128 : i32
    %add3A_17 = arith.addi %mul3A_10, %add3A_16 : i32
    %dma_start3A_18 = arith.constant 0 : i32
    %dma_start3A_19 = tpu.memref_slice %arg2[%add3A_17, %dma_start3A_18] : memref<163840x16xf32, #tpu.memory_space<hbm>> -> memref<128x16xf32, #tpu.memory_space<hbm>>
    %dma_start3A_20 = arith.constant 0 : i32
    %dma_start3A_21 = tpu.memref_slice %arg2[%add3A_17, %dma_start3A_20] : memref<163840x16xf32, #tpu.memory_space<hbm>> -> memref<128x16xf32, #tpu.memory_space<hbm>>
    tpu.enqueue_dma source(%dma_start3A_21 : memref<128x16xf32, #tpu.memory_space<hbm>>) target(%arg8 : memref<128x16xf32, #tpu.memory_space<vmem>>) target_semaphore(%arg13 : memref<!tpu.dma_semaphore, #tpu.memory_space<semaphore_mem>>)
    %add3A_22 = arith.constant 256 : i32
    %add3A_23 = arith.addi %mul3A_10, %add3A_22 : i32
    %dma_start3A_24 = arith.constant 0 : i32
    %dma_start3A_25 = tpu.memref_slice %arg2[%add3A_23, %dma_start3A_24] : memref<163840x16xf32, #tpu.memory_space<hbm>> -> memref<128x16xf32, #tpu.memory_space<hbm>>
    %dma_start3A_26 = arith.constant 0 : i32
    %dma_start3A_27 = tpu.memref_slice %arg2[%add3A_23, %dma_start3A_26] : memref<163840x16xf32, #tpu.memory_space<hbm>> -> memref<128x16xf32, #tpu.memory_space<hbm>>
    tpu.enqueue_dma source(%dma_start3A_27 : memref<128x16xf32, #tpu.memory_space<hbm>>) target(%arg9 : memref<128x16xf32, #tpu.memory_space<vmem>>) target_semaphore(%arg14 : memref<!tpu.dma_semaphore, #tpu.memory_space<semaphore_mem>>)
    %add3A_28 = arith.constant 384 : i32
    %add3A_29 = arith.addi %mul3A_10, %add3A_28 : i32
    %dma_start3A_30 = arith.constant 0 : i32
    %dma_start3A_31 = tpu.memref_slice %arg2[%add3A_29, %dma_start3A_30] : memref<163840x16xf32, #tpu.memory_space<hbm>> -> memref<128x16xf32, #tpu.memory_space<hbm>>
    %dma_start3A_32 = arith.constant 0 : i32
    %dma_start3A_33 = tpu.memref_slice %arg2[%add3A_29, %dma_start3A_32] : memref<163840x16xf32, #tpu.memory_space<hbm>> -> memref<128x16xf32, #tpu.memory_space<hbm>>
    tpu.enqueue_dma source(%dma_start3A_33 : memref<128x16xf32, #tpu.memory_space<hbm>>) target(%arg10 : memref<128x16xf32, #tpu.memory_space<vmem>>) target_semaphore(%arg15 : memref<!tpu.dma_semaphore, #tpu.memory_space<semaphore_mem>>)
    %scan3A = arith.constant 0 : i32
    %scan3A_34 = arith.constant 0 : i32
    %scan3A_35 = arith.constant 10 : i32
    %scan3A_36 = arith.addi %scan3A_34, %scan3A_35 : i32
    %scan3A_37 = arith.constant 1 : i32
    scf.for %scan3A_47 = %scan3A_34 to %scan3A_36 step %scan3A_37  : i32 {
      %mul3A_48 = arith.constant 4 : i32
      %mul3A_49 = arith.muli %scan3A_47, %mul3A_48 : i32
      %add3A_50 = arith.constant 0 : i32
      %add3A_51 = arith.addi %mul3A_49, %add3A_50 : i32
      %dma_wait3A = arith.constant 0 : i32
      %dma_wait3A_52 = tpu.memref_slice %arg2[%mul3A_10, %dma_wait3A] : memref<163840x16xf32, #tpu.memory_space<hbm>> -> memref<128x16xf32, #tpu.memory_space<hbm>>
      %dma_wait3A_53 = arith.constant 0 : i32
      %dma_wait3A_54 = tpu.memref_slice %arg2[%mul3A_10, %dma_wait3A_53] : memref<163840x16xf32, #tpu.memory_space<hbm>> -> memref<128x16xf32, #tpu.memory_space<hbm>>
      tpu.wait_dma2 semaphore(%arg12 : memref<!tpu.dma_semaphore, #tpu.memory_space<semaphore_mem>>) src(%dma_wait3A_54 : memref<128x16xf32, #tpu.memory_space<hbm>>) dst(%arg7 : memref<128x16xf32, #tpu.memory_space<vmem>>)
      "tpu.region"() ({
        %run_scoped3A = tpu.sem_alloc : memref<!tpu.dma_semaphore, #tpu.memory_space<semaphore_mem>>
        %dma_start3A_96 = arith.constant 0 : i32
        %dma_start3A_97 = tpu.memref_slice %arg6[%add3A_51, %dma_start3A_96] : memref<40x128xi32, #tpu.memory_space<vmem>> -> memref<1x128xi32, #tpu.memory_space<vmem>>
        %dma_start3A_98 = tpu.memref_squeeze %dma_start3A_97 : memref<1x128xi32, #tpu.memory_space<vmem>> -> memref<128xi32, #tpu.memory_space<vmem>>
        %dma_start3A_99 = arith.constant 0 : i32
        %dma_start3A_100 = arith.constant 0 : i32
        %dma_start3A_101 = tpu.memref_slice %arg11[%dma_start3A_99, %dma_start3A_100] : memref<10240x16xf32, #tpu.memory_space<vmem_shared>> -> memref<10240x16xf32, #tpu.memory_space<vmem_shared>>
        tpu.enqueue_indirect_dma source(%arg7 : memref<128x16xf32, #tpu.memory_space<vmem>>) target(%dma_start3A_101 : memref<10240x16xf32, #tpu.memory_space<vmem_shared>>) offsets(%dma_start3A_98 : memref<128xi32, #tpu.memory_space<vmem>>) semaphore(%run_scoped3A : memref<!tpu.dma_semaphore, #tpu.memory_space<semaphore_mem>>) {add = true}
        %dma_wait3A_102 = arith.constant 0 : i32
        %dma_wait3A_103 = tpu.memref_slice %arg6[%add3A_51, %dma_wait3A_102] : memref<40x128xi32, #tpu.memory_space<vmem>> -> memref<1x128xi32, #tpu.memory_space<vmem>>
        %dma_wait3A_104 = tpu.memref_squeeze %dma_wait3A_103 : memref<1x128xi32, #tpu.memory_space<vmem>> -> memref<128xi32, #tpu.memory_space<vmem>>
        %dma_wait3A_105 = arith.constant 0 : i32
        %dma_wait3A_106 = arith.constant 0 : i32
        %dma_wait3A_107 = tpu.memref_slice %arg11[%dma_wait3A_105, %dma_wait3A_106] : memref<10240x16xf32, #tpu.memory_space<vmem_shared>> -> memref<10240x16xf32, #tpu.memory_space<vmem_shared>>
        tpu.wait_indirect_dma semaphore(%run_scoped3A : memref<!tpu.dma_semaphore, #tpu.memory_space<semaphore_mem>>) src(%arg7 : memref<128x16xf32, #tpu.memory_space<vmem>>) dst(%dma_wait3A_107 : memref<10240x16xf32, #tpu.memory_space<vmem_shared>>)
        tpu.yield
      }) : () -> ()
      %lt3A = arith.constant 9 : i32
      %lt3A_55 = arith.cmpi slt, %scan3A_47, %lt3A : i32
      %convert_element_type3A = arith.extui %lt3A_55 : i1 to i32
      %cond3A = arith.constant 0 : i32
      %cond3A_56 = arith.cmpi ne, %convert_element_type3A, %cond3A : i32
      scf.if %cond3A_56 {
        %add3A_96 = arith.constant 4 : i32
        %add3A_97 = arith.addi %add3A_51, %add3A_96 : i32
        %mul3A_98 = arith.constant 128 : i32
        %mul3A_99 = arith.muli %add3A_97, %mul3A_98 : i32
        %add3A_100 = arith.addi %mul3A_10, %mul3A_99 : i32
        %dma_start3A_101 = arith.constant 0 : i32
        %dma_start3A_102 = tpu.memref_slice %arg2[%add3A_100, %dma_start3A_101] : memref<163840x16xf32, #tpu.memory_space<hbm>> -> memref<128x16xf32, #tpu.memory_space<hbm>>
        %dma_start3A_103 = arith.constant 0 : i32
        %dma_start3A_104 = tpu.memref_slice %arg2[%add3A_100, %dma_start3A_103] : memref<163840x16xf32, #tpu.memory_space<hbm>> -> memref<128x16xf32, #tpu.memory_space<hbm>>
        tpu.enqueue_dma source(%dma_start3A_104 : memref<128x16xf32, #tpu.memory_space<hbm>>) target(%arg7 : memref<128x16xf32, #tpu.memory_space<vmem>>) target_semaphore(%arg12 : memref<!tpu.dma_semaphore, #tpu.memory_space<semaphore_mem>>)
      } else {
      }
      %mul3A_57 = arith.constant 4 : i32
      %mul3A_58 = arith.muli %scan3A_47, %mul3A_57 : i32
      %add3A_59 = arith.constant 1 : i32
      %add3A_60 = arith.addi %mul3A_58, %add3A_59 : i32
      %dma_wait3A_61 = arith.constant 0 : i32
      %dma_wait3A_62 = tpu.memref_slice %arg2[%mul3A_10, %dma_wait3A_61] : memref<163840x16xf32, #tpu.memory_space<hbm>> -> memref<128x16xf32, #tpu.memory_space<hbm>>
      %dma_wait3A_63 = arith.constant 0 : i32
      %dma_wait3A_64 = tpu.memref_slice %arg2[%mul3A_10, %dma_wait3A_63] : memref<163840x16xf32, #tpu.memory_space<hbm>> -> memref<128x16xf32, #tpu.memory_space<hbm>>
      tpu.wait_dma2 semaphore(%arg13 : memref<!tpu.dma_semaphore, #tpu.memory_space<semaphore_mem>>) src(%dma_wait3A_64 : memref<128x16xf32, #tpu.memory_space<hbm>>) dst(%arg8 : memref<128x16xf32, #tpu.memory_space<vmem>>)
      "tpu.region"() ({
        %run_scoped3A = tpu.sem_alloc : memref<!tpu.dma_semaphore, #tpu.memory_space<semaphore_mem>>
        %dma_start3A_96 = arith.constant 0 : i32
        %dma_start3A_97 = tpu.memref_slice %arg6[%add3A_60, %dma_start3A_96] : memref<40x128xi32, #tpu.memory_space<vmem>> -> memref<1x128xi32, #tpu.memory_space<vmem>>
        %dma_start3A_98 = tpu.memref_squeeze %dma_start3A_97 : memref<1x128xi32, #tpu.memory_space<vmem>> -> memref<128xi32, #tpu.memory_space<vmem>>
        %dma_start3A_99 = arith.constant 0 : i32
        %dma_start3A_100 = arith.constant 0 : i32
        %dma_start3A_101 = tpu.memref_slice %arg11[%dma_start3A_99, %dma_start3A_100] : memref<10240x16xf32, #tpu.memory_space<vmem_shared>> -> memref<10240x16xf32, #tpu.memory_space<vmem_shared>>
        tpu.enqueue_indirect_dma source(%arg8 : memref<128x16xf32, #tpu.memory_space<vmem>>) target(%dma_start3A_101 : memref<10240x16xf32, #tpu.memory_space<vmem_shared>>) offsets(%dma_start3A_98 : memref<128xi32, #tpu.memory_space<vmem>>) semaphore(%run_scoped3A : memref<!tpu.dma_semaphore, #tpu.memory_space<semaphore_mem>>) {add = true}
        %dma_wait3A_102 = arith.constant 0 : i32
        %dma_wait3A_103 = tpu.memref_slice %arg6[%add3A_60, %dma_wait3A_102] : memref<40x128xi32, #tpu.memory_space<vmem>> -> memref<1x128xi32, #tpu.memory_space<vmem>>
        %dma_wait3A_104 = tpu.memref_squeeze %dma_wait3A_103 : memref<1x128xi32, #tpu.memory_space<vmem>> -> memref<128xi32, #tpu.memory_space<vmem>>
        %dma_wait3A_105 = arith.constant 0 : i32
        %dma_wait3A_106 = arith.constant 0 : i32
        %dma_wait3A_107 = tpu.memref_slice %arg11[%dma_wait3A_105, %dma_wait3A_106] : memref<10240x16xf32, #tpu.memory_space<vmem_shared>> -> memref<10240x16xf32, #tpu.memory_space<vmem_shared>>
        tpu.wait_indirect_dma semaphore(%run_scoped3A : memref<!tpu.dma_semaphore, #tpu.memory_space<semaphore_mem>>) src(%arg8 : memref<128x16xf32, #tpu.memory_space<vmem>>) dst(%dma_wait3A_107 : memref<10240x16xf32, #tpu.memory_space<vmem_shared>>)
        tpu.yield
      }) : () -> ()
      %lt3A_65 = arith.constant 9 : i32
      %lt3A_66 = arith.cmpi slt, %scan3A_47, %lt3A_65 : i32
      %convert_element_type3A_67 = arith.extui %lt3A_66 : i1 to i32
      %cond3A_68 = arith.constant 0 : i32
      %cond3A_69 = arith.cmpi ne, %convert_element_type3A_67, %cond3A_68 : i32
      scf.if %cond3A_69 {
        %add3A_96 = arith.constant 4 : i32
        %add3A_97 = arith.addi %add3A_60, %add3A_96 : i32
        %mul3A_98 = arith.constant 128 : i32
        %mul3A_99 = arith.muli %add3A_97, %mul3A_98 : i32
        %add3A_100 = arith.addi %mul3A_10, %mul3A_99 : i32
        %dma_start3A_101 = arith.constant 0 : i32
        %dma_start3A_102 = tpu.memref_slice %arg2[%add3A_100, %dma_start3A_101] : memref<163840x16xf32, #tpu.memory_space<hbm>> -> memref<128x16xf32, #tpu.memory_space<hbm>>
        %dma_start3A_103 = arith.constant 0 : i32
        %dma_start3A_104 = tpu.memref_slice %arg2[%add3A_100, %dma_start3A_103] : memref<163840x16xf32, #tpu.memory_space<hbm>> -> memref<128x16xf32, #tpu.memory_space<hbm>>
        tpu.enqueue_dma source(%dma_start3A_104 : memref<128x16xf32, #tpu.memory_space<hbm>>) target(%arg8 : memref<128x16xf32, #tpu.memory_space<vmem>>) target_semaphore(%arg13 : memref<!tpu.dma_semaphore, #tpu.memory_space<semaphore_mem>>)
      } else {
      }
      %mul3A_70 = arith.constant 4 : i32
      %mul3A_71 = arith.muli %scan3A_47, %mul3A_70 : i32
      %add3A_72 = arith.constant 2 : i32
      %add3A_73 = arith.addi %mul3A_71, %add3A_72 : i32
      %dma_wait3A_74 = arith.constant 0 : i32
      %dma_wait3A_75 = tpu.memref_slice %arg2[%mul3A_10, %dma_wait3A_74] : memref<163840x16xf32, #tpu.memory_space<hbm>> -> memref<128x16xf32, #tpu.memory_space<hbm>>
      %dma_wait3A_76 = arith.constant 0 : i32
      %dma_wait3A_77 = tpu.memref_slice %arg2[%mul3A_10, %dma_wait3A_76] : memref<163840x16xf32, #tpu.memory_space<hbm>> -> memref<128x16xf32, #tpu.memory_space<hbm>>
      tpu.wait_dma2 semaphore(%arg14 : memref<!tpu.dma_semaphore, #tpu.memory_space<semaphore_mem>>) src(%dma_wait3A_77 : memref<128x16xf32, #tpu.memory_space<hbm>>) dst(%arg9 : memref<128x16xf32, #tpu.memory_space<vmem>>)
      "tpu.region"() ({
        %run_scoped3A = tpu.sem_alloc : memref<!tpu.dma_semaphore, #tpu.memory_space<semaphore_mem>>
        %dma_start3A_96 = arith.constant 0 : i32
        %dma_start3A_97 = tpu.memref_slice %arg6[%add3A_73, %dma_start3A_96] : memref<40x128xi32, #tpu.memory_space<vmem>> -> memref<1x128xi32, #tpu.memory_space<vmem>>
        %dma_start3A_98 = tpu.memref_squeeze %dma_start3A_97 : memref<1x128xi32, #tpu.memory_space<vmem>> -> memref<128xi32, #tpu.memory_space<vmem>>
        %dma_start3A_99 = arith.constant 0 : i32
        %dma_start3A_100 = arith.constant 0 : i32
        %dma_start3A_101 = tpu.memref_slice %arg11[%dma_start3A_99, %dma_start3A_100] : memref<10240x16xf32, #tpu.memory_space<vmem_shared>> -> memref<10240x16xf32, #tpu.memory_space<vmem_shared>>
        tpu.enqueue_indirect_dma source(%arg9 : memref<128x16xf32, #tpu.memory_space<vmem>>) target(%dma_start3A_101 : memref<10240x16xf32, #tpu.memory_space<vmem_shared>>) offsets(%dma_start3A_98 : memref<128xi32, #tpu.memory_space<vmem>>) semaphore(%run_scoped3A : memref<!tpu.dma_semaphore, #tpu.memory_space<semaphore_mem>>) {add = true}
        %dma_wait3A_102 = arith.constant 0 : i32
        %dma_wait3A_103 = tpu.memref_slice %arg6[%add3A_73, %dma_wait3A_102] : memref<40x128xi32, #tpu.memory_space<vmem>> -> memref<1x128xi32, #tpu.memory_space<vmem>>
        %dma_wait3A_104 = tpu.memref_squeeze %dma_wait3A_103 : memref<1x128xi32, #tpu.memory_space<vmem>> -> memref<128xi32, #tpu.memory_space<vmem>>
        %dma_wait3A_105 = arith.constant 0 : i32
        %dma_wait3A_106 = arith.constant 0 : i32
        %dma_wait3A_107 = tpu.memref_slice %arg11[%dma_wait3A_105, %dma_wait3A_106] : memref<10240x16xf32, #tpu.memory_space<vmem_shared>> -> memref<10240x16xf32, #tpu.memory_space<vmem_shared>>
        tpu.wait_indirect_dma semaphore(%run_scoped3A : memref<!tpu.dma_semaphore, #tpu.memory_space<semaphore_mem>>) src(%arg9 : memref<128x16xf32, #tpu.memory_space<vmem>>) dst(%dma_wait3A_107 : memref<10240x16xf32, #tpu.memory_space<vmem_shared>>)
        tpu.yield
      }) : () -> ()
      %lt3A_78 = arith.constant 9 : i32
      %lt3A_79 = arith.cmpi slt, %scan3A_47, %lt3A_78 : i32
      %convert_element_type3A_80 = arith.extui %lt3A_79 : i1 to i32
      %cond3A_81 = arith.constant 0 : i32
      %cond3A_82 = arith.cmpi ne, %convert_element_type3A_80, %cond3A_81 : i32
      scf.if %cond3A_82 {
        %add3A_96 = arith.constant 4 : i32
        %add3A_97 = arith.addi %add3A_73, %add3A_96 : i32
        %mul3A_98 = arith.constant 128 : i32
        %mul3A_99 = arith.muli %add3A_97, %mul3A_98 : i32
        %add3A_100 = arith.addi %mul3A_10, %mul3A_99 : i32
        %dma_start3A_101 = arith.constant 0 : i32
        %dma_start3A_102 = tpu.memref_slice %arg2[%add3A_100, %dma_start3A_101] : memref<163840x16xf32, #tpu.memory_space<hbm>> -> memref<128x16xf32, #tpu.memory_space<hbm>>
        %dma_start3A_103 = arith.constant 0 : i32
        %dma_start3A_104 = tpu.memref_slice %arg2[%add3A_100, %dma_start3A_103] : memref<163840x16xf32, #tpu.memory_space<hbm>> -> memref<128x16xf32, #tpu.memory_space<hbm>>
        tpu.enqueue_dma source(%dma_start3A_104 : memref<128x16xf32, #tpu.memory_space<hbm>>) target(%arg9 : memref<128x16xf32, #tpu.memory_space<vmem>>) target_semaphore(%arg14 : memref<!tpu.dma_semaphore, #tpu.memory_space<semaphore_mem>>)
      } else {
      }
      %mul3A_83 = arith.constant 4 : i32
      %mul3A_84 = arith.muli %scan3A_47, %mul3A_83 : i32
      %add3A_85 = arith.constant 3 : i32
      %add3A_86 = arith.addi %mul3A_84, %add3A_85 : i32
      %dma_wait3A_87 = arith.constant 0 : i32
      %dma_wait3A_88 = tpu.memref_slice %arg2[%mul3A_10, %dma_wait3A_87] : memref<163840x16xf32, #tpu.memory_space<hbm>> -> memref<128x16xf32, #tpu.memory_space<hbm>>
      %dma_wait3A_89 = arith.constant 0 : i32
      %dma_wait3A_90 = tpu.memref_slice %arg2[%mul3A_10, %dma_wait3A_89] : memref<163840x16xf32, #tpu.memory_space<hbm>> -> memref<128x16xf32, #tpu.memory_space<hbm>>
      tpu.wait_dma2 semaphore(%arg15 : memref<!tpu.dma_semaphore, #tpu.memory_space<semaphore_mem>>) src(%dma_wait3A_90 : memref<128x16xf32, #tpu.memory_space<hbm>>) dst(%arg10 : memref<128x16xf32, #tpu.memory_space<vmem>>)
      "tpu.region"() ({
        %run_scoped3A = tpu.sem_alloc : memref<!tpu.dma_semaphore, #tpu.memory_space<semaphore_mem>>
        %dma_start3A_96 = arith.constant 0 : i32
        %dma_start3A_97 = tpu.memref_slice %arg6[%add3A_86, %dma_start3A_96] : memref<40x128xi32, #tpu.memory_space<vmem>> -> memref<1x128xi32, #tpu.memory_space<vmem>>
        %dma_start3A_98 = tpu.memref_squeeze %dma_start3A_97 : memref<1x128xi32, #tpu.memory_space<vmem>> -> memref<128xi32, #tpu.memory_space<vmem>>
        %dma_start3A_99 = arith.constant 0 : i32
        %dma_start3A_100 = arith.constant 0 : i32
        %dma_start3A_101 = tpu.memref_slice %arg11[%dma_start3A_99, %dma_start3A_100] : memref<10240x16xf32, #tpu.memory_space<vmem_shared>> -> memref<10240x16xf32, #tpu.memory_space<vmem_shared>>
        tpu.enqueue_indirect_dma source(%arg10 : memref<128x16xf32, #tpu.memory_space<vmem>>) target(%dma_start3A_101 : memref<10240x16xf32, #tpu.memory_space<vmem_shared>>) offsets(%dma_start3A_98 : memref<128xi32, #tpu.memory_space<vmem>>) semaphore(%run_scoped3A : memref<!tpu.dma_semaphore, #tpu.memory_space<semaphore_mem>>) {add = true}
        %dma_wait3A_102 = arith.constant 0 : i32
        %dma_wait3A_103 = tpu.memref_slice %arg6[%add3A_86, %dma_wait3A_102] : memref<40x128xi32, #tpu.memory_space<vmem>> -> memref<1x128xi32, #tpu.memory_space<vmem>>
        %dma_wait3A_104 = tpu.memref_squeeze %dma_wait3A_103 : memref<1x128xi32, #tpu.memory_space<vmem>> -> memref<128xi32, #tpu.memory_space<vmem>>
        %dma_wait3A_105 = arith.constant 0 : i32
        %dma_wait3A_106 = arith.constant 0 : i32
        %dma_wait3A_107 = tpu.memref_slice %arg11[%dma_wait3A_105, %dma_wait3A_106] : memref<10240x16xf32, #tpu.memory_space<vmem_shared>> -> memref<10240x16xf32, #tpu.memory_space<vmem_shared>>
        tpu.wait_indirect_dma semaphore(%run_scoped3A : memref<!tpu.dma_semaphore, #tpu.memory_space<semaphore_mem>>) src(%arg10 : memref<128x16xf32, #tpu.memory_space<vmem>>) dst(%dma_wait3A_107 : memref<10240x16xf32, #tpu.memory_space<vmem_shared>>)
        tpu.yield
      }) : () -> ()
      %lt3A_91 = arith.constant 9 : i32
      %lt3A_92 = arith.cmpi slt, %scan3A_47, %lt3A_91 : i32
      %convert_element_type3A_93 = arith.extui %lt3A_92 : i1 to i32
      %cond3A_94 = arith.constant 0 : i32
      %cond3A_95 = arith.cmpi ne, %convert_element_type3A_93, %cond3A_94 : i32
      scf.if %cond3A_95 {
        %add3A_96 = arith.constant 4 : i32
        %add3A_97 = arith.addi %add3A_86, %add3A_96 : i32
        %mul3A_98 = arith.constant 128 : i32
        %mul3A_99 = arith.muli %add3A_97, %mul3A_98 : i32
        %add3A_100 = arith.addi %mul3A_10, %mul3A_99 : i32
        %dma_start3A_101 = arith.constant 0 : i32
        %dma_start3A_102 = tpu.memref_slice %arg2[%add3A_100, %dma_start3A_101] : memref<163840x16xf32, #tpu.memory_space<hbm>> -> memref<128x16xf32, #tpu.memory_space<hbm>>
        %dma_start3A_103 = arith.constant 0 : i32
        %dma_start3A_104 = tpu.memref_slice %arg2[%add3A_100, %dma_start3A_103] : memref<163840x16xf32, #tpu.memory_space<hbm>> -> memref<128x16xf32, #tpu.memory_space<hbm>>
        tpu.enqueue_dma source(%dma_start3A_104 : memref<128x16xf32, #tpu.memory_space<hbm>>) target(%arg10 : memref<128x16xf32, #tpu.memory_space<vmem>>) target_semaphore(%arg15 : memref<!tpu.dma_semaphore, #tpu.memory_space<semaphore_mem>>)
      } else {
      }
    }
    %scan3A_38 = arith.constant 10 : i32
    %barrier3A_39 = arith.constant 0 : index
    tpu.barrier barrier_id(%barrier3A_39)
    %mul3A_40 = arith.constant 10240 : i32
    %mul3A_41 = arith.muli %arg0, %mul3A_40 : i32
    %mul3A_42 = arith.constant 640 : i32
    %mul3A_43 = arith.muli %arg1, %mul3A_42 : i32
    %add3A_44 = arith.addi %mul3A_41, %mul3A_43 : i32
    %mul3A_45 = arith.constant 640 : i32
    %mul3A_46 = arith.muli %arg1, %mul3A_45 : i32
    "tpu.region"() ({
      %run_scoped3A = tpu.sem_alloc : memref<!tpu.dma_semaphore, #tpu.memory_space<semaphore_mem>>
      %dma_start3A_47 = arith.constant 0 : i32
      %dma_start3A_48 = tpu.memref_slice %arg5[%add3A_44, %dma_start3A_47] : memref<20480x16xf32, #tpu.memory_space<hbm>> -> memref<640x16xf32, #tpu.memory_space<hbm>>
      %dma_start3A_49 = arith.constant 0 : i32
      %dma_start3A_50 = tpu.memref_slice %arg11[%mul3A_46, %dma_start3A_49] : memref<10240x16xf32, #tpu.memory_space<vmem_shared>> -> memref<640x16xf32, #tpu.memory_space<vmem_shared>>
      tpu.enqueue_dma source(%dma_start3A_50 : memref<640x16xf32, #tpu.memory_space<vmem_shared>>) target(%dma_start3A_48 : memref<640x16xf32, #tpu.memory_space<hbm>>) target_semaphore(%run_scoped3A : memref<!tpu.dma_semaphore, #tpu.memory_space<semaphore_mem>>)
      %dma_wait3A = arith.constant 0 : i32
      %dma_wait3A_51 = tpu.memref_slice %arg5[%add3A_44, %dma_wait3A] : memref<20480x16xf32, #tpu.memory_space<hbm>> -> memref<640x16xf32, #tpu.memory_space<hbm>>
      %dma_wait3A_52 = arith.constant 0 : i32
      %dma_wait3A_53 = tpu.memref_slice %arg11[%mul3A_46, %dma_wait3A_52] : memref<10240x16xf32, #tpu.memory_space<vmem_shared>> -> memref<640x16xf32, #tpu.memory_space<vmem_shared>>
      tpu.wait_dma2 semaphore(%run_scoped3A : memref<!tpu.dma_semaphore, #tpu.memory_space<semaphore_mem>>) src(%dma_wait3A_53 : memref<640x16xf32, #tpu.memory_space<vmem_shared>>) dst(%dma_wait3A_51 : memref<640x16xf32, #tpu.memory_space<hbm>>)
      tpu.yield
    }) : () -> ()
    return
  }
}

module attributes {stable_mosaic.version = 14 : i64} {
  func.func @_msg_body(%arg0: i32, %arg1: memref<1280x128xf32, #tpu.memory_space<vmem>>, %arg2: memref<1280x16xf32, #tpu.memory_space<vmem>>, %arg3: memref<16x128xf32, #tpu.memory_space<vmem>>, %arg4: memref<1x128xf32, #tpu.memory_space<vmem>>, %arg5: memref<128x544xf32, #tpu.memory_space<vmem>>, %arg6: memref<128x544xf32, #tpu.memory_space<vmem>>, %arg7: memref<1x544xf32, #tpu.memory_space<vmem>>, %arg8: memref<544x32xf32, #tpu.memory_space<vmem>>, %arg9: memref<1280x32xf32, #tpu.memory_space<vmem>>) attributes {dimension_semantics = [#tpu.dimension_semantics<arbitrary>], iteration_bounds = array<i64: 128>, scalar_prefetch = 0 : i64, scratch_operands = 0 : i64, tpu.core_type = #tpu.core_type<tc>, window_params = [{transform_indices = @transform_0, window_bounds = array<i64: 1280, 128>}, {transform_indices = @transform_1, window_bounds = array<i64: 1280, 16>}, {pipeline_mode = #tpu.pipeline_mode<synchronous>, transform_indices = @transform_2, window_bounds = array<i64: 16, 128>}, {pipeline_mode = #tpu.pipeline_mode<synchronous>, transform_indices = @transform_3, window_bounds = array<i64: 1, 128>}, {pipeline_mode = #tpu.pipeline_mode<synchronous>, transform_indices = @transform_4, window_bounds = array<i64: 128, 544>}, {pipeline_mode = #tpu.pipeline_mode<synchronous>, transform_indices = @transform_5, window_bounds = array<i64: 128, 544>}, {pipeline_mode = #tpu.pipeline_mode<synchronous>, transform_indices = @transform_6, window_bounds = array<i64: 1, 544>}, {pipeline_mode = #tpu.pipeline_mode<synchronous>, transform_indices = @transform_7, window_bounds = array<i64: 544, 32>}, {transform_indices = @transform_8, window_bounds = array<i64: 1280, 32>}]} {
    %get3A = arith.constant 0 : index
    %get3A_0 = arith.constant 0 : index
    %get3A_1 = vector.load %arg2[%get3A, %get3A_0] : memref<1280x16xf32, #tpu.memory_space<vmem>>, vector<1280x16xf32>
    %get3A_2 = arith.constant 0 : index
    %get3A_3 = arith.constant 0 : index
    %get3A_4 = vector.load %arg3[%get3A_2, %get3A_3] : memref<16x128xf32, #tpu.memory_space<vmem>>, vector<16x128xf32>
    %dot_general3A = arith.constant dense<0.000000e+00> : vector<1280x128xf32>
    %dot_general3A_5 = tpu.matmul %get3A_1, %get3A_4, %dot_general3A {dimension_numbers = #tpu.dot_dimension_numbers<[1], [0], [0], [1], [0, 0, 1, 1], [], []>, transpose_lhs_hint = false} : vector<1280x16xf32>, vector<16x128xf32>, vector<1280x128xf32> -> vector<1280x128xf32>
    %get3A_6 = arith.constant 0 : index
    %get3A_7 = arith.constant 0 : index
    %get3A_8 = vector.load %arg4[%get3A_6, %get3A_7] : memref<1x128xf32, #tpu.memory_space<vmem>>, vector<1x128xf32>
    %add3A = vector.broadcast %get3A_8 : vector<1x128xf32> to vector<1280x128xf32>
    %add3A_9 = arith.addf %dot_general3A_5, %add3A : vector<1280x128xf32>
    %max3A = arith.constant 0.000000e+00 : f32
    %max3A_10 = vector.broadcast %max3A : f32 to vector<1280x128xf32>
    %max3A_11 = arith.maximumf %add3A_9, %max3A_10 : vector<1280x128xf32>
    %get3A_12 = arith.constant 0 : index
    %get3A_13 = arith.constant 0 : index
    %get3A_14 = vector.load %arg1[%get3A_12, %get3A_13] : memref<1280x128xf32, #tpu.memory_space<vmem>>, vector<1280x128xf32>
    %convert_element_type3A = arith.truncf %get3A_14 : vector<1280x128xf32> to vector<1280x128xbf16>
    %get3A_15 = arith.constant 0 : index
    %get3A_16 = arith.constant 0 : index
    %get3A_17 = vector.load %arg5[%get3A_15, %get3A_16] : memref<128x544xf32, #tpu.memory_space<vmem>>, vector<128x544xf32>
    %convert_element_type3A_18 = arith.truncf %get3A_17 : vector<128x544xf32> to vector<128x544xbf16>
    %dot_general3A_19 = arith.constant dense<0.000000e+00> : vector<1280x544xf32>
    %dot_general3A_20 = tpu.matmul %convert_element_type3A, %convert_element_type3A_18, %dot_general3A_19 {dimension_numbers = #tpu.dot_dimension_numbers<[1], [0], [0], [1], [0, 0, 1, 1], [], []>, transpose_lhs_hint = false} : vector<1280x128xbf16>, vector<128x544xbf16>, vector<1280x544xf32> -> vector<1280x544xf32>
    %convert_element_type3A_21 = arith.truncf %max3A_11 : vector<1280x128xf32> to vector<1280x128xbf16>
    %get3A_22 = arith.constant 0 : index
    %get3A_23 = arith.constant 0 : index
    %get3A_24 = vector.load %arg6[%get3A_22, %get3A_23] : memref<128x544xf32, #tpu.memory_space<vmem>>, vector<128x544xf32>
    %convert_element_type3A_25 = arith.truncf %get3A_24 : vector<128x544xf32> to vector<128x544xbf16>
    %dot_general3A_26 = arith.constant dense<0.000000e+00> : vector<1280x544xf32>
    %dot_general3A_27 = tpu.matmul %convert_element_type3A_21, %convert_element_type3A_25, %dot_general3A_26 {dimension_numbers = #tpu.dot_dimension_numbers<[1], [0], [0], [1], [0, 0, 1, 1], [], []>, transpose_lhs_hint = false} : vector<1280x128xbf16>, vector<128x544xbf16>, vector<1280x544xf32> -> vector<1280x544xf32>
    %get3A_28 = arith.constant 0 : index
    %get3A_29 = arith.constant 0 : index
    %get3A_30 = vector.load %arg7[%get3A_28, %get3A_29] : memref<1x544xf32, #tpu.memory_space<vmem>>, vector<1x544xf32>
    %add3A_31 = vector.broadcast %get3A_30 : vector<1x544xf32> to vector<1280x544xf32>
    %add3A_32 = arith.addf %dot_general3A_27, %add3A_31 : vector<1280x544xf32>
    %mul3A = arith.mulf %dot_general3A_20, %add3A_32 : vector<1280x544xf32>
    %convert_element_type3A_33 = arith.truncf %mul3A : vector<1280x544xf32> to vector<1280x544xbf16>
    %get3A_34 = arith.constant 0 : index
    %get3A_35 = arith.constant 0 : index
    %get3A_36 = vector.load %arg8[%get3A_34, %get3A_35] : memref<544x32xf32, #tpu.memory_space<vmem>>, vector<544x32xf32>
    %convert_element_type3A_37 = arith.truncf %get3A_36 : vector<544x32xf32> to vector<544x32xbf16>
    %dot_general3A_38 = arith.constant dense<0.000000e+00> : vector<1280x32xf32>
    %dot_general3A_39 = tpu.matmul %convert_element_type3A_33, %convert_element_type3A_37, %dot_general3A_38 {dimension_numbers = #tpu.dot_dimension_numbers<[1], [0], [0], [1], [0, 0, 1, 1], [], []>, transpose_lhs_hint = false} : vector<1280x544xbf16>, vector<544x32xbf16>, vector<1280x32xf32> -> vector<1280x32xf32>
    %swap3A = arith.constant 0 : index
    %swap3A_40 = arith.constant 0 : index
    %swap3A_41 = vector.load %arg9[%swap3A, %swap3A_40] : memref<1280x32xf32, #tpu.memory_space<vmem>>, vector<1280x32xf32>
    tpu.vector_store %arg9[%swap3A, %swap3A_40], %dot_general3A_39 {strides = array<i32>} : memref<1280x32xf32, #tpu.memory_space<vmem>>, vector<1280x32xf32>,
    return
  }
  func.func @transform_0(%arg0: i32) -> (i32, i32) {
    %c0_i32 = arith.constant 0 : i32
    %c0_i32_0 = arith.constant 0 : i32
    return %arg0, %c0_i32 : i32, i32
  }
  func.func @transform_1(%arg0: i32) -> (i32, i32) {
    %min3A = arith.constant 124 : i32
    %min3A_0 = arith.minsi %arg0, %min3A : i32
    %c0_i32 = arith.constant 0 : i32
    %c0_i32_1 = arith.constant 0 : i32
    return %min3A_0, %c0_i32 : i32, i32
  }
  func.func @transform_2(%arg0: i32) -> (i32, i32) {
    %c0_i32 = arith.constant 0 : i32
    %c0_i32_0 = arith.constant 0 : i32
    %c0_i32_1 = arith.constant 0 : i32
    return %c0_i32, %c0_i32_0 : i32, i32
  }
  func.func @transform_3(%arg0: i32) -> (i32, i32) {
    %c0_i32 = arith.constant 0 : i32
    %c0_i32_0 = arith.constant 0 : i32
    %c0_i32_1 = arith.constant 0 : i32
    return %c0_i32, %c0_i32_0 : i32, i32
  }
  func.func @transform_4(%arg0: i32) -> (i32, i32) {
    %c0_i32 = arith.constant 0 : i32
    %c0_i32_0 = arith.constant 0 : i32
    %c0_i32_1 = arith.constant 0 : i32
    return %c0_i32, %c0_i32_0 : i32, i32
  }
  func.func @transform_5(%arg0: i32) -> (i32, i32) {
    %c0_i32 = arith.constant 0 : i32
    %c0_i32_0 = arith.constant 0 : i32
    %c0_i32_1 = arith.constant 0 : i32
    return %c0_i32, %c0_i32_0 : i32, i32
  }
  func.func @transform_6(%arg0: i32) -> (i32, i32) {
    %c0_i32 = arith.constant 0 : i32
    %c0_i32_0 = arith.constant 0 : i32
    %c0_i32_1 = arith.constant 0 : i32
    return %c0_i32, %c0_i32_0 : i32, i32
  }
  func.func @transform_7(%arg0: i32) -> (i32, i32) {
    %c0_i32 = arith.constant 0 : i32
    %c0_i32_0 = arith.constant 0 : i32
    %c0_i32_1 = arith.constant 0 : i32
    return %c0_i32, %c0_i32_0 : i32, i32
  }
  func.func @transform_8(%arg0: i32) -> (i32, i32) {
    %c0_i32 = arith.constant 0 : i32
    %c0_i32_0 = arith.constant 0 : i32
    return %arg0, %c0_i32 : i32, i32
  }
}

module attributes {stable_mosaic.version = 14 : i64} {
  func.func @_node1_body(%arg0: i32, %arg1: memref<2000x32xf32, #tpu.memory_space<vmem>>, %arg2: memref<2000x32xf32, #tpu.memory_space<vmem>>, %arg3: memref<2000x128xf32, #tpu.memory_space<vmem>>, %arg4: memref<128x32xf32, #tpu.memory_space<vmem>>, %arg5: memref<1x32xf32, #tpu.memory_space<vmem>>, %arg6: memref<2000x32xf32, #tpu.memory_space<vmem>>) attributes {dimension_semantics = [#tpu.dimension_semantics<arbitrary>], iteration_bounds = array<i64: 5>, scalar_prefetch = 0 : i64, scratch_operands = 0 : i64, tpu.core_type = #tpu.core_type<tc>, window_params = [{transform_indices = @transform_0, window_bounds = array<i64: 2000, 32>}, {transform_indices = @transform_1, window_bounds = array<i64: 2000, 32>}, {transform_indices = @transform_2, window_bounds = array<i64: 2000, 128>}, {pipeline_mode = #tpu.pipeline_mode<synchronous>, transform_indices = @transform_3, window_bounds = array<i64: 128, 32>}, {pipeline_mode = #tpu.pipeline_mode<synchronous>, transform_indices = @transform_4, window_bounds = array<i64: 1, 32>}, {transform_indices = @transform_5, window_bounds = array<i64: 2000, 32>}]} {
    %get3A = arith.constant 0 : index
    %get3A_0 = arith.constant 0 : index
    %get3A_1 = vector.load %arg1[%get3A, %get3A_0] : memref<2000x32xf32, #tpu.memory_space<vmem>>, vector<2000x32xf32>
    %get3A_2 = arith.constant 0 : index
    %get3A_3 = arith.constant 0 : index
    %get3A_4 = vector.load %arg2[%get3A_2, %get3A_3] : memref<2000x32xf32, #tpu.memory_space<vmem>>, vector<2000x32xf32>
    %add3A = arith.addf %get3A_1, %get3A_4 : vector<2000x32xf32>
    %get3A_5 = arith.constant 0 : index
    %get3A_6 = arith.constant 0 : index
    %get3A_7 = vector.load %arg3[%get3A_5, %get3A_6] : memref<2000x128xf32, #tpu.memory_space<vmem>>, vector<2000x128xf32>
    %get3A_8 = arith.constant 0 : index
    %get3A_9 = arith.constant 0 : index
    %get3A_10 = vector.load %arg4[%get3A_8, %get3A_9] : memref<128x32xf32, #tpu.memory_space<vmem>>, vector<128x32xf32>
    %dot_general3A = arith.constant dense<0.000000e+00> : vector<2000x32xf32>
    %dot_general3A_11 = tpu.matmul %get3A_7, %get3A_10, %dot_general3A {dimension_numbers = #tpu.dot_dimension_numbers<[1], [0], [0], [1], [0, 0, 1, 1], [], []>, transpose_lhs_hint = false} : vector<2000x128xf32>, vector<128x32xf32>, vector<2000x32xf32> -> vector<2000x32xf32>
    %add3A_12 = arith.addf %add3A, %dot_general3A_11 : vector<2000x32xf32>
    %get3A_13 = arith.constant 0 : index
    %get3A_14 = arith.constant 0 : index
    %get3A_15 = vector.load %arg5[%get3A_13, %get3A_14] : memref<1x32xf32, #tpu.memory_space<vmem>>, vector<1x32xf32>
    %add3A_16 = vector.broadcast %get3A_15 : vector<1x32xf32> to vector<2000x32xf32>
    %add3A_17 = arith.addf %add3A_12, %add3A_16 : vector<2000x32xf32>
    %max3A = arith.constant 0.000000e+00 : f32
    %max3A_18 = vector.broadcast %max3A : f32 to vector<2000x32xf32>
    %max3A_19 = arith.maximumf %add3A_17, %max3A_18 : vector<2000x32xf32>
    %swap3A = arith.constant 0 : index
    %swap3A_20 = arith.constant 0 : index
    %swap3A_21 = vector.load %arg6[%swap3A, %swap3A_20] : memref<2000x32xf32, #tpu.memory_space<vmem>>, vector<2000x32xf32>
    tpu.vector_store %arg6[%swap3A, %swap3A_20], %max3A_19 {strides = array<i32>} : memref<2000x32xf32, #tpu.memory_space<vmem>>, vector<2000x32xf32>,
    return
  }
  func.func @transform_0(%arg0: i32) -> (i32, i32) {
    %c0_i32 = arith.constant 0 : i32
    %c0_i32_0 = arith.constant 0 : i32
    return %arg0, %c0_i32 : i32, i32
  }
  func.func @transform_1(%arg0: i32) -> (i32, i32) {
    %c0_i32 = arith.constant 0 : i32
    %c0_i32_0 = arith.constant 0 : i32
    return %arg0, %c0_i32 : i32, i32
  }
  func.func @transform_2(%arg0: i32) -> (i32, i32) {
    %c0_i32 = arith.constant 0 : i32
    %c0_i32_0 = arith.constant 0 : i32
    return %arg0, %c0_i32 : i32, i32
  }
  func.func @transform_3(%arg0: i32) -> (i32, i32) {
    %c0_i32 = arith.constant 0 : i32
    %c0_i32_0 = arith.constant 0 : i32
    %c0_i32_1 = arith.constant 0 : i32
    return %c0_i32, %c0_i32_0 : i32, i32
  }
  func.func @transform_4(%arg0: i32) -> (i32, i32) {
    %c0_i32 = arith.constant 0 : i32
    %c0_i32_0 = arith.constant 0 : i32
    %c0_i32_1 = arith.constant 0 : i32
    return %c0_i32, %c0_i32_0 : i32, i32
  }
  func.func @transform_5(%arg0: i32) -> (i32, i32) {
    %c0_i32 = arith.constant 0 : i32
    %c0_i32_0 = arith.constant 0 : i32
    return %arg0, %c0_i32 : i32, i32
  }
}

module attributes {stable_mosaic.version = 14 : i64} {
  func.func @_msg_body(%arg0: i32, %arg1: memref<1280x32xf32, #tpu.memory_space<vmem>>, %arg2: memref<1280x16xf32, #tpu.memory_space<vmem>>, %arg3: memref<16x128xf32, #tpu.memory_space<vmem>>, %arg4: memref<1x128xf32, #tpu.memory_space<vmem>>, %arg5: memref<32x272xf32, #tpu.memory_space<vmem>>, %arg6: memref<128x272xf32, #tpu.memory_space<vmem>>, %arg7: memref<1x272xf32, #tpu.memory_space<vmem>>, %arg8: memref<272x16xf32, #tpu.memory_space<vmem>>, %arg9: memref<1280x16xf32, #tpu.memory_space<vmem>>) attributes {dimension_semantics = [#tpu.dimension_semantics<arbitrary>], iteration_bounds = array<i64: 128>, scalar_prefetch = 0 : i64, scratch_operands = 0 : i64, tpu.core_type = #tpu.core_type<tc>, window_params = [{transform_indices = @transform_0, window_bounds = array<i64: 1280, 32>}, {transform_indices = @transform_1, window_bounds = array<i64: 1280, 16>}, {pipeline_mode = #tpu.pipeline_mode<synchronous>, transform_indices = @transform_2, window_bounds = array<i64: 16, 128>}, {pipeline_mode = #tpu.pipeline_mode<synchronous>, transform_indices = @transform_3, window_bounds = array<i64: 1, 128>}, {pipeline_mode = #tpu.pipeline_mode<synchronous>, transform_indices = @transform_4, window_bounds = array<i64: 32, 272>}, {pipeline_mode = #tpu.pipeline_mode<synchronous>, transform_indices = @transform_5, window_bounds = array<i64: 128, 272>}, {pipeline_mode = #tpu.pipeline_mode<synchronous>, transform_indices = @transform_6, window_bounds = array<i64: 1, 272>}, {pipeline_mode = #tpu.pipeline_mode<synchronous>, transform_indices = @transform_7, window_bounds = array<i64: 272, 16>}, {transform_indices = @transform_8, window_bounds = array<i64: 1280, 16>}]} {
    %get3A = arith.constant 0 : index
    %get3A_0 = arith.constant 0 : index
    %get3A_1 = vector.load %arg2[%get3A, %get3A_0] : memref<1280x16xf32, #tpu.memory_space<vmem>>, vector<1280x16xf32>
    %get3A_2 = arith.constant 0 : index
    %get3A_3 = arith.constant 0 : index
    %get3A_4 = vector.load %arg3[%get3A_2, %get3A_3] : memref<16x128xf32, #tpu.memory_space<vmem>>, vector<16x128xf32>
    %dot_general3A = arith.constant dense<0.000000e+00> : vector<1280x128xf32>
    %dot_general3A_5 = tpu.matmul %get3A_1, %get3A_4, %dot_general3A {dimension_numbers = #tpu.dot_dimension_numbers<[1], [0], [0], [1], [0, 0, 1, 1], [], []>, transpose_lhs_hint = false} : vector<1280x16xf32>, vector<16x128xf32>, vector<1280x128xf32> -> vector<1280x128xf32>
    %get3A_6 = arith.constant 0 : index
    %get3A_7 = arith.constant 0 : index
    %get3A_8 = vector.load %arg4[%get3A_6, %get3A_7] : memref<1x128xf32, #tpu.memory_space<vmem>>, vector<1x128xf32>
    %add3A = vector.broadcast %get3A_8 : vector<1x128xf32> to vector<1280x128xf32>
    %add3A_9 = arith.addf %dot_general3A_5, %add3A : vector<1280x128xf32>
    %max3A = arith.constant 0.000000e+00 : f32
    %max3A_10 = vector.broadcast %max3A : f32 to vector<1280x128xf32>
    %max3A_11 = arith.maximumf %add3A_9, %max3A_10 : vector<1280x128xf32>
    %get3A_12 = arith.constant 0 : index
    %get3A_13 = arith.constant 0 : index
    %get3A_14 = vector.load %arg1[%get3A_12, %get3A_13] : memref<1280x32xf32, #tpu.memory_space<vmem>>, vector<1280x32xf32>
    %convert_element_type3A = arith.truncf %get3A_14 : vector<1280x32xf32> to vector<1280x32xbf16>
    %get3A_15 = arith.constant 0 : index
    %get3A_16 = arith.constant 0 : index
    %get3A_17 = vector.load %arg5[%get3A_15, %get3A_16] : memref<32x272xf32, #tpu.memory_space<vmem>>, vector<32x272xf32>
    %convert_element_type3A_18 = arith.truncf %get3A_17 : vector<32x272xf32> to vector<32x272xbf16>
    %dot_general3A_19 = arith.constant dense<0.000000e+00> : vector<1280x272xf32>
    %dot_general3A_20 = tpu.matmul %convert_element_type3A, %convert_element_type3A_18, %dot_general3A_19 {dimension_numbers = #tpu.dot_dimension_numbers<[1], [0], [0], [1], [0, 0, 1, 1], [], []>, transpose_lhs_hint = false} : vector<1280x32xbf16>, vector<32x272xbf16>, vector<1280x272xf32> -> vector<1280x272xf32>
    %convert_element_type3A_21 = arith.truncf %max3A_11 : vector<1280x128xf32> to vector<1280x128xbf16>
    %get3A_22 = arith.constant 0 : index
    %get3A_23 = arith.constant 0 : index
    %get3A_24 = vector.load %arg6[%get3A_22, %get3A_23] : memref<128x272xf32, #tpu.memory_space<vmem>>, vector<128x272xf32>
    %convert_element_type3A_25 = arith.truncf %get3A_24 : vector<128x272xf32> to vector<128x272xbf16>
    %dot_general3A_26 = arith.constant dense<0.000000e+00> : vector<1280x272xf32>
    %dot_general3A_27 = tpu.matmul %convert_element_type3A_21, %convert_element_type3A_25, %dot_general3A_26 {dimension_numbers = #tpu.dot_dimension_numbers<[1], [0], [0], [1], [0, 0, 1, 1], [], []>, transpose_lhs_hint = false} : vector<1280x128xbf16>, vector<128x272xbf16>, vector<1280x272xf32> -> vector<1280x272xf32>
    %get3A_28 = arith.constant 0 : index
    %get3A_29 = arith.constant 0 : index
    %get3A_30 = vector.load %arg7[%get3A_28, %get3A_29] : memref<1x272xf32, #tpu.memory_space<vmem>>, vector<1x272xf32>
    %add3A_31 = vector.broadcast %get3A_30 : vector<1x272xf32> to vector<1280x272xf32>
    %add3A_32 = arith.addf %dot_general3A_27, %add3A_31 : vector<1280x272xf32>
    %mul3A = arith.mulf %dot_general3A_20, %add3A_32 : vector<1280x272xf32>
    %convert_element_type3A_33 = arith.truncf %mul3A : vector<1280x272xf32> to vector<1280x272xbf16>
    %get3A_34 = arith.constant 0 : index
    %get3A_35 = arith.constant 0 : index
    %get3A_36 = vector.load %arg8[%get3A_34, %get3A_35] : memref<272x16xf32, #tpu.memory_space<vmem>>, vector<272x16xf32>
    %convert_element_type3A_37 = arith.truncf %get3A_36 : vector<272x16xf32> to vector<272x16xbf16>
    %dot_general3A_38 = arith.constant dense<0.000000e+00> : vector<1280x16xf32>
    %dot_general3A_39 = tpu.matmul %convert_element_type3A_33, %convert_element_type3A_37, %dot_general3A_38 {dimension_numbers = #tpu.dot_dimension_numbers<[1], [0], [0], [1], [0, 0, 1, 1], [], []>, transpose_lhs_hint = false} : vector<1280x272xbf16>, vector<272x16xbf16>, vector<1280x16xf32> -> vector<1280x16xf32>
    %swap3A = arith.constant 0 : index
    %swap3A_40 = arith.constant 0 : index
    %swap3A_41 = vector.load %arg9[%swap3A, %swap3A_40] : memref<1280x16xf32, #tpu.memory_space<vmem>>, vector<1280x16xf32>
    tpu.vector_store %arg9[%swap3A, %swap3A_40], %dot_general3A_39 {strides = array<i32>} : memref<1280x16xf32, #tpu.memory_space<vmem>>, vector<1280x16xf32>,
    return
  }
  func.func @transform_0(%arg0: i32) -> (i32, i32) {
    %c0_i32 = arith.constant 0 : i32
    %c0_i32_0 = arith.constant 0 : i32
    return %arg0, %c0_i32 : i32, i32
  }
  func.func @transform_1(%arg0: i32) -> (i32, i32) {
    %min3A = arith.constant 124 : i32
    %min3A_0 = arith.minsi %arg0, %min3A : i32
    %c0_i32 = arith.constant 0 : i32
    %c0_i32_1 = arith.constant 0 : i32
    return %min3A_0, %c0_i32 : i32, i32
  }
  func.func @transform_2(%arg0: i32) -> (i32, i32) {
    %c0_i32 = arith.constant 0 : i32
    %c0_i32_0 = arith.constant 0 : i32
    %c0_i32_1 = arith.constant 0 : i32
    return %c0_i32, %c0_i32_0 : i32, i32
  }
  func.func @transform_3(%arg0: i32) -> (i32, i32) {
    %c0_i32 = arith.constant 0 : i32
    %c0_i32_0 = arith.constant 0 : i32
    %c0_i32_1 = arith.constant 0 : i32
    return %c0_i32, %c0_i32_0 : i32, i32
  }
  func.func @transform_4(%arg0: i32) -> (i32, i32) {
    %c0_i32 = arith.constant 0 : i32
    %c0_i32_0 = arith.constant 0 : i32
    %c0_i32_1 = arith.constant 0 : i32
    return %c0_i32, %c0_i32_0 : i32, i32
  }
  func.func @transform_5(%arg0: i32) -> (i32, i32) {
    %c0_i32 = arith.constant 0 : i32
    %c0_i32_0 = arith.constant 0 : i32
    %c0_i32_1 = arith.constant 0 : i32
    return %c0_i32, %c0_i32_0 : i32, i32
  }
  func.func @transform_6(%arg0: i32) -> (i32, i32) {
    %c0_i32 = arith.constant 0 : i32
    %c0_i32_0 = arith.constant 0 : i32
    %c0_i32_1 = arith.constant 0 : i32
    return %c0_i32, %c0_i32_0 : i32, i32
  }
  func.func @transform_7(%arg0: i32) -> (i32, i32) {
    %c0_i32 = arith.constant 0 : i32
    %c0_i32_0 = arith.constant 0 : i32
    %c0_i32_1 = arith.constant 0 : i32
    return %c0_i32, %c0_i32_0 : i32, i32
  }
  func.func @transform_8(%arg0: i32) -> (i32, i32) {
    %c0_i32 = arith.constant 0 : i32
    %c0_i32_0 = arith.constant 0 : i32
    return %arg0, %c0_i32 : i32, i32
  }
}

module attributes {stable_mosaic.version = 14 : i64} {
  func.func @_node2_body(%arg0: i32, %arg1: memref<2000x16xf32, #tpu.memory_space<vmem>>, %arg2: memref<2000x16xf32, #tpu.memory_space<vmem>>, %arg3: memref<2000x32xf32, #tpu.memory_space<vmem>>, %arg4: memref<32x16xf32, #tpu.memory_space<vmem>>, %arg5: memref<1x16xf32, #tpu.memory_space<vmem>>, %arg6: memref<16x8xf32, #tpu.memory_space<vmem>>, %arg7: memref<1x8xf32, #tpu.memory_space<vmem>>, %arg8: memref<8x1xf32, #tpu.memory_space<vmem>>, %arg9: memref<1x1xf32, #tpu.memory_space<vmem>>, %arg10: memref<2000x1xf32, #tpu.memory_space<vmem>>) attributes {dimension_semantics = [#tpu.dimension_semantics<arbitrary>], iteration_bounds = array<i64: 5>, scalar_prefetch = 0 : i64, scratch_operands = 0 : i64, tpu.core_type = #tpu.core_type<tc>, window_params = [{transform_indices = @transform_0, window_bounds = array<i64: 2000, 16>}, {transform_indices = @transform_1, window_bounds = array<i64: 2000, 16>}, {transform_indices = @transform_2, window_bounds = array<i64: 2000, 32>}, {pipeline_mode = #tpu.pipeline_mode<synchronous>, transform_indices = @transform_3, window_bounds = array<i64: 32, 16>}, {pipeline_mode = #tpu.pipeline_mode<synchronous>, transform_indices = @transform_4, window_bounds = array<i64: 1, 16>}, {pipeline_mode = #tpu.pipeline_mode<synchronous>, transform_indices = @transform_5, window_bounds = array<i64: 16, 8>}, {pipeline_mode = #tpu.pipeline_mode<synchronous>, transform_indices = @transform_6, window_bounds = array<i64: 1, 8>}, {pipeline_mode = #tpu.pipeline_mode<synchronous>, transform_indices = @transform_7, window_bounds = array<i64: 8, 1>}, {pipeline_mode = #tpu.pipeline_mode<synchronous>, transform_indices = @transform_8, window_bounds = array<i64: 1, 1>}, {transform_indices = @transform_9, window_bounds = array<i64: 2000, 1>}]} {
    %get3A = arith.constant 0 : index
    %get3A_0 = arith.constant 0 : index
    %get3A_1 = vector.load %arg1[%get3A, %get3A_0] : memref<2000x16xf32, #tpu.memory_space<vmem>>, vector<2000x16xf32>
    %get3A_2 = arith.constant 0 : index
    %get3A_3 = arith.constant 0 : index
    %get3A_4 = vector.load %arg2[%get3A_2, %get3A_3] : memref<2000x16xf32, #tpu.memory_space<vmem>>, vector<2000x16xf32>
    %add3A = arith.addf %get3A_1, %get3A_4 : vector<2000x16xf32>
    %get3A_5 = arith.constant 0 : index
    %get3A_6 = arith.constant 0 : index
    %get3A_7 = vector.load %arg3[%get3A_5, %get3A_6] : memref<2000x32xf32, #tpu.memory_space<vmem>>, vector<2000x32xf32>
    %get3A_8 = arith.constant 0 : index
    %get3A_9 = arith.constant 0 : index
    %get3A_10 = vector.load %arg4[%get3A_8, %get3A_9] : memref<32x16xf32, #tpu.memory_space<vmem>>, vector<32x16xf32>
    %dot_general3A = arith.constant dense<0.000000e+00> : vector<2000x16xf32>
    %dot_general3A_11 = tpu.matmul %get3A_7, %get3A_10, %dot_general3A {dimension_numbers = #tpu.dot_dimension_numbers<[1], [0], [0], [1], [0, 0, 1, 1], [], []>, transpose_lhs_hint = false} : vector<2000x32xf32>, vector<32x16xf32>, vector<2000x16xf32> -> vector<2000x16xf32>
    %add3A_12 = arith.addf %add3A, %dot_general3A_11 : vector<2000x16xf32>
    %get3A_13 = arith.constant 0 : index
    %get3A_14 = arith.constant 0 : index
    %get3A_15 = vector.load %arg5[%get3A_13, %get3A_14] : memref<1x16xf32, #tpu.memory_space<vmem>>, vector<1x16xf32>
    %add3A_16 = vector.broadcast %get3A_15 : vector<1x16xf32> to vector<2000x16xf32>
    %add3A_17 = arith.addf %add3A_12, %add3A_16 : vector<2000x16xf32>
    %max3A = arith.constant 0.000000e+00 : f32
    %max3A_18 = vector.broadcast %max3A : f32 to vector<2000x16xf32>
    %max3A_19 = arith.maximumf %add3A_17, %max3A_18 : vector<2000x16xf32>
    %get3A_20 = arith.constant 0 : index
    %get3A_21 = arith.constant 0 : index
    %get3A_22 = vector.load %arg6[%get3A_20, %get3A_21] : memref<16x8xf32, #tpu.memory_space<vmem>>, vector<16x8xf32>
    %dot_general3A_23 = arith.constant dense<0.000000e+00> : vector<2000x8xf32>
    %dot_general3A_24 = tpu.matmul %max3A_19, %get3A_22, %dot_general3A_23 {dimension_numbers = #tpu.dot_dimension_numbers<[1], [0], [0], [1], [0, 0, 1, 1], [], []>, transpose_lhs_hint = false} : vector<2000x16xf32>, vector<16x8xf32>, vector<2000x8xf32> -> vector<2000x8xf32>
    %get3A_25 = arith.constant 0 : index
    %get3A_26 = arith.constant 0 : index
    %get3A_27 = vector.load %arg7[%get3A_25, %get3A_26] : memref<1x8xf32, #tpu.memory_space<vmem>>, vector<1x8xf32>
    %add3A_28 = vector.broadcast %get3A_27 : vector<1x8xf32> to vector<2000x8xf32>
    %add3A_29 = arith.addf %dot_general3A_24, %add3A_28 : vector<2000x8xf32>
    %max3A_30 = arith.constant 0.000000e+00 : f32
    %max3A_31 = vector.broadcast %max3A_30 : f32 to vector<2000x8xf32>
    %max3A_32 = arith.maximumf %add3A_29, %max3A_31 : vector<2000x8xf32>
    %get3A_33 = arith.constant 0 : index
    %get3A_34 = arith.constant 0 : index
    %get3A_35 = vector.load %arg8[%get3A_33, %get3A_34] : memref<8x1xf32, #tpu.memory_space<vmem>>, vector<8x1xf32>
    %dot_general3A_36 = arith.constant dense<0.000000e+00> : vector<2000x1xf32>
    %dot_general3A_37 = tpu.matmul %max3A_32, %get3A_35, %dot_general3A_36 {dimension_numbers = #tpu.dot_dimension_numbers<[1], [0], [0], [1], [0, 0, 1, 1], [], []>, transpose_lhs_hint = false} : vector<2000x8xf32>, vector<8x1xf32>, vector<2000x1xf32> -> vector<2000x1xf32>
    %get3A_38 = arith.constant 0 : index
    %get3A_39 = arith.constant 0 : index
    %get3A_40 = vector.load %arg9[%get3A_38, %get3A_39] : memref<1x1xf32, #tpu.memory_space<vmem>>, vector<1x1xf32>
    %add3A_41 = vector.broadcast %get3A_40 : vector<1x1xf32> to vector<2000x1xf32>
    %add3A_42 = arith.addf %dot_general3A_37, %add3A_41 : vector<2000x1xf32>
    %swap3A = arith.constant 0 : index
    %swap3A_43 = arith.constant 0 : index
    %swap3A_44 = vector.load %arg10[%swap3A, %swap3A_43] : memref<2000x1xf32, #tpu.memory_space<vmem>>, vector<2000x1xf32>
    tpu.vector_store %arg10[%swap3A, %swap3A_43], %add3A_42 {strides = array<i32>} : memref<2000x1xf32, #tpu.memory_space<vmem>>, vector<2000x1xf32>,
    return
  }
  func.func @transform_0(%arg0: i32) -> (i32, i32) {
    %c0_i32 = arith.constant 0 : i32
    %c0_i32_0 = arith.constant 0 : i32
    return %arg0, %c0_i32 : i32, i32
  }
  func.func @transform_1(%arg0: i32) -> (i32, i32) {
    %c0_i32 = arith.constant 0 : i32
    %c0_i32_0 = arith.constant 0 : i32
    return %arg0, %c0_i32 : i32, i32
  }
  func.func @transform_2(%arg0: i32) -> (i32, i32) {
    %c0_i32 = arith.constant 0 : i32
    %c0_i32_0 = arith.constant 0 : i32
    return %arg0, %c0_i32 : i32, i32
  }
  func.func @transform_3(%arg0: i32) -> (i32, i32) {
    %c0_i32 = arith.constant 0 : i32
    %c0_i32_0 = arith.constant 0 : i32
    %c0_i32_1 = arith.constant 0 : i32
    return %c0_i32, %c0_i32_0 : i32, i32
  }
  func.func @transform_4(%arg0: i32) -> (i32, i32) {
    %c0_i32 = arith.constant 0 : i32
    %c0_i32_0 = arith.constant 0 : i32
    %c0_i32_1 = arith.constant 0 : i32
    return %c0_i32, %c0_i32_0 : i32, i32
  }
  func.func @transform_5(%arg0: i32) -> (i32, i32) {
    %c0_i32 = arith.constant 0 : i32
    %c0_i32_0 = arith.constant 0 : i32
    %c0_i32_1 = arith.constant 0 : i32
    return %c0_i32, %c0_i32_0 : i32, i32
  }
  func.func @transform_6(%arg0: i32) -> (i32, i32) {
    %c0_i32 = arith.constant 0 : i32
    %c0_i32_0 = arith.constant 0 : i32
    %c0_i32_1 = arith.constant 0 : i32
    return %c0_i32, %c0_i32_0 : i32, i32
  }
  func.func @transform_7(%arg0: i32) -> (i32, i32) {
    %c0_i32 = arith.constant 0 : i32
    %c0_i32_0 = arith.constant 0 : i32
    %c0_i32_1 = arith.constant 0 : i32
    return %c0_i32, %c0_i32_0 : i32, i32
  }
  func.func @transform_8(%arg0: i32) -> (i32, i32) {
    %c0_i32 = arith.constant 0 : i32
    %c0_i32_0 = arith.constant 0 : i32
    %c0_i32_1 = arith.constant 0 : i32
    return %c0_i32, %c0_i32_0 : i32, i32
  }
  func.func @transform_9(%arg0: i32) -> (i32, i32) {
    %c0_i32 = arith.constant 0 : i32
    %c0_i32_0 = arith.constant 0 : i32
    return %arg0, %c0_i32 : i32, i32
  }
}

</mosaic_0001>

<sc_bundles>
// kernel: kernel.10.cloned.1.call-start
scs
__scs_entry_jumppad:
0x0: {  	(pc) =	sbr.rel $0x88, $3  }
0x1: {  	(tag) =	ssettag $0x0;
	lr =	simm.s32 $0x1  }
0x2: {  	[smem:$0x3F8E] =	sst lr;
	_ =	strace $0xD0000000  }
0x3: {  	_ = 	snop  }
0x4: {  	_ = 	snop  }
0x5: {  	_ = 	snop  }
0x6: {  	_ = 	snop  }
0x7: {  	_ = 	snop  }
__scs_overlays_trampoline_lowered:
0x8: {  	[smem:$0x3F9D] =	sst s0  }
0x9: {  	[smem:$0x3F9E] =	sst s1  }
0xa: {  	[smem:$0x3F9F] =	sst s2  }
0xb: {  	[smem:$0x3FA0] =	sst s3  }
0xc: {  	[smem:$0x3FA1] =	sst s4  }
0xd: {  	[smem:$0x3FA2] =	sst s5  }
0xe: {  	[smem:$0x3FA3] =	sst s6  }
0xf: {  	[smem:$0x3FA4] =	sst s7  }
0x10: {  	[smem:$0x3FA5] =	sst s8  }
0x11: {  	[smem:$0x3FA6] =	sst s9;
	s0 =	simm.s32 @!p0 $0x0  }
0x12: {  	s1 =	sld [smem:$0x3F8C];
	s0 =	simm.s32 @p0 $0x1  }
0x13: {  	[smem:$0x3FA7] =	sst s0;
	s0 =	simm.s32 @!p1 $0x0  }
0x14: {  	s2 =	sld [smem:$0x3F8B];
	s0 =	simm.s32 @p1 $0x1  }
0x15: {  	[smem:$0x3FA8] =	sst s0;
	s0 =	simm.s32 @!p2 $0x0  }
0x16: {  	s3 =	sld [smem:$0x3FDB];
	s0 =	simm.s32 @p2 $0x1  }
0x17: {  	s4 =	simm.s32 $0x1BF5;
	[smem:$0x3FAA] =	sst s0  }
0x18: {  	s0 =	sld [smem:$0x3F8D];
	_ =	swait.ge [sflag:s4], $0x0  }
0x19: {  	s7 =	sld [smem:$0x3F8E]  }
0x1a: {  	s8 =	sadd.s32 $0xFFFFE003, lr  }
0x1b: {  	s9 =	sadd.s32 $0xFFFFFEF7, lr;
	s5 =	simm.s32 $0xFFFFFFFF;
	p2 =	slt.u32 s8, $0xFFFFF086  }
0x1c: {  	p1 =	slt.u32 s9, $0xF7A;
	s5 =	simm.s32 @!p2 $0x0  }
0x1d: {  	s5 =	simm.s32 @p1 $0x1;
	p0 =	seq.s32 s7, s2  }
0x1e: {  	s7 =	smul.u32 @!p0 $0xF7A, s2;
	p2 =	seq.s32 @!p0 s5, $0x0  }
0x1f: {  	s9 =	smul.u32 $0xF7A, s1;
	s8 =	simm.s32 @!p0 $0x1BF5;
	p2 =	por !p2, p0  }
0x20: {  	[sflag:s8] =	ssyncset.s32 @!p0 $0xFFFFF086;
	s6 =	sadd.s32 @!p0 s3, s7;
	s7 =	simm.s32 @!p0 $0x108  }
0x21: {  	s3 =	sadd.s32 s3, s9;
	s6 =	sadd.s32 @!p0 $0x88, s6;
	s7 =	simm.s32 @p2 $0x1082  }
0x22: {  	[simem:s7], [sflag:s8] =	dma.local @!p0 [hbm:s6], $0xF7A  }
0x23: {  	s9 =	sor.u32 $0xD0000000, s2;
	s6 =	simm.s32 $0x108;
	_ =	swait.ge @!p0 [sflag:s8], $0x0  }
0x24: {  	s3 =	sadd.s32 $0x88, s3;
	s6 =	simm.s32 @!p1 $0x1082;
	[sflag:s4] =	ssyncset.s32 $0xFFFFF086  }
0x25: {  	[simem:s6], [sflag:s4] =	dma.local [hbm:s3], $0xF7A  }
0x26: {  	[smem:$0x3F8E] =	sst s1;
	(tag) =	ssettag s2;
	_ =	strace s9  }
0x27: {  	s1 =	sld [smem:$0x3F9E]  }
0x28: {  	s2 =	sld [smem:$0x3F9F]  }
0x29: {  	s4 =	sld [smem:$0x3FA1]  }
0x2a: {  	p0 =	seq.s32 s5, $0x0;
	s5 =	sld [smem:$0x3FA2]  }
0x2b: {  	s6 =	sld [smem:$0x3FA3]  }
0x2c: {  	s7 =	sld [smem:$0x3FA4]  }
0x2d: {  	s3 =	simm.s32 $0x108;
	s8 =	sld [smem:$0x3FA5]  }
0x2e: {  	s3 =	simm.s32 @!p0 $0x1082;
	s9 =	sld [smem:$0x3FA6]  }
0x2f: {  	lr =	sadd.s32 s0, s3;
	s0 =	sld [smem:$0x3F9D]  }
0x30: {  	s3 =	sld [smem:$0x3FA0]  }
0x31: {  	[smem:$0x3FA9] =	sst s10  }
0x32: {  	s10 =	sld [smem:$0x3FA7];
	_ =	sdelay $0x3  }
0x33: {  	p0 =	seq.s32 s10, $0x1;
	s10 =	sld [smem:$0x3FA9];
	_ =	sdelay $0x3  }
0x34: {  	[smem:$0x3FA9] =	sst s10  }
0x35: {  	s10 =	sld [smem:$0x3FA8];
	_ =	sdelay $0x3  }
0x36: {  	p1 =	seq.s32 s10, $0x1;
	s10 =	sld [smem:$0x3FA9];
	_ =	sdelay $0x3  }
0x37: {  	[smem:$0x3FA9] =	sst s10  }
0x38: {  	s10 =	sld [smem:$0x3FAA]  }
0x39: {  	_ = 	snop;
	(pc) =	sbr.ind lr, $3  }
0x3a: {  	_ = 	snop  }
0x3b: {  	_ = 	snop  }
0x3c: {  	p2 =	seq.s32 s10, $0x1;
	s10 =	sld [smem:$0x3FA9]  }
0x3d: {  	_ =	shalt  }
0x3e: {  	_ =	shalt  }
0x3f: {  	_ =	shalt  }
0x40: {  	_ =	shalt  }
0x41: {  	_ =	shalt  }
0x42: {  	_ =	shalt  }
0x43: {  	_ =	shalt  }
0x44: {  	_ =	shalt  }
0x45: {  	_ =	shalt  }
0x46: {  	_ =	shalt  }
0x47: {  	_ =	shalt  }
0x48: {  	_ =	shalt  }
0x49: {  	_ =	shalt  }
0x4a: {  	_ =	shalt  }
0x4b: {  	_ =	shalt  }
0x4c: {  	_ =	shalt  }
0x4d: {  	_ =	shalt  }
0x4e: {  	_ =	shalt  }
0x4f: {  	_ =	shalt  }
0x50: {  	_ =	shalt  }
0x51: {  	_ =	shalt  }
0x52: {  	_ =	shalt  }
0x53: {  	_ =	shalt  }
0x54: {  	_ =	shalt  }
0x55: {  	_ =	shalt  }
0x56: {  	_ =	shalt  }
0x57: {  	_ =	shalt  }
0x58: {  	_ =	shalt  }
0x59: {  	_ =	shalt  }
0x5a: {  	_ =	shalt  }
0x5b: {  	_ =	shalt  }
0x5c: {  	_ =	shalt  }
0x5d: {  	_ =	shalt  }
0x5e: {  	_ =	shalt  }
0x5f: {  	_ =	shalt  }
0x60: {  	_ =	shalt  }
0x61: {  	_ =	shalt  }
0x62: {  	_ =	shalt  }
0x63: {  	_ =	shalt  }
0x64: {  	_ =	shalt  }
0x65: {  	_ =	shalt  }
0x66: {  	_ =	shalt  }
0x67: {  	_ =	shalt  }
0x68: {  	_ =	shalt  }
0x69: {  	_ =	shalt  }
0x6a: {  	_ =	shalt  }
0x6b: {  	_ =	shalt  }
0x6c: {  	_ =	shalt  }
0x6d: {  	_ =	shalt  }
0x6e: {  	_ =	shalt  }
0x6f: {  	_ =	shalt  }
0x70: {  	_ =	shalt  }
0x71: {  	_ =	shalt  }
0x72: {  	_ =	shalt  }
0x73: {  	_ =	shalt  }
0x74: {  	_ =	shalt  }
0x75: {  	_ =	shalt  }
0x76: {  	_ =	shalt  }
0x77: {  	_ =	shalt  }
0x78: {  	_ =	shalt  }
0x79: {  	_ =	shalt  }
0x7a: {  	_ =	shalt  }
0x7b: {  	_ =	shalt  }
0x7c: {  	_ =	shalt  }
0x7d: {  	_ =	shalt  }
0x7e: {  	_ =	shalt  }
0x7f: {  	_ =	shalt  }
0x80: {  	_ =	shalt  }
0x81: {  	_ =	shalt  }
0x82: {  	_ =	shalt  }
0x83: {  	_ =	shalt  }
0x84: {  	_ =	shalt  }
0x85: {  	_ =	shalt  }
0x86: {  	_ =	shalt  }
0x87: {  	_ =	shalt  }
.Lfunc_end0:
.L_simem_size_0:
called_computation_lowered:
.L_overlay_start_0:
0x88: {  	s2 =	sld [smem:$0x3FD9]  }
0x89: {  	s3 =	sld [smem:$0x3FFE];
	_ =	sdelay $0x1  }
0x8a: {  	s1 =	srdreg.scid  }
0x8b: {  	s0 =	sand.u32 $0x1, s1  }
0x8c: {  	s17 =	sshll.u32 s0, $0xA;
	s2 =	sadd.s32 s3, s2  }
0x8d: {  	s2 =	sadd.s32 s2, s17  }
0x8e: {  	[smem:$0x3FB5] =	sst s2  }
0x8f: {  	_ = 	snop  }
0x90: {  	s2 =	sld [smem:$0x3FC9];
	(tm) =	ssettm $0x1  }
0x91: {  	s18 =	sld [smem:$0x3FFB];
	_ =	sdelay $0x3  }
0x92: {  	_ =	strace s18  }
0x93: {  	s3 =	sld [smem:$0x3FFC];
	_ =	sdelay $0x3  }
0x94: {  	_ =	strace s3  }
0x95: {  	s3 =	sld [smem:$0x3FFD];
	_ =	sdelay $0x3  }
0x96: {  	_ =	strace s3  }
0x97: {  	_ =	strace $0x8FFFFFFF  }
0x98: {  	s19 =	sld [smem:$0x3FDB];
	_ =	sdelay $0x1  }
0x99: {  	s4 =	simm.s32 $_scs_section_size  }
0x9a: {  	s5 =	simm.s32 $_size__tile_overlayer_lowered;
	s6 =	simm.s32 $_tile_overlayer_lowered  }
0x9b: {  	s22 =	simm.s32 $0x1BFF;
	s21 =	sshll.u32 s6, $0x1;
	s3 =	sadd.s32 s4, s19  }
0x9c: {  	s7 =	simm.s32 $0x0;
	s20 =	sshll.u32 s5, $0x1;
	s5 =	sadd.s32 s21, s3  }
0x9d: {  	[timem:s7], [sflag:s22] =	dma.local [hbm:s5], s20  }
0x9e: {  	_ =	swait.ge [sflag:s22], s20  }
0x9f: {  	s4 =	ssub.s32 $0x0, s20;
	[sflag:s22] =	ssyncset.done $0x0  }
0xa0: {  	[sflag:s22] =	ssyncadd.s32 s4;
	_ =	sdelay $0x1  }
0xa1: {  	s23 =	simm.s32 $0x1B8B  }
0xa2: {  	_ =	swait.ge [sflag:s23], $0x1  }
0xa3: {  	[sflag:s23] =	ssyncset.done $0x0  }
0xa4: {  	s25 =	simm.s32 $0x1B8E;
	s24 =	sld [smem:$0x3FFE];
	[sflag:s23] =	ssyncadd.s32 $0xFFFFFFFF  }
0xa5: {  	s26 =	simm.s32 $execute0_lowered;
	[smem:$0x3FD2] =	sst s25  }
0xa6: {  	s5 =	sshll.u32 s26, $0x1;
	_ =	strace $0x80000046;
	[dreg:$0x1] =	wrdreg $0xFFFFFFFF  }
0xa7: {  	s28 =	simm.s32 $_size_execute0_lowered;
	s3 =	sadd.s32 s3, s5;
	[dreg:$0x0] =	wrdreg $0x0  }
0xa8: {  	s5 =	sshll.u32 s28, $0x1;
	[dreg:$0x2] =	wrdreg s3  }
0xa9: {  	[dreg:$0x3] =	wrdreg s5  }
0xaa: {  	[dreg:$0x4] =	wrdreg $0xC0  }
0xab: {  	_ =	task [dreg:s7], $0x5FFFF  }
0xac: {  	[dreg:$0x1] =	wrdreg $0xFFFFFFFF  }
0xad: {  	[dreg:$0x0] =	wrdreg $0x60  }
0xae: {  	[dreg:$0x2] =	wrdreg s2  }
0xaf: {  	[dreg:$0x3] =	wrdreg s24  }
0xb0: {  	[dreg:$0x4] =	wrdreg $0x9  }
0xb1: {  	_ =	task.clear_ibuf [dreg:s7], $0x5FFFF;
	_ =	strace $0x90000046  }
0xb2: {  	s29 =	simm.s32 $0x9;
	_ =	strace $0x80000048  }
0xb3: {  	_ =	swait.ge [sflag:s29], $0x1  }
0xb4: {  	[sflag:s29] =	ssyncadd.s32 $0xFFFFFFFF  }
0xb5: {  	_ =	strace $0x90000048  }
0xb6: {  	_ =	sfence  }
0xb7: {  	s30 =	sld [smem:$0x0];
	_ =	sdelay $0x2  }
0xb8: {  	s31 =	sshll.u32 s1, $0xD;
	s1 =	sshrl.u32 s1, $0x2  }
0xb9: {  	s3 =	sand.u32 $0x4000, s31;
	s1 =	sadd.s32 s1, s30  }
0xba: {  	s0 =	sor.u32 s3, s0;
	s1 =	sshll.u32 s1, $0x11  }
0xbb: {  	s0 =	sor.u32 s1, s0  }
0xbc: {  	s0 =	sadd.s32 $0x8F2B, s0  }
0xbd: {  	[sflag:s0] =	ssyncadd.remote.s32 $0x1  }
0xbe: {  	_ =	sfence.sel $0xFFFF  }
0xbf: {  	[dreg:$0x0] =	wrdreg $0xFFFFFFFF;
	(pc) =	sbr.abs _section_cstart, $3  }
0xc0: {  	[dreg:$0x1] =	wrdreg $0xFFFFFFFF  }
0xc1: {  	_ =	task.clear_ibuf [dreg:s7], $0x2FFFF;
	_ =	strace $0x9FFFFFFF  }
0xc2: {  	(tm) =	ssettm $0x7FFFFFFF  }
0xc3: {  	_ =	shalt  }
tec
execute0_lowered:
.L_overlay_start_1:
0x0: {  	(tag) =	ssettag $0x1  }
0x1: {  	s2 =	rddreg [dreg:$0x0]  }
0x2: {  	s4 =	rddreg [dreg:$0x1];
	s0 =	stileid.u32  }
0x3: {  	s3 =	srdreg.scid;
	s11 =	simm.s32 $0x9;
	s12 =	simm.s32 $0x80  }
0x4: {  	s13 =	simm.s32 $0x1E00;
	s14 =	simm.s32 $0x5E00;
	s15 =	simm.s32 $0x100  }
0x5: {  	s16 =	simm.s32 $0x9E00;
	s17 =	simm.s32 $0x180;
	s18 =	simm.s32 $0xDE00  }
0x6: {  	s19 =	simm.s32 $0x1;
	s20 =	simm.s32 $0x2;
	s21 =	simm.s32 $0x3  }
0x7: {  	s22 =	simm.s32 $0x4;
	s23 =	simm.s32 $0x5;
	s24 =	simm.s32 $0x6  }
0x8: {  	s25 =	simm.s32 $0x7;
	s26 =	simm.s32 $0x8;
	s5 =	smul.u32 $0x14, s0  }
0x9: {  	s28 =	simm.s32 $0x0;
	s6 =	sand.u32 $0x1, s3;
	s7 =	smul.u32 $0x3C, s0  }
0xa: {  	s3 =	simm.s32 $0x0;
	p0 =	seq.s32 s6, $0x0;
	s6 =	ssub.s32 $0x2, s6  }
0xb: {  	[smem:$0x7FF] =	sst s3;
	s5 =	sadd.s32 $0x3C0, s5;
	s8 =	sshrl.u32 s6, $0x1  }
0xc: {  	_ =	strace $0x80000047;
	s5 =	smov.u32 @p0 s7;
	s6 =	ssub.s32 s6, s8  }
0xd: {  	s7 =	sshll.u32 s5, $0x4;
	s5 =	sshll.u32 s5, $0xB;
	s6 =	smax.u32 s6, $0x1  }
0xe: {  	s7 =	sadd.s32 s7, s4;
	s10 =	sadd.s32 s5, s4;
	s4 =	simm.s32 $0x1C000  }
0xf: {  	s4 =	simm.s32 @!p0 $0x8000;
	s5 =	sadd.s32 $0x5400, s7;
	s7 =	sadd.s32 $0xA800, s10  }
0x10: {  	s8 =	sadd.s32 $0xB000, s10;
	s9 =	sadd.s32 $0xB800, s10;
	s10 =	sadd.s32 $0xC000, s10  }
.LBB2_1:
0x11: {  	[tilespmem:s3], [sflag:$0x9] =	stream.linear.gather [hbm4b:s5+s3], $0x1E00, $0x38;
	[tilespmem:$0x11E00] =	vst v63  }
0x12: {  	_ =	swait.ge [sflag:s11], $0x1E00  }
0x13: {  	[sflag:s11] =	ssyncset.done $0x0  }
0x14: {  	[sflag:s11] =	ssyncadd.s32 $0xFFFFE200  }
0x15: {  	[tilespmem:s13], [sflag:$0x1] =	stream.indirect.gather [hbm4b:s2+s12], $0x80, s3, s12, $0xb8;
	[tilespmem:$0x11E00] =	vst v63  }
0x16: {  	_ = 	snop  }
0x17: {  	[tilespmem:s14], [sflag:$0x2] =	stream.indirect.gather [hbm4b:s2+s12], $0x80, s12, s12, $0xb8;
	[tilespmem:$0x11E00] =	vst v63  }
0x18: {  	_ = 	snop  }
0x19: {  	[tilespmem:s16], [sflag:$0x3] =	stream.indirect.gather [hbm4b:s2+s12], $0x80, s15, s12, $0xb8;
	[tilespmem:$0x11E00] =	vst v63  }
0x1a: {  	_ = 	snop  }
0x1b: {  	[tilespmem:s18], [sflag:$0x4] =	stream.indirect.gather [hbm4b:s2+s12], $0x80, s17, s12, $0xb8;
	[tilespmem:$0x11E00] =	vst v63  }
0x1c: {  	_ =	swait.ge [sflag:s19], $0x4000  }
0x1d: {  	[sflag:s19] =	ssyncset.done $0x0  }
0x1e: {  	[sflag:s19] =	ssyncadd.s32 $0xFFFFC000  }
0x1f: {  	[hbm4b:s7+s3] =	stream.linear.scatter [tilespmem:s13], [sflag:$0x5], $0x4000, $0x38;
	[tilespmem:$0x11E00] =	vst v63  }
0x20: {  	_ =	swait.ge [sflag:s20], $0x4000  }
0x21: {  	[sflag:s20] =	ssyncset.done $0x0  }
0x22: {  	[sflag:s20] =	ssyncadd.s32 $0xFFFFC000  }
0x23: {  	[hbm4b:s8+s3] =	stream.linear.scatter [tilespmem:s14], [sflag:$0x6], $0x4000, $0x38;
	[tilespmem:$0x11E00] =	vst v63  }
0x24: {  	_ =	swait.ge [sflag:s21], $0x4000  }
0x25: {  	[sflag:s21] =	ssyncset.done $0x0  }
0x26: {  	[sflag:s21] =	ssyncadd.s32 $0xFFFFC000  }
0x27: {  	[hbm4b:s9+s3] =	stream.linear.scatter [tilespmem:s16], [sflag:$0x7], $0x4000, $0x38;
	[tilespmem:$0x11E00] =	vst v63  }
0x28: {  	_ =	swait.ge [sflag:s22], $0x4000  }
0x29: {  	[sflag:s22] =	ssyncset.done $0x0  }
0x2a: {  	[sflag:s22] =	ssyncadd.s32 $0xFFFFC000  }
0x2b: {  	[hbm4b:s10+s3] =	stream.linear.scatter [tilespmem:s18], [sflag:$0x8], $0x4000, $0x38;
	[tilespmem:$0x11E00] =	vst v63  }
0x2c: {  	_ =	swait.ge [sflag:s23], $0x4000  }
0x2d: {  	[sflag:s23] =	ssyncset.done $0x0  }
0x2e: {  	s29 =	simm.s32 $0x200;
	[sflag:s23] =	ssyncadd.s32 $0xFFFFC000  }
0x2f: {  	[tilespmem:s13], [sflag:$0x1] =	stream.indirect.gather [hbm4b:s2+s12], $0x80, s29, s12, $0xb8;
	[tilespmem:$0x11E00] =	vst v63  }
0x30: {  	_ =	swait.ge [sflag:s24], $0x4000  }
0x31: {  	[sflag:s24] =	ssyncset.done $0x0  }
0x32: {  	s29 =	simm.s32 $0x280;
	[sflag:s24] =	ssyncadd.s32 $0xFFFFC000  }
0x33: {  	[tilespmem:s14], [sflag:$0x2] =	stream.indirect.gather [hbm4b:s2+s12], $0x80, s29, s12, $0xb8;
	[tilespmem:$0x11E00] =	vst v63  }
0x34: {  	_ =	swait.ge [sflag:s25], $0x4000  }
0x35: {  	[sflag:s25] =	ssyncset.done $0x0  }
0x36: {  	s29 =	simm.s32 $0x300;
	[sflag:s25] =	ssyncadd.s32 $0xFFFFC000  }
0x37: {  	[tilespmem:s16], [sflag:$0x3] =	stream.indirect.gather [hbm4b:s2+s12], $0x80, s29, s12, $0xb8;
	[tilespmem:$0x11E00] =	vst v63  }
0x38: {  	_ =	swait.ge [sflag:s26], $0x4000  }
0x39: {  	[sflag:s26] =	ssyncset.done $0x0  }
0x3a: {  	s29 =	simm.s32 $0x380;
	[sflag:s26] =	ssyncadd.s32 $0xFFFFC000  }
0x3b: {  	[tilespmem:s18], [sflag:$0x4] =	stream.indirect.gather [hbm4b:s2+s12], $0x80, s29, s12, $0xb8;
	[tilespmem:$0x11E00] =	vst v63  }
0x3c: {  	_ =	swait.ge [sflag:s19], $0x4000  }
0x3d: {  	s30 =	sadd.s32 $0x0, s7;
	[sflag:s19] =	ssyncset.done $0x0  }
0x3e: {  	s29 =	sadd.s32 $0x2000, s30;
	[sflag:s19] =	ssyncadd.s32 $0xFFFFC000  }
0x3f: {  	[hbm4b:s29+s3] =	stream.linear.scatter [tilespmem:s13], [sflag:$0x5], $0x4000, $0x38;
	[tilespmem:$0x11E00] =	vst v63  }
0x40: {  	_ =	swait.ge [sflag:s20], $0x4000  }
0x41: {  	[sflag:s20] =	ssyncset.done $0x0  }
0x42: {  	s29 =	sadd.s32 $0x2800, s30;
	[sflag:s20] =	ssyncadd.s32 $0xFFFFC000  }
0x43: {  	[hbm4b:s29+s3] =	stream.linear.scatter [tilespmem:s14], [sflag:$0x6], $0x4000, $0x38;
	[tilespmem:$0x11E00] =	vst v63  }
0x44: {  	_ =	swait.ge [sflag:s21], $0x4000  }
0x45: {  	p0 =	sne.s32 s4, $0x2000;
	[sflag:s21] =	ssyncset.done $0x0  }
.Ltmp0:
0x46: {  	s29 =	sadd.s32 $0x3000, s30;
	[sflag:s21] =	ssyncadd.s32 $0xFFFFC000;
	(pc) =	sbr.rel @!p0 .LBB2_3-.Ltmp0, $4  }
0x47: {  	[hbm4b:s29+s3] =	stream.linear.scatter [tilespmem:s16], [sflag:$0x7], $0x4000, $0x38;
	[tilespmem:$0x11E00] =	vst v63  }
0x48: {  	_ =	swait.ge [sflag:s22], $0x4000  }
0x49: {  	s31 =	sadd.s32 $0x3800, s30;
	[sflag:s22] =	ssyncset.done $0x0  }
0x4a: {  	s30 =	simm.s32 $0x580;
	s29 =	simm.s32 $0x2000;
	[sflag:s22] =	ssyncadd.s32 $0xFFFFC000  }
.LBB2_2:
0x4b: {  	[hbm4b:s31+s3] =	stream.linear.scatter [tilespmem:s18], [sflag:$0x8], $0x4000, $0x38;
	[tilespmem:$0x11E00] =	vst v63  }
0x4c: {  	s31 =	smov.u32 s29;
	s29 =	sadd.s32 $0x2000, s29;
	_ =	swait.ge [sflag:s23], $0x4000  }
0x4d: {  	p0 =	sne.s32 s4, s29;
	[sflag:s23] =	ssyncset.done $0x0  }
0x4e: {  	s1 =	sadd.s32 $0xFFFFFE80, s30;
	[sflag:s23] =	ssyncadd.s32 $0xFFFFC000  }
0x4f: {  	[tilespmem:s13], [sflag:$0x1] =	stream.indirect.gather [hbm4b:s2+s12], $0x80, s1, s12, $0xb8;
	[tilespmem:$0x11E00] =	vst v63  }
0x50: {  	_ =	swait.ge [sflag:s24], $0x4000  }
0x51: {  	[sflag:s24] =	ssyncset.done $0x0  }
0x52: {  	s1 =	sadd.s32 $0xFFFFFF00, s30;
	[sflag:s24] =	ssyncadd.s32 $0xFFFFC000  }
0x53: {  	[tilespmem:s14], [sflag:$0x2] =	stream.indirect.gather [hbm4b:s2+s12], $0x80, s1, s12, $0xb8;
	[tilespmem:$0x11E00] =	vst v63  }
0x54: {  	_ =	swait.ge [sflag:s25], $0x4000  }
0x55: {  	[sflag:s25] =	ssyncset.done $0x0  }
0x56: {  	s1 =	sadd.s32 $0xFFFFFF80, s30;
	[sflag:s25] =	ssyncadd.s32 $0xFFFFC000  }
0x57: {  	[tilespmem:s16], [sflag:$0x3] =	stream.indirect.gather [hbm4b:s2+s12], $0x80, s1, s12, $0xb8;
	[tilespmem:$0x11E00] =	vst v63  }
0x58: {  	_ =	swait.ge [sflag:s26], $0x4000  }
0x59: {  	[sflag:s26] =	ssyncset.done $0x0  }
0x5a: {  	[sflag:s26] =	ssyncadd.s32 $0xFFFFC000  }
0x5b: {  	[tilespmem:s18], [sflag:$0x4] =	stream.indirect.gather [hbm4b:s2+s12], $0x80, s30, s12, $0xb8;
	[tilespmem:$0x11E00] =	vst v63  }
0x5c: {  	_ =	swait.ge [sflag:s19], $0x4000  }
0x5d: {  	s1 =	sadd.s32 s31, s7;
	[sflag:s19] =	ssyncset.done $0x0  }
0x5e: {  	s31 =	sadd.s32 $0x2000, s1;
	[sflag:s19] =	ssyncadd.s32 $0xFFFFC000  }
0x5f: {  	[hbm4b:s31+s3] =	stream.linear.scatter [tilespmem:s13], [sflag:$0x5], $0x4000, $0x38;
	[tilespmem:$0x11E00] =	vst v63  }
0x60: {  	_ =	swait.ge [sflag:s20], $0x4000  }
0x61: {  	[sflag:s20] =	ssyncset.done $0x0  }
0x62: {  	s31 =	sadd.s32 $0x2800, s1;
	[sflag:s20] =	ssyncadd.s32 $0xFFFFC000  }
0x63: {  	[hbm4b:s31+s3] =	stream.linear.scatter [tilespmem:s14], [sflag:$0x6], $0x4000, $0x38;
	[tilespmem:$0x11E00] =	vst v63  }
0x64: {  	_ =	swait.ge [sflag:s21], $0x4000  }
0x65: {  	[sflag:s21] =	ssyncset.done $0x0  }
.Ltmp1:
0x66: {  	s31 =	sadd.s32 $0x3000, s1;
	[sflag:s21] =	ssyncadd.s32 $0xFFFFC000;
	(pc) =	sbr.rel @p0 .LBB2_2-.Ltmp1, $4  }
0x67: {  	[hbm4b:s31+s3] =	stream.linear.scatter [tilespmem:s16], [sflag:$0x7], $0x4000, $0x38;
	[tilespmem:$0x11E00] =	vst v63  }
0x68: {  	_ =	swait.ge [sflag:s22], $0x4000  }
0x69: {  	[sflag:s22] =	ssyncset.done $0x0  }
0x6a: {  	s30 =	sadd.s32 $0x200, s30;
	s31 =	sadd.s32 $0x3800, s1;
	[sflag:s22] =	ssyncadd.s32 $0xFFFFC000  }
.LBB2_3:
0x6b: {  	[hbm4b:s31+s3] =	stream.linear.scatter [tilespmem:s18], [sflag:$0x8], $0x4000, $0x38;
	[tilespmem:$0x11E00] =	vst v63  }
0x6c: {  	_ =	swait.ge [sflag:s23], $0x4000  }
0x6d: {  	[sflag:s23] =	ssyncset.done $0x0  }
0x6e: {  	[sflag:s23] =	ssyncadd.s32 $0xFFFFC000  }
0x6f: {  	_ =	swait.ge [sflag:s24], $0x4000  }
0x70: {  	[sflag:s24] =	ssyncset.done $0x0  }
0x71: {  	s28 =	sadd.s32 $0x1, s28;
	[sflag:s24] =	ssyncadd.s32 $0xFFFFC000  }
0x72: {  	p0 =	sne.s32 s28, s6;
	_ =	swait.ge [sflag:s25], $0x4000  }
.Ltmp2:
0x73: {  	[sflag:s25] =	ssyncset.done $0x0;
	(pc) =	sbr.rel @p0 .LBB2_1-.Ltmp2, $4  }
0x74: {  	[sflag:s25] =	ssyncadd.s32 $0xFFFFC000  }
0x75: {  	_ =	swait.ge [sflag:s26], $0x4000  }
0x76: {  	[sflag:s26] =	ssyncset.done $0x0  }
0x77: {  	[sflag:s26] =	ssyncadd.s32 $0xFFFFC000  }
0x78: {  	_ =	sfence.sel $0x180000  }
0x79: {  	[bflag:$0x0] =	sbarrier.arrive $0xFFFF  }
0x7a: {  	_ =	strace $0x90000047  }
0x7b: {  	[bflag:$0x2] =	sbarrier.arrive $0xFFFF  }
0x7c: {  	p0 =	sne.s32 s0, $0x0;
	s0 =	rddreg [dreg:$0x2]  }
0x7d: {  	s0 =	sadd.s32 @!p0 $0x100000, s0  }
0x7e: {  	[sflag:s0] =	ssyncadd.tile.s32 @!p0 $0x1;
	_ =	shalt  }
.Lfunc_end2:
_tile_overlayer_lowered:
.L_overlay_start_2:
0x7f: {  	(tag) =	ssettag $0x2  }
0x80: {  	s0 =	rddreg [dreg:$0x0];
	s2 =	stileid.u32  }
0x81: {  	s1 =	rddreg [dreg:$0x1];
	p0 =	sne.s32 s2, $0x0  }
0x82: {  	s3 =	rddreg [dreg:$0x2];
	[bflag:$0x3] =	sbarrier.arrive $0xFFFF;
	s2 =	simm.s32 @!p0 $0x1C09  }
0x83: {  	[timem:s3], [sflag:s2] =	dma.local @!p0 [hbm:s0], s1  }
0x84: {  	s0 =	simm.s32 @!p0 $0x9  }
0x85: {  	_ =	swait.ge @!p0 [sflag:s0], s1  }
0x86: {  	s1 =	ssub.s32 @!p0 $0x0, s1;
	[sflag:s0] =	ssyncset.done @!p0 $0x0  }
0x87: {  	[sflag:s0] =	ssyncadd.s32 @!p0 s1  }
0x88: {  	[bflag:$0x3] =	sbarrier.arrive $0xFFFF  }
0x89: {  	_ =	shalt  }

// kernel: kernel.13.cloned.1.call-start
scs
__scs_entry_jumppad:
0x0: {  	(pc) =	sbr.rel $0x88, $3  }
0x1: {  	(tag) =	ssettag $0x0;
	lr =	simm.s32 $0x1  }
0x2: {  	[smem:$0x3F8E] =	sst lr;
	_ =	strace $0xD0000000  }
0x3: {  	_ = 	snop  }
0x4: {  	_ = 	snop  }
0x5: {  	_ = 	snop  }
0x6: {  	_ = 	snop  }
0x7: {  	_ = 	snop  }
__scs_overlays_trampoline_lowered:
0x8: {  	[smem:$0x3F9D] =	sst s0  }
0x9: {  	[smem:$0x3F9E] =	sst s1  }
0xa: {  	[smem:$0x3F9F] =	sst s2  }
0xb: {  	[smem:$0x3FA0] =	sst s3  }
0xc: {  	[smem:$0x3FA1] =	sst s4  }
0xd: {  	[smem:$0x3FA2] =	sst s5  }
0xe: {  	[smem:$0x3FA3] =	sst s6  }
0xf: {  	[smem:$0x3FA4] =	sst s7  }
0x10: {  	[smem:$0x3FA5] =	sst s8  }
0x11: {  	[smem:$0x3FA6] =	sst s9;
	s0 =	simm.s32 @!p0 $0x0  }
0x12: {  	s1 =	sld [smem:$0x3F8C];
	s0 =	simm.s32 @p0 $0x1  }
0x13: {  	[smem:$0x3FA7] =	sst s0;
	s0 =	simm.s32 @!p1 $0x0  }
0x14: {  	s2 =	sld [smem:$0x3F8B];
	s0 =	simm.s32 @p1 $0x1  }
0x15: {  	[smem:$0x3FA8] =	sst s0;
	s0 =	simm.s32 @!p2 $0x0  }
0x16: {  	s3 =	sld [smem:$0x3FDB];
	s0 =	simm.s32 @p2 $0x1  }
0x17: {  	s4 =	simm.s32 $0x1BF5;
	[smem:$0x3FAA] =	sst s0  }
0x18: {  	s0 =	sld [smem:$0x3F8D];
	_ =	swait.ge [sflag:s4], $0x0  }
0x19: {  	s7 =	sld [smem:$0x3F8E]  }
0x1a: {  	s8 =	sadd.s32 $0xFFFFE003, lr  }
0x1b: {  	s9 =	sadd.s32 $0xFFFFFEF7, lr;
	s5 =	simm.s32 $0xFFFFFFFF;
	p2 =	slt.u32 s8, $0xFFFFF086  }
0x1c: {  	p1 =	slt.u32 s9, $0xF7A;
	s5 =	simm.s32 @!p2 $0x0  }
0x1d: {  	s5 =	simm.s32 @p1 $0x1;
	p0 =	seq.s32 s7, s2  }
0x1e: {  	s7 =	smul.u32 @!p0 $0xF7A, s2;
	p2 =	seq.s32 @!p0 s5, $0x0  }
0x1f: {  	s9 =	smul.u32 $0xF7A, s1;
	s8 =	simm.s32 @!p0 $0x1BF5;
	p2 =	por !p2, p0  }
0x20: {  	[sflag:s8] =	ssyncset.s32 @!p0 $0xFFFFF086;
	s6 =	sadd.s32 @!p0 s3, s7;
	s7 =	simm.s32 @!p0 $0x108  }
0x21: {  	s3 =	sadd.s32 s3, s9;
	s6 =	sadd.s32 @!p0 $0x88, s6;
	s7 =	simm.s32 @p2 $0x1082  }
0x22: {  	[simem:s7], [sflag:s8] =	dma.local @!p0 [hbm:s6], $0xF7A  }
0x23: {  	s9 =	sor.u32 $0xD0000000, s2;
	s6 =	simm.s32 $0x108;
	_ =	swait.ge @!p0 [sflag:s8], $0x0  }
0x24: {  	s3 =	sadd.s32 $0x88, s3;
	s6 =	simm.s32 @!p1 $0x1082;
	[sflag:s4] =	ssyncset.s32 $0xFFFFF086  }
0x25: {  	[simem:s6], [sflag:s4] =	dma.local [hbm:s3], $0xF7A  }
0x26: {  	[smem:$0x3F8E] =	sst s1;
	(tag) =	ssettag s2;
	_ =	strace s9  }
0x27: {  	s1 =	sld [smem:$0x3F9E]  }
0x28: {  	s2 =	sld [smem:$0x3F9F]  }
0x29: {  	s4 =	sld [smem:$0x3FA1]  }
0x2a: {  	p0 =	seq.s32 s5, $0x0;
	s5 =	sld [smem:$0x3FA2]  }
0x2b: {  	s6 =	sld [smem:$0x3FA3]  }
0x2c: {  	s7 =	sld [smem:$0x3FA4]  }
0x2d: {  	s3 =	simm.s32 $0x108;
	s8 =	sld [smem:$0x3FA5]  }
0x2e: {  	s3 =	simm.s32 @!p0 $0x1082;
	s9 =	sld [smem:$0x3FA6]  }
0x2f: {  	lr =	sadd.s32 s0, s3;
	s0 =	sld [smem:$0x3F9D]  }
0x30: {  	s3 =	sld [smem:$0x3FA0]  }
0x31: {  	[smem:$0x3FA9] =	sst s10  }
0x32: {  	s10 =	sld [smem:$0x3FA7];
	_ =	sdelay $0x3  }
0x33: {  	p0 =	seq.s32 s10, $0x1;
	s10 =	sld [smem:$0x3FA9];
	_ =	sdelay $0x3  }
0x34: {  	[smem:$0x3FA9] =	sst s10  }
0x35: {  	s10 =	sld [smem:$0x3FA8];
	_ =	sdelay $0x3  }
0x36: {  	p1 =	seq.s32 s10, $0x1;
	s10 =	sld [smem:$0x3FA9];
	_ =	sdelay $0x3  }
0x37: {  	[smem:$0x3FA9] =	sst s10  }
0x38: {  	s10 =	sld [smem:$0x3FAA]  }
0x39: {  	_ = 	snop;
	(pc) =	sbr.ind lr, $3  }
0x3a: {  	_ = 	snop  }
0x3b: {  	_ = 	snop  }
0x3c: {  	p2 =	seq.s32 s10, $0x1;
	s10 =	sld [smem:$0x3FA9]  }
0x3d: {  	_ =	shalt  }
0x3e: {  	_ =	shalt  }
0x3f: {  	_ =	shalt  }
0x40: {  	_ =	shalt  }
0x41: {  	_ =	shalt  }
0x42: {  	_ =	shalt  }
0x43: {  	_ =	shalt  }
0x44: {  	_ =	shalt  }
0x45: {  	_ =	shalt  }
0x46: {  	_ =	shalt  }
0x47: {  	_ =	shalt  }
0x48: {  	_ =	shalt  }
0x49: {  	_ =	shalt  }
0x4a: {  	_ =	shalt  }
0x4b: {  	_ =	shalt  }
0x4c: {  	_ =	shalt  }
0x4d: {  	_ =	shalt  }
0x4e: {  	_ =	shalt  }
0x4f: {  	_ =	shalt  }
0x50: {  	_ =	shalt  }
0x51: {  	_ =	shalt  }
0x52: {  	_ =	shalt  }
0x53: {  	_ =	shalt  }
0x54: {  	_ =	shalt  }
0x55: {  	_ =	shalt  }
0x56: {  	_ =	shalt  }
0x57: {  	_ =	shalt  }
0x58: {  	_ =	shalt  }
0x59: {  	_ =	shalt  }
0x5a: {  	_ =	shalt  }
0x5b: {  	_ =	shalt  }
0x5c: {  	_ =	shalt  }
0x5d: {  	_ =	shalt  }
0x5e: {  	_ =	shalt  }
0x5f: {  	_ =	shalt  }
0x60: {  	_ =	shalt  }
0x61: {  	_ =	shalt  }
0x62: {  	_ =	shalt  }
0x63: {  	_ =	shalt  }
0x64: {  	_ =	shalt  }
0x65: {  	_ =	shalt  }
0x66: {  	_ =	shalt  }
0x67: {  	_ =	shalt  }
0x68: {  	_ =	shalt  }
0x69: {  	_ =	shalt  }
0x6a: {  	_ =	shalt  }
0x6b: {  	_ =	shalt  }
0x6c: {  	_ =	shalt  }
0x6d: {  	_ =	shalt  }
0x6e: {  	_ =	shalt  }
0x6f: {  	_ =	shalt  }
0x70: {  	_ =	shalt  }
0x71: {  	_ =	shalt  }
0x72: {  	_ =	shalt  }
0x73: {  	_ =	shalt  }
0x74: {  	_ =	shalt  }
0x75: {  	_ =	shalt  }
0x76: {  	_ =	shalt  }
0x77: {  	_ =	shalt  }
0x78: {  	_ =	shalt  }
0x79: {  	_ =	shalt  }
0x7a: {  	_ =	shalt  }
0x7b: {  	_ =	shalt  }
0x7c: {  	_ =	shalt  }
0x7d: {  	_ =	shalt  }
0x7e: {  	_ =	shalt  }
0x7f: {  	_ =	shalt  }
0x80: {  	_ =	shalt  }
0x81: {  	_ =	shalt  }
0x82: {  	_ =	shalt  }
0x83: {  	_ =	shalt  }
0x84: {  	_ =	shalt  }
0x85: {  	_ =	shalt  }
0x86: {  	_ =	shalt  }
0x87: {  	_ =	shalt  }
.Lfunc_end0:
.L_simem_size_0:
called_computation.1_lowered:
.L_overlay_start_0:
0x88: {  	s2 =	sld [smem:$0x3FD9]  }
0x89: {  	s3 =	sld [smem:$0x3FFE];
	_ =	sdelay $0x1  }
0x8a: {  	s1 =	srdreg.scid  }
0x8b: {  	s0 =	sand.u32 $0x1, s1  }
0x8c: {  	s16 =	sshll.u32 s0, $0xA;
	s2 =	sadd.s32 s3, s2  }
0x8d: {  	s2 =	sadd.s32 s2, s16  }
0x8e: {  	[smem:$0x3FB5] =	sst s2  }
0x8f: {  	_ = 	snop  }
0x90: {  	(tm) =	ssettm $0x1  }
0x91: {  	s17 =	sld [smem:$0x3FFB];
	_ =	sdelay $0x3  }
0x92: {  	_ =	strace s17  }
0x93: {  	s2 =	sld [smem:$0x3FFC];
	_ =	sdelay $0x3  }
0x94: {  	_ =	strace s2  }
0x95: {  	s2 =	sld [smem:$0x3FFD];
	_ =	sdelay $0x3  }
0x96: {  	_ =	strace s2  }
0x97: {  	_ =	strace $0x8FFFFFFF  }
0x98: {  	s18 =	sld [smem:$0x3FDB];
	_ =	sdelay $0x1  }
0x99: {  	s19 =	simm.s32 $_scs_section_size  }
0x9a: {  	s4 =	simm.s32 $_size__tile_overlayer_lowered;
	s5 =	simm.s32 $_tile_overlayer_lowered  }
0x9b: {  	s22 =	simm.s32 $0x1BFF;
	s21 =	sshll.u32 s5, $0x1;
	s2 =	sadd.s32 s19, s18  }
0x9c: {  	s6 =	simm.s32 $0x0;
	s20 =	sshll.u32 s4, $0x1;
	s4 =	sadd.s32 s21, s2  }
0x9d: {  	[timem:s6], [sflag:s22] =	dma.local [hbm:s4], s20  }
0x9e: {  	_ =	swait.ge [sflag:s22], s20  }
0x9f: {  	s3 =	ssub.s32 $0x0, s20;
	[sflag:s22] =	ssyncset.done $0x0  }
0xa0: {  	[sflag:s22] =	ssyncadd.s32 s3;
	_ =	sdelay $0x1  }
0xa1: {  	s23 =	simm.s32 $0x1B8B  }
0xa2: {  	_ =	swait.ge [sflag:s23], $0x1  }
0xa3: {  	[sflag:s23] =	ssyncset.done $0x0  }
0xa4: {  	s25 =	simm.s32 $0x1B8E;
	s24 =	sld [smem:$0x3FFE];
	[sflag:s23] =	ssyncadd.s32 $0xFFFFFFFF  }
0xa5: {  	s26 =	simm.s32 $execute0_lowered;
	[smem:$0x3FD2] =	sst s25  }
0xa6: {  	s4 =	sshll.u32 s26, $0x1;
	_ =	strace $0x80000049;
	[dreg:$0x1] =	wrdreg $0xFFFFFFFF  }
0xa7: {  	s28 =	simm.s32 $_size_execute0_lowered;
	s2 =	sadd.s32 s2, s4;
	[dreg:$0x0] =	wrdreg $0x0  }
0xa8: {  	s4 =	sshll.u32 s28, $0x1;
	[dreg:$0x2] =	wrdreg s2  }
0xa9: {  	[dreg:$0x3] =	wrdreg s4  }
0xaa: {  	[dreg:$0x4] =	wrdreg $0xC0  }
0xab: {  	_ =	task [dreg:s6], $0x5FFFF  }
0xac: {  	[dreg:$0x1] =	wrdreg $0xFFFFFFFF  }
0xad: {  	[dreg:$0x0] =	wrdreg $0x60  }
0xae: {  	[dreg:$0x2] =	wrdreg s24  }
0xaf: {  	[dreg:$0x3] =	wrdreg $0x54000  }
0xb0: {  	[dreg:$0x4] =	wrdreg $0x9  }
0xb1: {  	_ =	task.clear_ibuf [dreg:s6], $0x5FFFF;
	_ =	strace $0x90000049  }
0xb2: {  	s29 =	simm.s32 $0x9;
	_ =	strace $0x8000004B  }
0xb3: {  	_ =	swait.ge [sflag:s29], $0x1  }
0xb4: {  	[sflag:s29] =	ssyncadd.s32 $0xFFFFFFFF  }
0xb5: {  	_ =	strace $0x9000004B  }
0xb6: {  	_ =	sfence  }
0xb7: {  	s30 =	sld [smem:$0x0];
	_ =	sdelay $0x2  }
0xb8: {  	s31 =	sshll.u32 s1, $0xD;
	s1 =	sshrl.u32 s1, $0x2  }
0xb9: {  	s3 =	sand.u32 $0x4000, s31;
	s1 =	sadd.s32 s1, s30  }
0xba: {  	s0 =	sor.u32 s3, s0;
	s1 =	sshll.u32 s1, $0x11  }
0xbb: {  	s0 =	sor.u32 s1, s0  }
0xbc: {  	s0 =	sadd.s32 $0x8F2B, s0  }
0xbd: {  	[sflag:s0] =	ssyncadd.remote.s32 $0x1  }
0xbe: {  	_ =	sfence.sel $0xFFFF  }
0xbf: {  	[dreg:$0x0] =	wrdreg $0xFFFFFFFF;
	(pc) =	sbr.abs _section_cstart, $3  }
0xc0: {  	[dreg:$0x1] =	wrdreg $0xFFFFFFFF  }
0xc1: {  	_ =	task.clear_ibuf [dreg:s6], $0x2FFFF;
	_ =	strace $0x9FFFFFFF  }
0xc2: {  	(tm) =	ssettm $0x7FFFFFFF  }
0xc3: {  	_ =	shalt  }
tec
execute0_lowered:
.L_overlay_start_1:
0x0: {  	(tag) =	ssettag $0x1  }
0x1: {  	s1 =	srdreg.scid;
	s4 =	rddreg [dreg:$0x0]  }
0x2: {  	s0 =	stileid.u32;
	s2 =	rddreg [dreg:$0x1]  }
0x3: {  	s3 =	simm.s32 $0x0;
	s18 =	simm.s32 $0x5;
	s19 =	simm.s32 $0x1400  }
0x4: {  	s21 =	simm.s32 $0x3400;
	s22 =	simm.s32 $0x4400;
	s23 =	simm.s32 $0x1  }
0x5: {  	s24 =	simm.s32 $0x80;
	s28 =	simm.s32 $0x0;
	s8 =	smul.u32 $0x5000, s0  }
0x6: {  	s5 =	sand.u32 $0x1, s1;
	s25 =	sshll.u32 s0, $0x1;
	s9 =	smul.u32 $0xA00, s0  }
0x7: {  	[smem:$0x7FF] =	sst s3;
	s13 =	sadd.s32 $0xA800, s4;
	s29 =	smul.u32 $0x2800, s0  }
0x8: {  	s30 =	sshll.u32 s0, $0x6;
	s6 =	sor.u32 s5, s25;
	s11 =	smul.u32 $0xA000, s5  }
0x9: {  	_ =	strace $0x8000004A;
	s12 =	ssub.s32 $0x2, s5;
	s31 =	smul.u32 $0x1400, s5  }
0xa: {  	s5 =	sor.u32 $0x1C05, s30;
	s25 =	simm.s32 $0x3;
	s7 =	smul.u32 $0x280, s6  }
0xb: {  	s10 =	sshrl.u32 s8, $0x3;
	s26 =	sshrl.u32 s12, $0x1;
	s6 =	smul.u32 $0x5000, s6  }
0xc: {  	s17 =	sadd.s32 s8, s2;
	s10 =	sadd.s32 s10, s4;
	s9 =	sadd.s32 s9, s11  }
0xd: {  	s12 =	ssub.s32 s12, s26;
	s11 =	sadd.s32 s31, s29;
	s17 =	sshrl.u32 s17, $0x3  }
0xe: {  	s26 =	simm.s32 $0x4;
	s7 =	sadd.s32 s7, s4;
	s14 =	sadd.s32 s9, s4  }
.Ltmp0:
0xf: {  	s4 =	sadd.s32 $0xAA800, s10;
	s6 =	sadd.s32 s13, s6;
	(pc) =	sbr.rel .LBB2_1-.Ltmp0, $4  }
0x10: {  	s15 =	sshll.u32 s11, $0x2;
	s12 =	smax.u32 s12, $0x1;
	s7 =	sadd.s32 $0x4FB800, s7  }
0x11: {  	s8 =	sadd.s32 $0x200, s6;
	s9 =	sadd.s32 $0x400, s6;
	s16 =	sadd.s32 s15, s13  }
0x12: {  	s10 =	sadd.s32 $0x600, s6;
	s11 =	sadd.s32 $0xB4800, s14;
	s13 =	sadd.s32 $0xE00, s16  }
0x13: {  	s14 =	sadd.s32 $0xC00, s16;
	s15 =	sadd.s32 $0xA00, s16;
	s16 =	sadd.s32 $0x800, s16  }
.LBB2_4:
0x14: {  	_ =	swait.ge [sflag:s26], $0x1000  }
0x15: {  	[sflag:s26] =	ssyncset.done $0x0  }
0x16: {  	[sflag:s26] =	ssyncadd.s32 $0xFFFFF000  }
0x17: {  	[spmem:s2] =	stream.indirect.scatter.add.f32 [tilespmem:s22], [sflag:$0x5], $0x20, s30, s24, $0xb8;
	[tilespmem:$0xA400] =	vst v63  }
0x18: {  	_ =	swait.ge [sflag:s18], $0x1000  }
0x19: {  	s28 =	sadd.s32 $0x1, s28;
	[sflag:s18] =	ssyncset.done $0x0  }
0x1a: {  	p0 =	sne.s32 s28, s12;
	[sflag:s18] =	ssyncadd.s32 $0xFFFFF000  }
.Ltmp1:
0x1b: {  	[bflag:$0x0] =	sbarrier.arrive $0xFFFF;
	(pc) =	sbr.rel @!p0 .LBB2_5-.Ltmp1, $4  }
0x1c: {  	[hbm:s11], [sflag:s5] =	dma.local [spmem:s17], $0xA00  }
0x1d: {  	_ =	swait.ge [sflag:s18], $0xA00  }
0x1e: {  	[sflag:s18] =	ssyncset.done $0x0  }
0x1f: {  	[sflag:s18] =	ssyncadd.s32 $0xFFFFF600  }
.LBB2_1:
0x20: {  	[spmem:s17], [sflag:s5] =	dma.local [hbm:s4], $0xA00  }
0x21: {  	_ =	swait.ge [sflag:s18], $0xA00  }
0x22: {  	[sflag:s18] =	ssyncset.done $0x0  }
0x23: {  	[sflag:s18] =	ssyncadd.s32 $0xFFFFF600  }
0x24: {  	[tilespmem:s3], [sflag:$0x5] =	stream.linear.gather [hbm4b:s7+s3], $0x1400, $0x38;
	[tilespmem:$0xA400] =	vst v63  }
0x25: {  	_ =	swait.ge [sflag:s18], $0x1400  }
0x26: {  	[sflag:s18] =	ssyncset.done $0x0  }
0x27: {  	[sflag:s18] =	ssyncadd.s32 $0xFFFFEC00  }
0x28: {  	[bflag:$0x0] =	sbarrier.arrive $0xFFFF  }
0x29: {  	[tilespmem:s19], [sflag:$0x1] =	stream.linear.gather [hbm4b:s6+s3], $0x1000, $0x38;
	[tilespmem:$0xA400] =	vst v63  }
0x2a: {  	s0 =	simm.s32 $0x2400  }
0x2b: {  	[tilespmem:s0], [sflag:$0x2] =	stream.linear.gather [hbm4b:s8+s3], $0x1000, $0x38;
	[tilespmem:$0xA400] =	vst v63  }
0x2c: {  	_ = 	snop  }
0x2d: {  	[tilespmem:s21], [sflag:$0x3] =	stream.linear.gather [hbm4b:s9+s3], $0x1000, $0x38;
	[tilespmem:$0xA400] =	vst v63  }
0x2e: {  	s29 =	simm.s32 $0x0  }
0x2f: {  	[tilespmem:s22], [sflag:$0x4] =	stream.linear.gather [hbm4b:s10+s3], $0x1000, $0x38;
	[tilespmem:$0xA400] =	vst v63  }
.LBB2_2:
0x30: {  	_ =	swait.ge [sflag:s23], $0x1000  }
0x31: {  	[sflag:s23] =	ssyncset.done $0x0  }
0x32: {  	s30 =	sshra.s32 s29, $0x2;
	[sflag:s23] =	ssyncadd.s32 $0xFFFFF000  }
0x33: {  	[spmem:s2] =	stream.indirect.scatter.add.f32 [tilespmem:s19], [sflag:$0x5], $0x20, s30, s24, $0xb8;
	[tilespmem:$0xA400] =	vst v63  }
0x34: {  	_ =	swait.ge [sflag:s18], $0x1000  }
0x35: {  	p0 =	seq.s32 s29, $0x4800;
	[sflag:s18] =	ssyncset.done $0x0  }
0x36: {  	s31 =	simm.s32 @p0 $0x2;
	[sflag:s18] =	ssyncadd.s32 $0xFFFFF000  }
0x37: {  	_ =	swait.ge @p0 [sflag:s31], $0x1000  }
0x38: {  	[sflag:s31] =	ssyncset.done @p0 $0x0  }
0x39: {  	[sflag:s31] =	ssyncadd.s32 @p0 $0xFFFFF000;
	s31 =	sshra.s32 @p0 s29, $0x2  }
0x3a: {  	s1 =	simm.s32 @p0 $0x80;
	s0 =	simm.s32 @p0 $0x2400;
	s31 =	sadd.s32 @p0 $0x80, s31  }
0x3b: {  	[spmem:s2] =	stream.indirect.scatter.add.f32 @p0 [tilespmem:s0], [sflag:$0x5], $0x20, s31, s1, $0xb8;
	[tilespmem:$0xA400] =	vst v63  }
0x3c: {  	s0 =	simm.s32 @p0 $0x5  }
0x3d: {  	_ =	swait.ge @p0 [sflag:s0], $0x1000  }
0x3e: {  	s1 =	simm.s32 @!p0 $0x0;
	[sflag:s0] =	ssyncset.done @p0 $0x0  }
0x3f: {  	s31 =	simm.s32 @!p0 $0x1400;
	[sflag:s0] =	ssyncadd.s32 @p0 $0xFFFFF000;
	s0 =	sadd.s32 @!p0 s29, s16  }
0x40: {  	[tilespmem:s31], [sflag:$0x1] =	stream.linear.gather @!p0 [hbm4b:s0+s1], $0x1000, $0x38;
	[tilespmem:$0xA400] =	vst v63  }
0x41: {  	s0 =	simm.s32 @!p0 $0x2  }
0x42: {  	_ =	swait.ge @!p0 [sflag:s0], $0x1000  }
0x43: {  	[sflag:s0] =	ssyncset.done @!p0 $0x0  }
0x44: {  	[sflag:s0] =	ssyncadd.s32 @!p0 $0xFFFFF000;
	s0 =	sshra.s32 @!p0 s29, $0x2  }
0x45: {  	s20 =	simm.s32 @!p0 $0x2400;
	s31 =	simm.s32 @!p0 $0x80;
	s0 =	sadd.s32 @!p0 $0x80, s0  }
0x46: {  	[spmem:s2] =	stream.indirect.scatter.add.f32 @!p0 [tilespmem:s20], [sflag:$0x5], $0x20, s0, s31, $0xb8;
	[tilespmem:$0xA400] =	vst v63  }
0x47: {  	s0 =	simm.s32 @!p0 $0x5  }
0x48: {  	_ =	swait.ge @!p0 [sflag:s0], $0x1000  }
0x49: {  	[sflag:s0] =	ssyncset.done @!p0 $0x0  }
0x4a: {  	[sflag:s0] =	ssyncadd.s32 @!p0 $0xFFFFF000;
	s0 =	sadd.s32 @!p0 s29, s15  }
0x4b: {  	[tilespmem:s20], [sflag:$0x2] =	stream.linear.gather @!p0 [hbm4b:s0+s1], $0x1000, $0x38;
	[tilespmem:$0xA400] =	vst v63  }
0x4c: {  	_ =	swait.ge [sflag:s25], $0x1000  }
0x4d: {  	[sflag:s25] =	ssyncset.done $0x0  }
.Ltmp2:
0x4e: {  	s31 =	sadd.s32 $0x100, s30;
	[sflag:s25] =	ssyncadd.s32 $0xFFFFF000;
	(pc) =	sbr.rel @p0 .LBB2_4-.Ltmp2, $4  }
0x4f: {  	[spmem:s2] =	stream.indirect.scatter.add.f32 [tilespmem:s21], [sflag:$0x5], $0x20, s31, s24, $0xb8;
	[tilespmem:$0xA400] =	vst v63  }
0x50: {  	_ =	swait.ge [sflag:s18], $0x1000  }
0x51: {  	[sflag:s18] =	ssyncset.done $0x0  }
0x52: {  	s30 =	sadd.s32 $0x180, s30;
	[sflag:s18] =	ssyncadd.s32 $0xFFFFF000  }
0x53: {  	s0 =	sadd.s32 s29, s14  }
0x54: {  	[tilespmem:s21], [sflag:$0x3] =	stream.linear.gather [hbm4b:s0+s3], $0x1000, $0x38;
	[tilespmem:$0xA400] =	vst v63  }
0x55: {  	_ =	swait.ge [sflag:s26], $0x1000  }
0x56: {  	[sflag:s26] =	ssyncset.done $0x0  }
0x57: {  	[sflag:s26] =	ssyncadd.s32 $0xFFFFF000  }
0x58: {  	[spmem:s2] =	stream.indirect.scatter.add.f32 [tilespmem:s22], [sflag:$0x5], $0x20, s30, s24, $0xb8;
	[tilespmem:$0xA400] =	vst v63  }
.Ltmp3:
0x59: {  	_ = 	snop;
	(pc) =	sbr.rel .LBB2_2-.Ltmp3, $4  }
0x5a: {  	_ =	swait.ge [sflag:s18], $0x1000  }
0x5b: {  	[sflag:s18] =	ssyncset.done $0x0  }
0x5c: {  	s31 =	sadd.s32 s29, s13;
	s29 =	sadd.s32 $0x800, s29;
	[sflag:s18] =	ssyncadd.s32 $0xFFFFF000  }
0x5d: {  	[tilespmem:s22], [sflag:$0x4] =	stream.linear.gather [hbm4b:s31+s3], $0x1000, $0x38;
	[tilespmem:$0xA400] =	vst v63  }
.LBB2_5:
0x5e: {  	_ =	sfence.sel $0x180000  }
0x5f: {  	[bflag:$0x0] =	sbarrier.arrive $0xFFFF  }
0x60: {  	_ =	strace $0x9000004A  }
0x61: {  	s0 =	stileid.u32;
	[bflag:$0x2] =	sbarrier.arrive $0xFFFF  }
0x62: {  	p0 =	sne.s32 s0, $0x0;
	s0 =	rddreg [dreg:$0x2]  }
0x63: {  	s0 =	sadd.s32 @!p0 $0x100000, s0  }
0x64: {  	[sflag:s0] =	ssyncadd.tile.s32 @!p0 $0x1;
	_ =	shalt  }
.Lfunc_end2:
_tile_overlayer_lowered:
.L_overlay_start_2:
0x65: {  	(tag) =	ssettag $0x2  }
0x66: {  	s0 =	rddreg [dreg:$0x0];
	s2 =	stileid.u32  }
0x67: {  	s1 =	rddreg [dreg:$0x1];
	p0 =	sne.s32 s2, $0x0  }
0x68: {  	s3 =	rddreg [dreg:$0x2];
	[bflag:$0x3] =	sbarrier.arrive $0xFFFF;
	s2 =	simm.s32 @!p0 $0x1C05  }
0x69: {  	[timem:s3], [sflag:s2] =	dma.local @!p0 [hbm:s0], s1  }
0x6a: {  	s0 =	simm.s32 @!p0 $0x5  }
0x6b: {  	_ =	swait.ge @!p0 [sflag:s0], s1  }
0x6c: {  	s1 =	ssub.s32 @!p0 $0x0, s1;
	[sflag:s0] =	ssyncset.done @!p0 $0x0  }
0x6d: {  	[sflag:s0] =	ssyncadd.s32 @!p0 s1  }
0x6e: {  	[bflag:$0x3] =	sbarrier.arrive $0xFFFF  }
0x6f: {  	_ =	shalt  }

// kernel: kernel.16.cloned.1.call-start
scs
__scs_entry_jumppad:
0x0: {  	(pc) =	sbr.rel $0x88, $3  }
0x1: {  	(tag) =	ssettag $0x0;
	lr =	simm.s32 $0x1  }
0x2: {  	[smem:$0x3F8E] =	sst lr;
	_ =	strace $0xD0000000  }
0x3: {  	_ = 	snop  }
0x4: {  	_ = 	snop  }
0x5: {  	_ = 	snop  }
0x6: {  	_ = 	snop  }
0x7: {  	_ = 	snop  }
__scs_overlays_trampoline_lowered:
0x8: {  	[smem:$0x3F9D] =	sst s0  }
0x9: {  	[smem:$0x3F9E] =	sst s1  }
0xa: {  	[smem:$0x3F9F] =	sst s2  }
0xb: {  	[smem:$0x3FA0] =	sst s3  }
0xc: {  	[smem:$0x3FA1] =	sst s4  }
0xd: {  	[smem:$0x3FA2] =	sst s5  }
0xe: {  	[smem:$0x3FA3] =	sst s6  }
0xf: {  	[smem:$0x3FA4] =	sst s7  }
0x10: {  	[smem:$0x3FA5] =	sst s8  }
0x11: {  	[smem:$0x3FA6] =	sst s9;
	s0 =	simm.s32 @!p0 $0x0  }
0x12: {  	s1 =	sld [smem:$0x3F8C];
	s0 =	simm.s32 @p0 $0x1  }
0x13: {  	[smem:$0x3FA7] =	sst s0;
	s0 =	simm.s32 @!p1 $0x0  }
0x14: {  	s2 =	sld [smem:$0x3F8B];
	s0 =	simm.s32 @p1 $0x1  }
0x15: {  	[smem:$0x3FA8] =	sst s0;
	s0 =	simm.s32 @!p2 $0x0  }
0x16: {  	s3 =	sld [smem:$0x3FDB];
	s0 =	simm.s32 @p2 $0x1  }
0x17: {  	s4 =	simm.s32 $0x1BF5;
	[smem:$0x3FAA] =	sst s0  }
0x18: {  	s0 =	sld [smem:$0x3F8D];
	_ =	swait.ge [sflag:s4], $0x0  }
0x19: {  	s7 =	sld [smem:$0x3F8E]  }
0x1a: {  	s8 =	sadd.s32 $0xFFFFE003, lr  }
0x1b: {  	s9 =	sadd.s32 $0xFFFFFEF7, lr;
	s5 =	simm.s32 $0xFFFFFFFF;
	p2 =	slt.u32 s8, $0xFFFFF086  }
0x1c: {  	p1 =	slt.u32 s9, $0xF7A;
	s5 =	simm.s32 @!p2 $0x0  }
0x1d: {  	s5 =	simm.s32 @p1 $0x1;
	p0 =	seq.s32 s7, s2  }
0x1e: {  	s7 =	smul.u32 @!p0 $0xF7A, s2;
	p2 =	seq.s32 @!p0 s5, $0x0  }
0x1f: {  	s9 =	smul.u32 $0xF7A, s1;
	s8 =	simm.s32 @!p0 $0x1BF5;
	p2 =	por !p2, p0  }
0x20: {  	[sflag:s8] =	ssyncset.s32 @!p0 $0xFFFFF086;
	s6 =	sadd.s32 @!p0 s3, s7;
	s7 =	simm.s32 @!p0 $0x108  }
0x21: {  	s3 =	sadd.s32 s3, s9;
	s6 =	sadd.s32 @!p0 $0x88, s6;
	s7 =	simm.s32 @p2 $0x1082  }
0x22: {  	[simem:s7], [sflag:s8] =	dma.local @!p0 [hbm:s6], $0xF7A  }
0x23: {  	s9 =	sor.u32 $0xD0000000, s2;
	s6 =	simm.s32 $0x108;
	_ =	swait.ge @!p0 [sflag:s8], $0x0  }
0x24: {  	s3 =	sadd.s32 $0x88, s3;
	s6 =	simm.s32 @!p1 $0x1082;
	[sflag:s4] =	ssyncset.s32 $0xFFFFF086  }
0x25: {  	[simem:s6], [sflag:s4] =	dma.local [hbm:s3], $0xF7A  }
0x26: {  	[smem:$0x3F8E] =	sst s1;
	(tag) =	ssettag s2;
	_ =	strace s9  }
0x27: {  	s1 =	sld [smem:$0x3F9E]  }
0x28: {  	s2 =	sld [smem:$0x3F9F]  }
0x29: {  	s4 =	sld [smem:$0x3FA1]  }
0x2a: {  	p0 =	seq.s32 s5, $0x0;
	s5 =	sld [smem:$0x3FA2]  }
0x2b: {  	s6 =	sld [smem:$0x3FA3]  }
0x2c: {  	s7 =	sld [smem:$0x3FA4]  }
0x2d: {  	s3 =	simm.s32 $0x108;
	s8 =	sld [smem:$0x3FA5]  }
0x2e: {  	s3 =	simm.s32 @!p0 $0x1082;
	s9 =	sld [smem:$0x3FA6]  }
0x2f: {  	lr =	sadd.s32 s0, s3;
	s0 =	sld [smem:$0x3F9D]  }
0x30: {  	s3 =	sld [smem:$0x3FA0]  }
0x31: {  	[smem:$0x3FA9] =	sst s10  }
0x32: {  	s10 =	sld [smem:$0x3FA7];
	_ =	sdelay $0x3  }
0x33: {  	p0 =	seq.s32 s10, $0x1;
	s10 =	sld [smem:$0x3FA9];
	_ =	sdelay $0x3  }
0x34: {  	[smem:$0x3FA9] =	sst s10  }
0x35: {  	s10 =	sld [smem:$0x3FA8];
	_ =	sdelay $0x3  }
0x36: {  	p1 =	seq.s32 s10, $0x1;
	s10 =	sld [smem:$0x3FA9];
	_ =	sdelay $0x3  }
0x37: {  	[smem:$0x3FA9] =	sst s10  }
0x38: {  	s10 =	sld [smem:$0x3FAA]  }
0x39: {  	_ = 	snop;
	(pc) =	sbr.ind lr, $3  }
0x3a: {  	_ = 	snop  }
0x3b: {  	_ = 	snop  }
0x3c: {  	p2 =	seq.s32 s10, $0x1;
	s10 =	sld [smem:$0x3FA9]  }
0x3d: {  	_ =	shalt  }
0x3e: {  	_ =	shalt  }
0x3f: {  	_ =	shalt  }
0x40: {  	_ =	shalt  }
0x41: {  	_ =	shalt  }
0x42: {  	_ =	shalt  }
0x43: {  	_ =	shalt  }
0x44: {  	_ =	shalt  }
0x45: {  	_ =	shalt  }
0x46: {  	_ =	shalt  }
0x47: {  	_ =	shalt  }
0x48: {  	_ =	shalt  }
0x49: {  	_ =	shalt  }
0x4a: {  	_ =	shalt  }
0x4b: {  	_ =	shalt  }
0x4c: {  	_ =	shalt  }
0x4d: {  	_ =	shalt  }
0x4e: {  	_ =	shalt  }
0x4f: {  	_ =	shalt  }
0x50: {  	_ =	shalt  }
0x51: {  	_ =	shalt  }
0x52: {  	_ =	shalt  }
0x53: {  	_ =	shalt  }
0x54: {  	_ =	shalt  }
0x55: {  	_ =	shalt  }
0x56: {  	_ =	shalt  }
0x57: {  	_ =	shalt  }
0x58: {  	_ =	shalt  }
0x59: {  	_ =	shalt  }
0x5a: {  	_ =	shalt  }
0x5b: {  	_ =	shalt  }
0x5c: {  	_ =	shalt  }
0x5d: {  	_ =	shalt  }
0x5e: {  	_ =	shalt  }
0x5f: {  	_ =	shalt  }
0x60: {  	_ =	shalt  }
0x61: {  	_ =	shalt  }
0x62: {  	_ =	shalt  }
0x63: {  	_ =	shalt  }
0x64: {  	_ =	shalt  }
0x65: {  	_ =	shalt  }
0x66: {  	_ =	shalt  }
0x67: {  	_ =	shalt  }
0x68: {  	_ =	shalt  }
0x69: {  	_ =	shalt  }
0x6a: {  	_ =	shalt  }
0x6b: {  	_ =	shalt  }
0x6c: {  	_ =	shalt  }
0x6d: {  	_ =	shalt  }
0x6e: {  	_ =	shalt  }
0x6f: {  	_ =	shalt  }
0x70: {  	_ =	shalt  }
0x71: {  	_ =	shalt  }
0x72: {  	_ =	shalt  }
0x73: {  	_ =	shalt  }
0x74: {  	_ =	shalt  }
0x75: {  	_ =	shalt  }
0x76: {  	_ =	shalt  }
0x77: {  	_ =	shalt  }
0x78: {  	_ =	shalt  }
0x79: {  	_ =	shalt  }
0x7a: {  	_ =	shalt  }
0x7b: {  	_ =	shalt  }
0x7c: {  	_ =	shalt  }
0x7d: {  	_ =	shalt  }
0x7e: {  	_ =	shalt  }
0x7f: {  	_ =	shalt  }
0x80: {  	_ =	shalt  }
0x81: {  	_ =	shalt  }
0x82: {  	_ =	shalt  }
0x83: {  	_ =	shalt  }
0x84: {  	_ =	shalt  }
0x85: {  	_ =	shalt  }
0x86: {  	_ =	shalt  }
0x87: {  	_ =	shalt  }
.Lfunc_end0:
.L_simem_size_0:
called_computation.2_lowered:
.L_overlay_start_0:
0x88: {  	s2 =	sld [smem:$0x3FD9]  }
0x89: {  	s3 =	sld [smem:$0x3FFE];
	_ =	sdelay $0x1  }
0x8a: {  	s1 =	srdreg.scid  }
0x8b: {  	s0 =	sand.u32 $0x1, s1  }
0x8c: {  	s16 =	sshll.u32 s0, $0xA;
	s2 =	sadd.s32 s3, s2  }
0x8d: {  	s2 =	sadd.s32 s2, s16  }
0x8e: {  	[smem:$0x3FB5] =	sst s2  }
0x8f: {  	_ = 	snop  }
0x90: {  	(tm) =	ssettm $0x1  }
0x91: {  	s17 =	sld [smem:$0x3FFB];
	_ =	sdelay $0x3  }
0x92: {  	_ =	strace s17  }
0x93: {  	s2 =	sld [smem:$0x3FFC];
	_ =	sdelay $0x3  }
0x94: {  	_ =	strace s2  }
0x95: {  	s2 =	sld [smem:$0x3FFD];
	_ =	sdelay $0x3  }
0x96: {  	_ =	strace s2  }
0x97: {  	_ =	strace $0x8FFFFFFF  }
0x98: {  	s18 =	sld [smem:$0x3FDB];
	_ =	sdelay $0x1  }
0x99: {  	s19 =	simm.s32 $_scs_section_size  }
0x9a: {  	s4 =	simm.s32 $_size__tile_overlayer_lowered;
	s5 =	simm.s32 $_tile_overlayer_lowered  }
0x9b: {  	s22 =	simm.s32 $0x1BFF;
	s21 =	sshll.u32 s5, $0x1;
	s2 =	sadd.s32 s19, s18  }
0x9c: {  	s6 =	simm.s32 $0x0;
	s20 =	sshll.u32 s4, $0x1;
	s4 =	sadd.s32 s21, s2  }
0x9d: {  	[timem:s6], [sflag:s22] =	dma.local [hbm:s4], s20  }
0x9e: {  	_ =	swait.ge [sflag:s22], s20  }
0x9f: {  	s3 =	ssub.s32 $0x0, s20;
	[sflag:s22] =	ssyncset.done $0x0  }
0xa0: {  	[sflag:s22] =	ssyncadd.s32 s3;
	_ =	sdelay $0x1  }
0xa1: {  	s23 =	simm.s32 $0x1B8B  }
0xa2: {  	_ =	swait.ge [sflag:s23], $0x1  }
0xa3: {  	[sflag:s23] =	ssyncset.done $0x0  }
0xa4: {  	s25 =	simm.s32 $0x1B8E;
	s24 =	sld [smem:$0x3FFE];
	[sflag:s23] =	ssyncadd.s32 $0xFFFFFFFF  }
0xa5: {  	s26 =	simm.s32 $execute0_lowered;
	[smem:$0x3FD2] =	sst s25  }
0xa6: {  	s4 =	sshll.u32 s26, $0x1;
	_ =	strace $0x8000004C;
	[dreg:$0x1] =	wrdreg $0xFFFFFFFF  }
0xa7: {  	s28 =	simm.s32 $_size_execute0_lowered;
	s2 =	sadd.s32 s2, s4;
	[dreg:$0x0] =	wrdreg $0x0  }
0xa8: {  	s4 =	sshll.u32 s28, $0x1;
	[dreg:$0x2] =	wrdreg s2  }
0xa9: {  	[dreg:$0x3] =	wrdreg s4  }
0xaa: {  	[dreg:$0x4] =	wrdreg $0xC0  }
0xab: {  	_ =	task [dreg:s6], $0x5FFFF  }
0xac: {  	[dreg:$0x1] =	wrdreg $0xFFFFFFFF  }
0xad: {  	[dreg:$0x0] =	wrdreg $0x60  }
0xae: {  	[dreg:$0x2] =	wrdreg s24  }
0xaf: {  	[dreg:$0x3] =	wrdreg $0x9  }
0xb0: {  	_ =	task.clear_ibuf [dreg:s6], $0x4FFFF;
	_ =	strace $0x9000004C  }
0xb1: {  	s29 =	simm.s32 $0x9;
	_ =	strace $0x8000004E  }
0xb2: {  	_ =	swait.ge [sflag:s29], $0x1  }
0xb3: {  	[sflag:s29] =	ssyncadd.s32 $0xFFFFFFFF  }
0xb4: {  	_ =	strace $0x9000004E  }
0xb5: {  	_ =	sfence  }
0xb6: {  	s30 =	sld [smem:$0x0];
	_ =	sdelay $0x2  }
0xb7: {  	s31 =	sshll.u32 s1, $0xD;
	s1 =	sshrl.u32 s1, $0x2  }
0xb8: {  	s3 =	sand.u32 $0x4000, s31;
	s1 =	sadd.s32 s1, s30  }
0xb9: {  	s0 =	sor.u32 s3, s0;
	s1 =	sshll.u32 s1, $0x11  }
0xba: {  	s0 =	sor.u32 s1, s0  }
0xbb: {  	s0 =	sadd.s32 $0x8F2B, s0  }
0xbc: {  	[sflag:s0] =	ssyncadd.remote.s32 $0x1  }
0xbd: {  	_ =	sfence.sel $0xFFFF  }
0xbe: {  	[dreg:$0x0] =	wrdreg $0xFFFFFFFF;
	(pc) =	sbr.abs _section_cstart, $3  }
0xbf: {  	[dreg:$0x1] =	wrdreg $0xFFFFFFFF  }
0xc0: {  	_ =	task.clear_ibuf [dreg:s6], $0x2FFFF;
	_ =	strace $0x9FFFFFFF  }
0xc1: {  	(tm) =	ssettm $0x7FFFFFFF  }
tec
execute0_lowered:
.L_overlay_start_1:
0x0: {  	(tag) =	ssettag $0x1  }
0x1: {  	s4 =	rddreg [dreg:$0x0];
	s0 =	stileid.u32  }
0x2: {  	s2 =	srdreg.scid;
	s1 =	rddreg [dreg:$0x1];
	s9 =	simm.s32 $0x1E00  }
0x3: {  	s31 =	simm.s32 $0x80;
	s12 =	simm.s32 $0x2E00;
	s11 =	simm.s32 $0x1  }
0x4: {  	s14 =	simm.s32 $0x3E00;
	s13 =	simm.s32 $0x3;
	s15 =	simm.s32 $0x5  }
0x5: {  	s16 =	simm.s32 $0x6;
	s17 =	simm.s32 $0x7;
	s18 =	simm.s32 $0x8  }
0x6: {  	s19 =	simm.s32 $0x0;
	s3 =	smul.u32 $0x14, s0;
	s5 =	sand.u32 $0x1, s2  }
0x7: {  	s6 =	smul.u32 $0x3C, s0;
	s2 =	simm.s32 $0x0;
	p0 =	seq.s32 s5, $0x0  }
0x8: {  	[smem:$0x7FF] =	sst s2;
	s5 =	ssub.s32 $0x2, s5;
	s7 =	sadd.s32 $0x3C0, s3  }
0x9: {  	_ =	strace $0x8000004D;
	s3 =	sadd.s32 $0x31A00, s4;
	[dreg:$0x2] =	wrdreg s31  }
0xa: {  	s30 =	sshrl.u32 s5, $0x1;
	s9 =	simm.s32 @!p0 $0xA00;
	[dreg:$0x3] =	wrdreg s12  }
0xb: {  	s12 =	simm.s32 $0x2;
	[dreg:$0x4] =	wrdreg s14;
	s14 =	simm.s32 $0x4  }
0xc: {  	s7 =	smov.u32 @p0 s6;
	s10 =	ssub.s32 s5, s30;
	s5 =	simm.s32 $0x1E00  }
0xd: {  	[dreg:$0x5] =	wrdreg s9;
	s9 =	simm.s32 $0x9;
	s6 =	sshll.u32 s7, $0x4  }
0xe: {  	s8 =	sadd.s32 s6, s4;
	s4 =	sadd.s32 $0x3B800, s4;
	s6 =	sshll.u32 s7, $0x7  }
0xf: {  	s7 =	sadd.s32 $0x5400, s8;
	s8 =	smax.u32 s10, $0x1;
	s10 =	simm.s32 $0x4E00  }
.LBB2_1:
0x10: {  	[tilespmem:s2], [sflag:$0x9] =	stream.linear.gather [hbm4b:s7+s2], $0x1E00, $0x38;
	[tilespmem:$0x5E00] =	vst v63  }
0x11: {  	_ =	swait.ge [sflag:s9], $0x1E00  }
0x12: {  	[sflag:s9] =	ssyncset.done $0x0  }
0x13: {  	s20 =	simm.s32 $0x100;
	s21 =	simm.s32 $0x0;
	[sflag:s9] =	ssyncadd.s32 $0xFFFFE200  }
.LBB2_2:
0x14: {  	p0 =	sne.s32 s21, $0x0  }
0x15: {  	s22 =	simm.s32 @p0 $0x5  }
0x16: {  	_ =	swait.ge @p0 [sflag:s22], $0x1000  }
0x17: {  	s23 =	simm.s32 @p0 $0x80;
	[sflag:s22] =	ssyncset.done @p0 $0x0  }
0x18: {  	s24 =	simm.s32 @p0 $0x1E00;
	[sflag:s22] =	ssyncadd.s32 @p0 $0xFFFFF000;
	s22 =	sadd.s32 @p0 $0xFFFFFF00, s20  }
0x19: {  	[tilespmem:s24], [sflag:$0x1] =	stream.indirect.gather @p0 [hbm4b:s3+s23], $0x20, s22, s23, $0xb8;
	[tilespmem:$0x5E00] =	vst v63  }
0x1a: {  	s22 =	simm.s32 @p0 $0x6  }
0x1b: {  	_ =	swait.ge @p0 [sflag:s22], $0x1000  }
0x1c: {  	[sflag:s22] =	ssyncset.done @p0 $0x0  }
0x1d: {  	s24 =	simm.s32 @p0 $0x2E00;
	[sflag:s22] =	ssyncadd.s32 @p0 $0xFFFFF000;
	s22 =	sadd.s32 @p0 $0xFFFFFF80, s20  }
0x1e: {  	[tilespmem:s24], [sflag:$0x2] =	stream.indirect.gather @p0 [hbm4b:s3+s23], $0x20, s22, s23, $0xb8;
	[tilespmem:$0x5E00] =	vst v63  }
0x1f: {  	s22 =	simm.s32 @p0 $0x7  }
0x20: {  	_ =	swait.ge @p0 [sflag:s22], $0x1000  }
0x21: {  	[sflag:s22] =	ssyncset.done @p0 $0x0  }
0x22: {  	[sflag:s22] =	ssyncadd.s32 @p0 $0xFFFFF000;
	s22 =	simm.s32 @p0 $0x3E00  }
0x23: {  	[tilespmem:s22], [sflag:$0x3] =	stream.indirect.gather @p0 [hbm4b:s3+s23], $0x20, s20, s23, $0xb8;
	[tilespmem:$0x5E00] =	vst v63  }
0x24: {  	s22 =	simm.s32 @p0 $0x8  }
0x25: {  	_ =	swait.ge @p0 [sflag:s22], $0x1000  }
0x26: {  	s24 =	simm.s32 @!p0 $0x1E00;
	[sflag:s22] =	ssyncset.done @p0 $0x0  }
0x27: {  	s23 =	simm.s32 @!p0 $0x0;
	[sflag:s22] =	ssyncadd.s32 @p0 $0xFFFFF000;
	s22 =	simm.s32 @!p0 $0x80  }
0x28: {  	[tilespmem:s24], [sflag:$0x1] =	stream.indirect.gather @!p0 [hbm4b:s3+s22], $0x20, s23, s22, $0xb8;
	[tilespmem:$0x5E00] =	vst v63  }
0x29: {  	s24 =	simm.s32 @!p0 $0x2E00  }
0x2a: {  	[tilespmem:s24], [sflag:$0x2] =	stream.indirect.gather @!p0 [hbm4b:s3+s22], $0x20, s22, s22, $0xb8;
	[tilespmem:$0x5E00] =	vst v63  }
0x2b: {  	s25 =	simm.s32 @!p0 $0x3E00;
	s24 =	simm.s32 @!p0 $0x100  }
0x2c: {  	[tilespmem:s25], [sflag:$0x3] =	stream.indirect.gather @!p0 [hbm4b:s3+s22], $0x20, s24, s22, $0xb8;
	[tilespmem:$0x5E00] =	vst v63  }
0x2d: {  	s23 =	sadd.s32 @p0 $0x180, s21;
	s22 =	smov.u32 s21  }
0x2e: {  	s26 =	rddreg [dreg:$0x2];
	s23 =	simm.s32 @!p0 $0x180;
	s22 =	simm.s32 @!p0 $0x0  }
0x2f: {  	[tilespmem:s10], [sflag:$0x4] =	stream.indirect.gather [hbm4b:s3+s26], $0x20, s23, s26, $0xb8;
	[tilespmem:$0x5E00] =	vst v63  }
0x30: {  	s22 =	sadd.s32 s6, s22  }
0x31: {  	s24 =	sadd.s32 @p0 $0x80, s21;
	_ =	swait.ge [sflag:s11], $0x1000;
	s22 =	sshll.u32 s22, $0x2  }
0x32: {  	s24 =	simm.s32 @!p0 $0x80;
	[sflag:s11] =	ssyncset.done $0x0;
	s22 =	sand.u32 $0x1FFFFE00, s22  }
0x33: {  	s25 =	sadd.s32 s6, s24;
	[sflag:s11] =	ssyncadd.s32 $0xFFFFF000;
	s22 =	sadd.s32 s4, s22  }
0x34: {  	[hbm4b:s22+s2] =	stream.linear.scatter [tilespmem:s5], [sflag:$0x5], $0x1000, $0x38;
	[tilespmem:$0x5E00] =	vst v63  }
0x35: {  	s22 =	sshll.u32 s25, $0x2  }
0x36: {  	s25 =	sadd.s32 @p0 $0x100, s21;
	_ =	swait.ge [sflag:s12], $0x1000;
	s22 =	sand.u32 $0x1FFFFE00, s22  }
0x37: {  	s25 =	simm.s32 @!p0 $0x100;
	s26 =	rddreg [dreg:$0x3];
	[sflag:s12] =	ssyncset.done $0x0  }
0x38: {  	s22 =	sadd.s32 s4, s22;
	s28 =	sadd.s32 s6, s25;
	[sflag:s12] =	ssyncadd.s32 $0xFFFFF000  }
0x39: {  	[hbm4b:s22+s2] =	stream.linear.scatter [tilespmem:s26], [sflag:$0x6], $0x1000, $0x38;
	[tilespmem:$0x5E00] =	vst v63  }
0x3a: {  	s22 =	sshll.u32 s28, $0x2;
	_ =	swait.ge [sflag:s13], $0x1000  }
0x3b: {  	s22 =	sand.u32 $0x1FFFFE00, s22;
	[sflag:s13] =	ssyncset.done $0x0  }
0x3c: {  	s29 =	rddreg [dreg:$0x4];
	s22 =	sadd.s32 s4, s22;
	[sflag:s13] =	ssyncadd.s32 $0xFFFFF000  }
0x3d: {  	[hbm4b:s22+s2] =	stream.linear.scatter [tilespmem:s29], [sflag:$0x7], $0x1000, $0x38;
	[tilespmem:$0x5E00] =	vst v63  }
0x3e: {  	_ =	swait.ge [sflag:s14], $0x1000  }
0x3f: {  	s21 =	sadd.s32 $0x200, s21;
	s31 =	rddreg [dreg:$0x5]  }
0x40: {  	p0 =	sne.s32 s31, s21  }
.Ltmp0:
0x41: {  	s30 =	sadd.s32 s6, s23;
	(pc) =	sbr.rel @p0 .LBB2_2-.Ltmp0, $4  }
0x42: {  	s22 =	sshll.u32 s30, $0x2  }
0x43: {  	s22 =	sand.u32 $0x1FFFFE00, s22;
	[sflag:s14] =	ssyncset.done $0x0  }
0x44: {  	s20 =	sadd.s32 $0x200, s20;
	s22 =	sadd.s32 s4, s22;
	[sflag:s14] =	ssyncadd.s32 $0xFFFFF000  }
0x45: {  	[hbm4b:s22+s2] =	stream.linear.scatter [tilespmem:s10], [sflag:$0x8], $0x1000, $0x38;
	[tilespmem:$0x5E00] =	vst v63  }
0x46: {  	_ =	swait.ge [sflag:s15], $0x1000  }
0x47: {  	[sflag:s15] =	ssyncset.done $0x0  }
0x48: {  	[sflag:s15] =	ssyncadd.s32 $0xFFFFF000  }
0x49: {  	_ =	swait.ge [sflag:s16], $0x1000  }
0x4a: {  	[sflag:s16] =	ssyncset.done $0x0  }
0x4b: {  	s19 =	sadd.s32 $0x1, s19;
	[sflag:s16] =	ssyncadd.s32 $0xFFFFF000  }
0x4c: {  	p0 =	sne.s32 s19, s8;
	_ =	swait.ge [sflag:s17], $0x1000  }
.Ltmp1:
0x4d: {  	[sflag:s17] =	ssyncset.done $0x0;
	(pc) =	sbr.rel @p0 .LBB2_1-.Ltmp1, $4  }
0x4e: {  	[sflag:s17] =	ssyncadd.s32 $0xFFFFF000  }
0x4f: {  	_ =	swait.ge [sflag:s18], $0x1000  }
0x50: {  	[sflag:s18] =	ssyncset.done $0x0  }
0x51: {  	[sflag:s18] =	ssyncadd.s32 $0xFFFFF000  }
0x52: {  	_ =	sfence.sel $0x180000  }
0x53: {  	[bflag:$0x0] =	sbarrier.arrive $0xFFFF  }
0x54: {  	p0 =	sne.s32 s0, $0x0;
	_ =	strace $0x9000004D  }
0x55: {  	s0 =	sadd.s32 @!p0 $0x100000, s1;
	[bflag:$0x2] =	sbarrier.arrive $0xFFFF  }
0x56: {  	[sflag:s0] =	ssyncadd.tile.s32 @!p0 $0x1;
	_ =	shalt  }
.Lfunc_end2:
_tile_overlayer_lowered:
.L_overlay_start_2:
0x57: {  	(tag) =	ssettag $0x2  }
0x58: {  	s0 =	rddreg [dreg:$0x0];
	s2 =	stileid.u32  }
0x59: {  	s1 =	rddreg [dreg:$0x1];
	p0 =	sne.s32 s2, $0x0  }
0x5a: {  	s3 =	rddreg [dreg:$0x2];
	[bflag:$0x3] =	sbarrier.arrive $0xFFFF;
	s2 =	simm.s32 @!p0 $0x1C09  }
0x5b: {  	[timem:s3], [sflag:s2] =	dma.local @!p0 [hbm:s0], s1  }
0x5c: {  	s0 =	simm.s32 @!p0 $0x9  }
0x5d: {  	_ =	swait.ge @!p0 [sflag:s0], s1  }
0x5e: {  	s1 =	ssub.s32 @!p0 $0x0, s1;
	[sflag:s0] =	ssyncset.done @!p0 $0x0  }
0x5f: {  	[sflag:s0] =	ssyncadd.s32 @!p0 s1  }
0x60: {  	[bflag:$0x3] =	sbarrier.arrive $0xFFFF  }
0x61: {  	_ =	shalt  }

// kernel: kernel.19.cloned.1.call-start
scs
__scs_entry_jumppad:
0x0: {  	(pc) =	sbr.rel $0x88, $3  }
0x1: {  	(tag) =	ssettag $0x0;
	lr =	simm.s32 $0x1  }
0x2: {  	[smem:$0x3F8E] =	sst lr;
	_ =	strace $0xD0000000  }
0x3: {  	_ = 	snop  }
0x4: {  	_ = 	snop  }
0x5: {  	_ = 	snop  }
0x6: {  	_ = 	snop  }
0x7: {  	_ = 	snop  }
__scs_overlays_trampoline_lowered:
0x8: {  	[smem:$0x3F9D] =	sst s0  }
0x9: {  	[smem:$0x3F9E] =	sst s1  }
0xa: {  	[smem:$0x3F9F] =	sst s2  }
0xb: {  	[smem:$0x3FA0] =	sst s3  }
0xc: {  	[smem:$0x3FA1] =	sst s4  }
0xd: {  	[smem:$0x3FA2] =	sst s5  }
0xe: {  	[smem:$0x3FA3] =	sst s6  }
0xf: {  	[smem:$0x3FA4] =	sst s7  }
0x10: {  	[smem:$0x3FA5] =	sst s8  }
0x11: {  	[smem:$0x3FA6] =	sst s9;
	s0 =	simm.s32 @!p0 $0x0  }
0x12: {  	s1 =	sld [smem:$0x3F8C];
	s0 =	simm.s32 @p0 $0x1  }
0x13: {  	[smem:$0x3FA7] =	sst s0;
	s0 =	simm.s32 @!p1 $0x0  }
0x14: {  	s2 =	sld [smem:$0x3F8B];
	s0 =	simm.s32 @p1 $0x1  }
0x15: {  	[smem:$0x3FA8] =	sst s0;
	s0 =	simm.s32 @!p2 $0x0  }
0x16: {  	s3 =	sld [smem:$0x3FDB];
	s0 =	simm.s32 @p2 $0x1  }
0x17: {  	s4 =	simm.s32 $0x1BF5;
	[smem:$0x3FAA] =	sst s0  }
0x18: {  	s0 =	sld [smem:$0x3F8D];
	_ =	swait.ge [sflag:s4], $0x0  }
0x19: {  	s7 =	sld [smem:$0x3F8E]  }
0x1a: {  	s8 =	sadd.s32 $0xFFFFE003, lr  }
0x1b: {  	s9 =	sadd.s32 $0xFFFFFEF7, lr;
	s5 =	simm.s32 $0xFFFFFFFF;
	p2 =	slt.u32 s8, $0xFFFFF086  }
0x1c: {  	p1 =	slt.u32 s9, $0xF7A;
	s5 =	simm.s32 @!p2 $0x0  }
0x1d: {  	s5 =	simm.s32 @p1 $0x1;
	p0 =	seq.s32 s7, s2  }
0x1e: {  	s7 =	smul.u32 @!p0 $0xF7A, s2;
	p2 =	seq.s32 @!p0 s5, $0x0  }
0x1f: {  	s9 =	smul.u32 $0xF7A, s1;
	s8 =	simm.s32 @!p0 $0x1BF5;
	p2 =	por !p2, p0  }
0x20: {  	[sflag:s8] =	ssyncset.s32 @!p0 $0xFFFFF086;
	s6 =	sadd.s32 @!p0 s3, s7;
	s7 =	simm.s32 @!p0 $0x108  }
0x21: {  	s3 =	sadd.s32 s3, s9;
	s6 =	sadd.s32 @!p0 $0x88, s6;
	s7 =	simm.s32 @p2 $0x1082  }
0x22: {  	[simem:s7], [sflag:s8] =	dma.local @!p0 [hbm:s6], $0xF7A  }
0x23: {  	s9 =	sor.u32 $0xD0000000, s2;
	s6 =	simm.s32 $0x108;
	_ =	swait.ge @!p0 [sflag:s8], $0x0  }
0x24: {  	s3 =	sadd.s32 $0x88, s3;
	s6 =	simm.s32 @!p1 $0x1082;
	[sflag:s4] =	ssyncset.s32 $0xFFFFF086  }
0x25: {  	[simem:s6], [sflag:s4] =	dma.local [hbm:s3], $0xF7A  }
0x26: {  	[smem:$0x3F8E] =	sst s1;
	(tag) =	ssettag s2;
	_ =	strace s9  }
0x27: {  	s1 =	sld [smem:$0x3F9E]  }
0x28: {  	s2 =	sld [smem:$0x3F9F]  }
0x29: {  	s4 =	sld [smem:$0x3FA1]  }
0x2a: {  	p0 =	seq.s32 s5, $0x0;
	s5 =	sld [smem:$0x3FA2]  }
0x2b: {  	s6 =	sld [smem:$0x3FA3]  }
0x2c: {  	s7 =	sld [smem:$0x3FA4]  }
0x2d: {  	s3 =	simm.s32 $0x108;
	s8 =	sld [smem:$0x3FA5]  }
0x2e: {  	s3 =	simm.s32 @!p0 $0x1082;
	s9 =	sld [smem:$0x3FA6]  }
0x2f: {  	lr =	sadd.s32 s0, s3;
	s0 =	sld [smem:$0x3F9D]  }
0x30: {  	s3 =	sld [smem:$0x3FA0]  }
0x31: {  	[smem:$0x3FA9] =	sst s10  }
0x32: {  	s10 =	sld [smem:$0x3FA7];
	_ =	sdelay $0x3  }
0x33: {  	p0 =	seq.s32 s10, $0x1;
	s10 =	sld [smem:$0x3FA9];
	_ =	sdelay $0x3  }
0x34: {  	[smem:$0x3FA9] =	sst s10  }
0x35: {  	s10 =	sld [smem:$0x3FA8];
	_ =	sdelay $0x3  }
0x36: {  	p1 =	seq.s32 s10, $0x1;
	s10 =	sld [smem:$0x3FA9];
	_ =	sdelay $0x3  }
0x37: {  	[smem:$0x3FA9] =	sst s10  }
0x38: {  	s10 =	sld [smem:$0x3FAA]  }
0x39: {  	_ = 	snop;
	(pc) =	sbr.ind lr, $3  }
0x3a: {  	_ = 	snop  }
0x3b: {  	_ = 	snop  }
0x3c: {  	p2 =	seq.s32 s10, $0x1;
	s10 =	sld [smem:$0x3FA9]  }
0x3d: {  	_ =	shalt  }
0x3e: {  	_ =	shalt  }
0x3f: {  	_ =	shalt  }
0x40: {  	_ =	shalt  }
0x41: {  	_ =	shalt  }
0x42: {  	_ =	shalt  }
0x43: {  	_ =	shalt  }
0x44: {  	_ =	shalt  }
0x45: {  	_ =	shalt  }
0x46: {  	_ =	shalt  }
0x47: {  	_ =	shalt  }
0x48: {  	_ =	shalt  }
0x49: {  	_ =	shalt  }
0x4a: {  	_ =	shalt  }
0x4b: {  	_ =	shalt  }
0x4c: {  	_ =	shalt  }
0x4d: {  	_ =	shalt  }
0x4e: {  	_ =	shalt  }
0x4f: {  	_ =	shalt  }
0x50: {  	_ =	shalt  }
0x51: {  	_ =	shalt  }
0x52: {  	_ =	shalt  }
0x53: {  	_ =	shalt  }
0x54: {  	_ =	shalt  }
0x55: {  	_ =	shalt  }
0x56: {  	_ =	shalt  }
0x57: {  	_ =	shalt  }
0x58: {  	_ =	shalt  }
0x59: {  	_ =	shalt  }
0x5a: {  	_ =	shalt  }
0x5b: {  	_ =	shalt  }
0x5c: {  	_ =	shalt  }
0x5d: {  	_ =	shalt  }
0x5e: {  	_ =	shalt  }
0x5f: {  	_ =	shalt  }
0x60: {  	_ =	shalt  }
0x61: {  	_ =	shalt  }
0x62: {  	_ =	shalt  }
0x63: {  	_ =	shalt  }
0x64: {  	_ =	shalt  }
0x65: {  	_ =	shalt  }
0x66: {  	_ =	shalt  }
0x67: {  	_ =	shalt  }
0x68: {  	_ =	shalt  }
0x69: {  	_ =	shalt  }
0x6a: {  	_ =	shalt  }
0x6b: {  	_ =	shalt  }
0x6c: {  	_ =	shalt  }
0x6d: {  	_ =	shalt  }
0x6e: {  	_ =	shalt  }
0x6f: {  	_ =	shalt  }
0x70: {  	_ =	shalt  }
0x71: {  	_ =	shalt  }
0x72: {  	_ =	shalt  }
0x73: {  	_ =	shalt  }
0x74: {  	_ =	shalt  }
0x75: {  	_ =	shalt  }
0x76: {  	_ =	shalt  }
0x77: {  	_ =	shalt  }
0x78: {  	_ =	shalt  }
0x79: {  	_ =	shalt  }
0x7a: {  	_ =	shalt  }
0x7b: {  	_ =	shalt  }
0x7c: {  	_ =	shalt  }
0x7d: {  	_ =	shalt  }
0x7e: {  	_ =	shalt  }
0x7f: {  	_ =	shalt  }
0x80: {  	_ =	shalt  }
0x81: {  	_ =	shalt  }
0x82: {  	_ =	shalt  }
0x83: {  	_ =	shalt  }
0x84: {  	_ =	shalt  }
0x85: {  	_ =	shalt  }
0x86: {  	_ =	shalt  }
0x87: {  	_ =	shalt  }
.Lfunc_end0:
.L_simem_size_0:
called_computation.3_lowered:
.L_overlay_start_0:
0x88: {  	s2 =	sld [smem:$0x3FD9]  }
0x89: {  	s3 =	sld [smem:$0x3FFE];
	_ =	sdelay $0x1  }
0x8a: {  	s1 =	srdreg.scid  }
0x8b: {  	s0 =	sand.u32 $0x1, s1  }
0x8c: {  	s16 =	sshll.u32 s0, $0xA;
	s2 =	sadd.s32 s3, s2  }
0x8d: {  	s2 =	sadd.s32 s2, s16  }
0x8e: {  	[smem:$0x3FB5] =	sst s2  }
0x8f: {  	_ = 	snop  }
0x90: {  	(tm) =	ssettm $0x1  }
0x91: {  	s17 =	sld [smem:$0x3FFB];
	_ =	sdelay $0x3  }
0x92: {  	_ =	strace s17  }
0x93: {  	s2 =	sld [smem:$0x3FFC];
	_ =	sdelay $0x3  }
0x94: {  	_ =	strace s2  }
0x95: {  	s2 =	sld [smem:$0x3FFD];
	_ =	sdelay $0x3  }
0x96: {  	_ =	strace s2  }
0x97: {  	_ =	strace $0x8FFFFFFF  }
0x98: {  	s18 =	sld [smem:$0x3FDB];
	_ =	sdelay $0x1  }
0x99: {  	s19 =	simm.s32 $_scs_section_size  }
0x9a: {  	s4 =	simm.s32 $_size__tile_overlayer_lowered;
	s5 =	simm.s32 $_tile_overlayer_lowered  }
0x9b: {  	s22 =	simm.s32 $0x1BFF;
	s21 =	sshll.u32 s5, $0x1;
	s2 =	sadd.s32 s19, s18  }
0x9c: {  	s6 =	simm.s32 $0x0;
	s20 =	sshll.u32 s4, $0x1;
	s4 =	sadd.s32 s21, s2  }
0x9d: {  	[timem:s6], [sflag:s22] =	dma.local [hbm:s4], s20  }
0x9e: {  	_ =	swait.ge [sflag:s22], s20  }
0x9f: {  	s3 =	ssub.s32 $0x0, s20;
	[sflag:s22] =	ssyncset.done $0x0  }
0xa0: {  	[sflag:s22] =	ssyncadd.s32 s3;
	_ =	sdelay $0x1  }
0xa1: {  	s23 =	simm.s32 $0x1B8B  }
0xa2: {  	_ =	swait.ge [sflag:s23], $0x1  }
0xa3: {  	[sflag:s23] =	ssyncset.done $0x0  }
0xa4: {  	s25 =	simm.s32 $0x1B8E;
	s24 =	sld [smem:$0x3FFE];
	[sflag:s23] =	ssyncadd.s32 $0xFFFFFFFF  }
0xa5: {  	s26 =	simm.s32 $execute0_lowered;
	[smem:$0x3FD2] =	sst s25  }
0xa6: {  	s4 =	sshll.u32 s26, $0x1;
	_ =	strace $0x8000004F;
	[dreg:$0x1] =	wrdreg $0xFFFFFFFF  }
0xa7: {  	s28 =	simm.s32 $_size_execute0_lowered;
	s2 =	sadd.s32 s2, s4;
	[dreg:$0x0] =	wrdreg $0x0  }
0xa8: {  	s4 =	sshll.u32 s28, $0x1;
	[dreg:$0x2] =	wrdreg s2  }
0xa9: {  	[dreg:$0x3] =	wrdreg s4  }
0xaa: {  	[dreg:$0x4] =	wrdreg $0xC0  }
0xab: {  	_ =	task [dreg:s6], $0x5FFFF  }
0xac: {  	[dreg:$0x1] =	wrdreg $0xFFFFFFFF  }
0xad: {  	[dreg:$0x0] =	wrdreg $0x60  }
0xae: {  	[dreg:$0x2] =	wrdreg s24  }
0xaf: {  	[dreg:$0x3] =	wrdreg $0x34000  }
0xb0: {  	[dreg:$0x4] =	wrdreg $0x9  }
0xb1: {  	_ =	task.clear_ibuf [dreg:s6], $0x5FFFF;
	_ =	strace $0x9000004F  }
0xb2: {  	s29 =	simm.s32 $0x9;
	_ =	strace $0x80000051  }
0xb3: {  	_ =	swait.ge [sflag:s29], $0x1  }
0xb4: {  	[sflag:s29] =	ssyncadd.s32 $0xFFFFFFFF  }
0xb5: {  	_ =	strace $0x90000051  }
0xb6: {  	_ =	sfence  }
0xb7: {  	s30 =	sld [smem:$0x0];
	_ =	sdelay $0x2  }
0xb8: {  	s31 =	sshll.u32 s1, $0xD;
	s1 =	sshrl.u32 s1, $0x2  }
0xb9: {  	s3 =	sand.u32 $0x4000, s31;
	s1 =	sadd.s32 s1, s30  }
0xba: {  	s0 =	sor.u32 s3, s0;
	s1 =	sshll.u32 s1, $0x11  }
0xbb: {  	s0 =	sor.u32 s1, s0  }
0xbc: {  	s0 =	sadd.s32 $0x8F2B, s0  }
0xbd: {  	[sflag:s0] =	ssyncadd.remote.s32 $0x1  }
0xbe: {  	_ =	sfence.sel $0xFFFF  }
0xbf: {  	[dreg:$0x0] =	wrdreg $0xFFFFFFFF;
	(pc) =	sbr.abs _section_cstart, $3  }
0xc0: {  	[dreg:$0x1] =	wrdreg $0xFFFFFFFF  }
0xc1: {  	_ =	task.clear_ibuf [dreg:s6], $0x2FFFF;
	_ =	strace $0x9FFFFFFF  }
0xc2: {  	(tm) =	ssettm $0x7FFFFFFF  }
0xc3: {  	_ =	shalt  }
tec
execute0_lowered:
.L_overlay_start_1:
0x0: {  	(tag) =	ssettag $0x1  }
0x1: {  	s0 =	srdreg.scid;
	s1 =	rddreg [dreg:$0x0]  }
0x2: {  	s11 =	stileid.u32;
	s2 =	rddreg [dreg:$0x1]  }
0x3: {  	s18 =	simm.s32 $0x5;
	s19 =	simm.s32 $0x1400;
	s21 =	simm.s32 $0x2400  }
0x4: {  	s28 =	simm.s32 $0x0;
	s0 =	sand.u32 $0x1, s0;
	s9 =	smul.u32 $0x2800, s11  }
0x5: {  	s3 =	sshll.u32 s11, $0x1;
	s6 =	smul.u32 $0x500, s11;
	s13 =	sadd.s32 $0x500800, s1  }
0x6: {  	s25 =	sshll.u32 s11, $0x6;
	s4 =	sor.u32 s0, s3;
	s7 =	smul.u32 $0x5000, s0  }
0x7: {  	s3 =	simm.s32 $0x0;
	s10 =	ssub.s32 $0x2, s0;
	s0 =	smul.u32 $0x1400, s0  }
0x8: {  	s5 =	smul.u32 $0x280, s4;
	[smem:$0x7FF] =	sst s3;
	s22 =	sshrl.u32 s9, $0x3  }
0x9: {  	s23 =	sshrl.u32 s10, $0x1;
	s24 =	smul.u32 $0x2800, s4;
	s17 =	sadd.s32 s9, s2  }
0xa: {  	_ =	strace $0x80000050;
	s6 =	sadd.s32 s6, s7;
	s12 =	ssub.s32 s10, s23  }
0xb: {  	s0 =	sadd.s32 s0, s9;
	s17 =	sshrl.u32 s17, $0x3;
	s23 =	simm.s32 $0x1  }
0xc: {  	s8 =	sadd.s32 s5, s1;
	s5 =	sadd.s32 s22, s1;
	s1 =	sadd.s32 s6, s1  }
0xd: {  	s6 =	sadd.s32 s13, s24;
	s0 =	sshll.u32 s0, $0x1;
	s12 =	smax.u32 s12, $0x1  }
0xe: {  	s22 =	simm.s32 $0x2C00;
	s24 =	simm.s32 $0x80;
	s26 =	sadd.s32 $0x5400, s5  }
0xf: {  	s5 =	sor.u32 $0x1C05, s25;
	s29 =	sadd.s32 $0x4FB800, s8;
	s30 =	sadd.s32 $0x100, s6  }
.Ltmp0:
0x10: {  	s31 =	sadd.s32 $0x200, s6;
	[dreg:$0x3] =	wrdreg s26;
	(pc) =	sbr.rel .LBB2_1-.Ltmp0, $4  }
0x11: {  	s10 =	sadd.s32 $0x300, s6;
	s11 =	sadd.s32 $0x31A00, s1;
	[dreg:$0x4] =	wrdreg s29  }
0x12: {  	s0 =	sadd.s32 s0, s13;
	s25 =	simm.s32 $0x3;
	[dreg:$0x5] =	wrdreg s30  }
0x13: {  	[dreg:$0x6] =	wrdreg s31;
	s1 =	sadd.s32 $0x700, s0;
	s14 =	sadd.s32 $0x600, s0  }
0x14: {  	s15 =	sadd.s32 $0x500, s0;
	s16 =	sadd.s32 $0x400, s0;
	s26 =	simm.s32 $0x4  }
.LBB2_4:
0x15: {  	_ =	swait.ge [sflag:s26], $0x800  }
0x16: {  	[sflag:s26] =	ssyncset.done $0x0  }
0x17: {  	[sflag:s26] =	ssyncadd.s32 $0xFFFFF800  }
0x18: {  	[spmem:s2] =	stream.indirect.scatter.add.f32 [tilespmem:s22], [sflag:$0x5], $0x10, s20, s24, $0xb8;
	[tilespmem:$0x5C00] =	vst v63  }
0x19: {  	_ =	swait.ge [sflag:s18], $0x800  }
0x1a: {  	s28 =	sadd.s32 $0x1, s28;
	[sflag:s18] =	ssyncset.done $0x0  }
0x1b: {  	p0 =	sne.s32 s28, s12;
	[sflag:s18] =	ssyncadd.s32 $0xFFFFF800  }
.Ltmp1:
0x1c: {  	[bflag:$0x0] =	sbarrier.arrive $0xFFFF;
	(pc) =	sbr.rel @!p0 .LBB2_5-.Ltmp1, $4  }
0x1d: {  	[hbm:s11], [sflag:s5] =	dma.local [spmem:s17], $0x500  }
0x1e: {  	_ =	swait.ge [sflag:s18], $0x500  }
0x1f: {  	[sflag:s18] =	ssyncset.done $0x0  }
0x20: {  	[sflag:s18] =	ssyncadd.s32 $0xFFFFFB00  }
.LBB2_1:
0x21: {  	s0 =	rddreg [dreg:$0x3]  }
0x22: {  	[spmem:s17], [sflag:s5] =	dma.local [hbm:s0], $0x500  }
0x23: {  	_ =	swait.ge [sflag:s18], $0x500  }
0x24: {  	[sflag:s18] =	ssyncset.done $0x0  }
0x25: {  	s9 =	rddreg [dreg:$0x4];
	[sflag:s18] =	ssyncadd.s32 $0xFFFFFB00  }
0x26: {  	[tilespmem:s3], [sflag:$0x5] =	stream.linear.gather [hbm4b:s9+s3], $0x1400, $0x38;
	[tilespmem:$0x5C00] =	vst v63  }
0x27: {  	_ =	swait.ge [sflag:s18], $0x1400  }
0x28: {  	[sflag:s18] =	ssyncset.done $0x0  }
0x29: {  	[sflag:s18] =	ssyncadd.s32 $0xFFFFEC00  }
0x2a: {  	[bflag:$0x0] =	sbarrier.arrive $0xFFFF  }
0x2b: {  	[tilespmem:s19], [sflag:$0x1] =	stream.linear.gather [hbm4b:s6+s3], $0x800, $0x38;
	[tilespmem:$0x5C00] =	vst v63  }
0x2c: {  	s4 =	simm.s32 $0x1C00;
	s13 =	rddreg [dreg:$0x5]  }
0x2d: {  	[tilespmem:s4], [sflag:$0x2] =	stream.linear.gather [hbm4b:s13+s3], $0x800, $0x38;
	[tilespmem:$0x5C00] =	vst v63  }
0x2e: {  	s29 =	smov.u32 s16;
	s30 =	smov.u32 s15;
	s20 =	rddreg [dreg:$0x6]  }
0x2f: {  	[tilespmem:s21], [sflag:$0x3] =	stream.linear.gather [hbm4b:s20+s3], $0x800, $0x38;
	[tilespmem:$0x5C00] =	vst v63  }
0x30: {  	s31 =	smov.u32 s14;
	s0 =	simm.s32 $0x0;
	s13 =	smov.u32 s1  }
0x31: {  	[tilespmem:s22], [sflag:$0x4] =	stream.linear.gather [hbm4b:s10+s3], $0x800, $0x38;
	[tilespmem:$0x5C00] =	vst v63  }
.LBB2_2:
0x32: {  	_ =	swait.ge [sflag:s23], $0x800  }
0x33: {  	[sflag:s23] =	ssyncset.done $0x0  }
0x34: {  	s20 =	sshra.s32 s0, $0x2;
	[sflag:s23] =	ssyncadd.s32 $0xFFFFF800  }
0x35: {  	[spmem:s2] =	stream.indirect.scatter.add.f32 [tilespmem:s19], [sflag:$0x5], $0x10, s20, s24, $0xb8;
	[tilespmem:$0x5C00] =	vst v63  }
0x36: {  	_ =	swait.ge [sflag:s18], $0x800  }
0x37: {  	p0 =	seq.s32 s0, $0x4800;
	[sflag:s18] =	ssyncset.done $0x0  }
0x38: {  	s4 =	simm.s32 @p0 $0x2;
	[sflag:s18] =	ssyncadd.s32 $0xFFFFF800  }
0x39: {  	_ =	swait.ge @p0 [sflag:s4], $0x800  }
0x3a: {  	[sflag:s4] =	ssyncset.done @p0 $0x0  }
0x3b: {  	[sflag:s4] =	ssyncadd.s32 @p0 $0xFFFFF800;
	s4 =	sshra.s32 @p0 s0, $0x2  }
0x3c: {  	s7 =	simm.s32 @p0 $0x80;
	s8 =	simm.s32 @p0 $0x1C00;
	s4 =	sadd.s32 @p0 $0x80, s4  }
0x3d: {  	[spmem:s2] =	stream.indirect.scatter.add.f32 @p0 [tilespmem:s8], [sflag:$0x5], $0x10, s4, s7, $0xb8;
	[tilespmem:$0x5C00] =	vst v63  }
0x3e: {  	s4 =	simm.s32 @p0 $0x5  }
0x3f: {  	_ =	swait.ge @p0 [sflag:s4], $0x800  }
0x40: {  	[sflag:s4] =	ssyncset.done @p0 $0x0  }
0x41: {  	s7 =	simm.s32 @!p0 $0x1400;
	[sflag:s4] =	ssyncadd.s32 @p0 $0xFFFFF800;
	s4 =	simm.s32 @!p0 $0x0  }
0x42: {  	[tilespmem:s7], [sflag:$0x1] =	stream.linear.gather @!p0 [hbm4b:s29+s4], $0x800, $0x38;
	[tilespmem:$0x5C00] =	vst v63  }
0x43: {  	s7 =	simm.s32 @!p0 $0x2  }
0x44: {  	_ =	swait.ge @!p0 [sflag:s7], $0x800  }
0x45: {  	[sflag:s7] =	ssyncset.done @!p0 $0x0  }
0x46: {  	[sflag:s7] =	ssyncadd.s32 @!p0 $0xFFFFF800;
	s7 =	sshra.s32 @!p0 s0, $0x2  }
0x47: {  	s9 =	simm.s32 @!p0 $0x1C00;
	s8 =	simm.s32 @!p0 $0x80;
	s7 =	sadd.s32 @!p0 $0x80, s7  }
0x48: {  	[spmem:s2] =	stream.indirect.scatter.add.f32 @!p0 [tilespmem:s9], [sflag:$0x5], $0x10, s7, s8, $0xb8;
	[tilespmem:$0x5C00] =	vst v63  }
0x49: {  	s7 =	simm.s32 @!p0 $0x5  }
0x4a: {  	_ =	swait.ge @!p0 [sflag:s7], $0x800  }
0x4b: {  	[sflag:s7] =	ssyncset.done @!p0 $0x0  }
0x4c: {  	[sflag:s7] =	ssyncadd.s32 @!p0 $0xFFFFF800  }
0x4d: {  	[tilespmem:s9], [sflag:$0x2] =	stream.linear.gather @!p0 [hbm4b:s30+s4], $0x800, $0x38;
	[tilespmem:$0x5C00] =	vst v63  }
0x4e: {  	_ =	swait.ge [sflag:s25], $0x800  }
0x4f: {  	[sflag:s25] =	ssyncset.done $0x0  }
.Ltmp2:
0x50: {  	s9 =	sadd.s32 $0x100, s20;
	[sflag:s25] =	ssyncadd.s32 $0xFFFFF800;
	(pc) =	sbr.rel @p0 .LBB2_4-.Ltmp2, $4  }
0x51: {  	[spmem:s2] =	stream.indirect.scatter.add.f32 [tilespmem:s21], [sflag:$0x5], $0x10, s9, s24, $0xb8;
	[tilespmem:$0x5C00] =	vst v63  }
0x52: {  	_ =	swait.ge [sflag:s18], $0x800  }
0x53: {  	[sflag:s18] =	ssyncset.done $0x0  }
0x54: {  	s20 =	sadd.s32 $0x180, s20;
	[sflag:s18] =	ssyncadd.s32 $0xFFFFF800  }
0x55: {  	[tilespmem:s21], [sflag:$0x3] =	stream.linear.gather [hbm4b:s31+s3], $0x800, $0x38;
	[tilespmem:$0x5C00] =	vst v63  }
0x56: {  	_ =	swait.ge [sflag:s26], $0x800  }
0x57: {  	[sflag:s26] =	ssyncset.done $0x0  }
0x58: {  	[sflag:s26] =	ssyncadd.s32 $0xFFFFF800  }
0x59: {  	[spmem:s2] =	stream.indirect.scatter.add.f32 [tilespmem:s22], [sflag:$0x5], $0x10, s20, s24, $0xb8;
	[tilespmem:$0x5C00] =	vst v63  }
.Ltmp3:
0x5a: {  	_ =	swait.ge [sflag:s18], $0x800;
	(pc) =	sbr.rel .LBB2_2-.Ltmp3, $4  }
0x5b: {  	[sflag:s18] =	ssyncset.done $0x0  }
0x5c: {  	s0 =	sadd.s32 $0x800, s0;
	s31 =	sadd.s32 $0x400, s31;
	[sflag:s18] =	ssyncadd.s32 $0xFFFFF800  }
0x5d: {  	[tilespmem:s22], [sflag:$0x4] =	stream.linear.gather [hbm4b:s13+s3], $0x800, $0x38;
	[tilespmem:$0x5C00] =	vst v63  }
0x5e: {  	s30 =	sadd.s32 $0x400, s30;
	s29 =	sadd.s32 $0x400, s29;
	s13 =	sadd.s32 $0x400, s13  }
.LBB2_5:
0x5f: {  	_ =	sfence.sel $0x180000  }
0x60: {  	[bflag:$0x0] =	sbarrier.arrive $0xFFFF  }
0x61: {  	_ =	strace $0x90000050  }
0x62: {  	s0 =	stileid.u32;
	[bflag:$0x2] =	sbarrier.arrive $0xFFFF  }
0x63: {  	p0 =	sne.s32 s0, $0x0;
	s0 =	rddreg [dreg:$0x2]  }
0x64: {  	s0 =	sadd.s32 @!p0 $0x100000, s0  }
0x65: {  	[sflag:s0] =	ssyncadd.tile.s32 @!p0 $0x1;
	_ =	shalt  }
.Lfunc_end2:
_tile_overlayer_lowered:
.L_overlay_start_2:
0x66: {  	(tag) =	ssettag $0x2  }
0x67: {  	s0 =	rddreg [dreg:$0x0];
	s2 =	stileid.u32  }
0x68: {  	s1 =	rddreg [dreg:$0x1];
	p0 =	sne.s32 s2, $0x0  }
0x69: {  	s3 =	rddreg [dreg:$0x2];
	[bflag:$0x3] =	sbarrier.arrive $0xFFFF;
	s2 =	simm.s32 @!p0 $0x1C05  }
0x6a: {  	[timem:s3], [sflag:s2] =	dma.local @!p0 [hbm:s0], s1  }
0x6b: {  	s0 =	simm.s32 @!p0 $0x5  }
0x6c: {  	_ =	swait.ge @!p0 [sflag:s0], s1  }
0x6d: {  	s1 =	ssub.s32 @!p0 $0x0, s1;
	[sflag:s0] =	ssyncset.done @!p0 $0x0  }
0x6e: {  	[sflag:s0] =	ssyncadd.s32 @!p0 s1  }
0x6f: {  	[bflag:$0x3] =	sbarrier.arrive $0xFFFF  }
0x70: {  	_ =	shalt  }

</sc_bundles>
